<compile_context>
chip_gen: v7x
topology: tpu7x:2x2x1
jax: 0.10.2.dev20260603
libtpu: 0.0.44.dev20260713+nightly
codegen_flags: <defaults>
</compile_context>

<pallas_src>
import functools

import jax
import jax.numpy as jnp
from jax import lax
from jax.experimental import pallas as pl
from jax.experimental.pallas import tpu as pltpu
from jax.experimental.pallas import tpu_sc as plsc

_NSUB = 16
_NSC = 2
_LANES = 16



def _pre_body(x_ref, w_ref, b_ref, hb_ref, hr_ref):
    h = jnp.dot(x_ref[...], w_ref[...], preferred_element_type=jnp.float32)
    b = b_ref[...]
    hb_ref[...] = h + 0.5 * b
    hr_ref[...] = jnp.maximum(h + b, 0.0)


def _pre(x, W, b, block):
    M, D = x.shape
    assert M % block == 0
    out = jax.ShapeDtypeStruct((M, D), jnp.float32)
    return pl.pallas_call(
        _pre_body,
        grid=(M // block,),
        in_specs=[
            pl.BlockSpec((block, D), lambda i: (i, 0)),
            pl.BlockSpec((D, D), lambda i: (0, 0)),
            pl.BlockSpec((1, D), lambda i: (0, 0)),
        ],
        out_specs=[
            pl.BlockSpec((block, D), lambda i: (i, 0)),
            pl.BlockSpec((block, D), lambda i: (i, 0)),
        ],
        out_shape=[out, out],
    )(x, W, b.reshape(1, D))


def _mlp_block(x, w1_ref, b1_ref, g_ref, beta_ref, w2_ref, b2_ref):
    h = jnp.dot(x, w1_ref[...], preferred_element_type=jnp.float32) + b1_ref[...]
    mu = jnp.mean(h, axis=-1, keepdims=True)
    var = jnp.mean((h - mu) * (h - mu), axis=-1, keepdims=True)
    h = (h - mu) * lax.rsqrt(var + 1e-5) * g_ref[...] + beta_ref[...]
    h = jnp.maximum(h, 0.0)
    return jnp.dot(h, w2_ref[...], preferred_element_type=jnp.float32) + b2_ref[...]


def _out1_body(e1_ref, g01_ref, tri_ref, w111_ref, b111_ref,
               w1_ref, b1_ref, g_ref, beta_ref, w2_ref, b2_ref, o_ref):
    e1 = e1_ref[...]
    x = (e1 + jnp.maximum(g01_ref[...], 0.0)
         + jnp.dot(tri_ref[...], w111_ref[...], preferred_element_type=jnp.float32)
         + b111_ref[...])
    o_ref[...] = _mlp_block(x, w1_ref, b1_ref, g_ref, beta_ref, w2_ref, b2_ref) + e1


def _out1(e1, g01, tri_agg, W111, b111, W1, b1, g, beta, W2, b2, block):
    M, D = e1.shape
    assert M % block == 0
    row = lambda i: (i, 0)
    fixed = lambda i: (0, 0)
    vec = pl.BlockSpec((1, D), fixed)
    mat = pl.BlockSpec((D, D), fixed)
    return pl.pallas_call(
        _out1_body,
        grid=(M // block,),
        in_specs=[
            pl.BlockSpec((block, D), row),
            pl.BlockSpec((block, D), row),
            pl.BlockSpec((block, D), row),
            mat, vec, mat, vec, vec, vec, mat, vec,
        ],
        out_specs=pl.BlockSpec((block, D), row),
        out_shape=jax.ShapeDtypeStruct((M, D), jnp.float32),
    )(e1, g01, tri_agg, W111, b111.reshape(1, D), W1, b1.reshape(1, D),
      g.reshape(1, D), beta.reshape(1, D), W2, b2.reshape(1, D))


def _out0_body(e0_ref, p0_ref, p1_ref,
               w1_ref, b1_ref, g_ref, beta_ref, w2_ref, b2_ref, o_ref):
    e0 = e0_ref[...]
    x = e0 + p0_ref[...] + p1_ref[...]
    o_ref[...] = _mlp_block(x, w1_ref, b1_ref, g_ref, beta_ref, w2_ref, b2_ref) + e0


def _out0(e0, p0, p1, W1, b1, g, beta, W2, b2, block):
    M, D = e0.shape
    assert M % block == 0
    row = lambda i: (i, 0)
    fixed = lambda i: (0, 0)
    vec = pl.BlockSpec((1, D), fixed)
    mat = pl.BlockSpec((D, D), fixed)
    return pl.pallas_call(
        _out0_body,
        grid=(M // block,),
        in_specs=[
            pl.BlockSpec((block, D), row),
            pl.BlockSpec((block, D), row),
            pl.BlockSpec((block, D), row),
            mat, vec, vec, vec, mat, vec,
        ],
        out_specs=pl.BlockSpec((block, D), row),
        out_shape=jax.ShapeDtypeStruct((M, D), jnp.float32),
    )(e0, p0, p1, W1, b1.reshape(1, D), g.reshape(1, D), beta.reshape(1, D),
      W2, b2.reshape(1, D))



_ER = 80
_CW = 80


def _sc_edges(hb0, hr1, src, dst, zeros):
    N, D = hb0.shape
    E = src.shape[0]
    ntiles = _NSC * _NSUB
    epert = E // ntiles
    assert epert * ntiles == E and epert % _ER == 0
    nblk = epert // _ER
    assert N % _CW == 0
    nchunk = N // _CW
    jmax = -(-nchunk // _NSUB)

    mesh = plsc.VectorSubcoreMesh(core_axis_name="c", subcore_axis_name="s")

    @functools.partial(
        pl.kernel,
        out_type=[
            jax.ShapeDtypeStruct((E, D), jnp.float32),
            jax.ShapeDtypeStruct((_NSC * N, D), jnp.float32),
        ],
        mesh=mesh,
        scratch_types=[
            pltpu.VMEM((1, _ER), jnp.int32),
            pltpu.VMEM((1, _ER), jnp.int32),
            pltpu.VMEM((_ER, D), jnp.float32),
            pltpu.VMEM((_ER, D), jnp.float32),
            pltpu.VMEM((_ER, D), jnp.float32),
            pltpu.VMEM((_CW, D), jnp.float32),
            pltpu.VMEM_SHARED((N, D), jnp.float32),
        ],
    )
    def k(hb0_hbm, hr1_hbm, src_hbm, dst_hbm, z_hbm, g01_hbm, p_hbm,
          idx_s, idx_d, rows_s, rows_d, rows_h, bounce, acc):
        core = lax.axis_index("c")
        sub = lax.axis_index("s")
        wid = core * _NSUB + sub

        pltpu.sync_copy(z_hbm, bounce)
        for j in range(jmax):
            ch = sub + j * _NSUB

            @pl.when(ch < nchunk)
            def _():
                pltpu.sync_copy(bounce, acc.at[pl.ds(ch * _CW, _CW)])

        plsc.subcore_barrier()

        @pl.loop(0, nblk)
        def _blk(i):
            b0 = wid * epert + i * _ER
            pltpu.sync_copy(src_hbm.at[pl.ds(b0, _ER)], idx_s.at[0])
            pltpu.sync_copy(dst_hbm.at[pl.ds(b0, _ER)], idx_d.at[0])
            pltpu.sync_copy(hb0_hbm.at[idx_s.at[0]], rows_s)
            pltpu.sync_copy(hb0_hbm.at[idx_d.at[0]], rows_d)

            @pl.loop(0, _ER)
            def _r(r):
                for cc in range(D // _LANES):
                    sl = pl.ds(cc * _LANES, _LANES)
                    rows_s[r, sl] = rows_s[r, sl] + rows_d[r, sl]

            pltpu.sync_copy(rows_s, g01_hbm.at[pl.ds(b0, _ER)])
            pltpu.sync_copy(hr1_hbm.at[pl.ds(b0, _ER)], rows_h)
            pltpu.sync_copy(rows_h, acc.at[idx_s.at[0]], add=True)

        plsc.subcore_barrier()
        for j in range(jmax):
            ch = sub + j * _NSUB

            @pl.when(ch < nchunk)
            def _():
                r0 = ch * _CW
                pltpu.sync_copy(acc.at[pl.ds(r0, _CW)], bounce)
                pltpu.sync_copy(bounce, p_hbm.at[pl.ds(core * N + r0, _CW)])

    return k(hb0, hr1, src, dst, zeros)



_CH = 10000
_K = 80


def _sc_tri(hb1, t0, t1, t2, zeros):
    E, D = hb1.shape
    T = t0.shape[0]
    npass = E // (_NSC * _CH)
    assert npass * _NSC * _CH == E
    tpert = T // _NSUB
    assert tpert * _NSUB == T and tpert % _K == 0
    nblk = tpert // _K
    assert _CH % _CW == 0
    nchunk = _CH // _CW
    jmax = -(-nchunk // _NSUB)

    mesh = plsc.VectorSubcoreMesh(core_axis_name="c", subcore_axis_name="s")

    @functools.partial(
        pl.kernel,
        out_type=jax.ShapeDtypeStruct((E, D), jnp.float32),
        mesh=mesh,
        scratch_types=[
            pltpu.VMEM((1, _K), jnp.int32),
            pltpu.VMEM((1, _K), jnp.int32),
            pltpu.VMEM((1, _K), jnp.int32),
            pltpu.VMEM((_K, D), jnp.float32),
            pltpu.VMEM((_K, D), jnp.float32),
            pltpu.VMEM((_CW, D), jnp.float32),
            pltpu.VMEM_SHARED((_CH + 8, D), jnp.float32),
        ],
    )
    def k(hb_hbm, t0_hbm, t1_hbm, t2_hbm, z_hbm, out_hbm,
          bid, bia, bib, rows_a, rows_b, bounce, acc):
        core = lax.axis_index("c")
        sub = lax.axis_index("s")

        @pl.loop(0, npass)
        def _pass(p):
            lo = (_NSC * p + core) * _CH

            pltpu.sync_copy(z_hbm, bounce)
            for j in range(jmax):
                ch = sub + j * _NSUB

                @pl.when(ch < nchunk)
                def _():
                    pltpu.sync_copy(bounce, acc.at[pl.ds(ch * _CW, _CW)])
            plsc.subcore_barrier()

            @pl.loop(0, nblk)
            def _blk(i):
                tbase = sub * tpert + i * _K
                pltpu.sync_copy(t0_hbm.at[pl.ds(tbase, _K)], bid.at[0])
                pltpu.sync_copy(t1_hbm.at[pl.ds(tbase, _K)], bia.at[0])
                pltpu.sync_copy(t2_hbm.at[pl.ds(tbase, _K)], bib.at[0])
                pltpu.sync_copy(hb_hbm.at[bia.at[0]], rows_a)
                pltpu.sync_copy(hb_hbm.at[bib.at[0]], rows_b)

                @pl.loop(0, _K // _LANES)
                def _v(v):
                    sl = (pl.ds(0, 1), pl.ds(v * _LANES, _LANES))
                    local = bid[sl] - lo
                    m = (local >= 0) & (local < _CH)
                    bid[sl] = jnp.where(m, local, _CH)

                @pl.loop(0, _K)
                def _r(r):
                    for cc in range(D // _LANES):
                        sl = (pl.ds(r, 1), pl.ds(cc * _LANES, _LANES))
                        rows_a[sl] = jnp.maximum(rows_a[sl] + rows_b[sl], 0.0)

                pltpu.sync_copy(rows_a, acc.at[bid.at[0]], add=True)

            plsc.subcore_barrier()
            for j in range(jmax):
                ch = sub + j * _NSUB

                @pl.when(ch < nchunk)
                def _():
                    r0 = ch * _CW
                    pltpu.sync_copy(acc.at[pl.ds(r0, _CW)], bounce)
                    pltpu.sync_copy(bounce, out_hbm.at[pl.ds(lo + r0, _CW)])
            plsc.subcore_barrier()

    return k(hb1, t0, t1, t2, zeros)




def kernel(edge_attr0, edge_attr1, edge_index1, tri111, inverse_edge1,
           W_inner, b_inner, W_111, b_111,
           W1_0, b1_0, g_0, beta_0, W2_0, b2_0,
           W1_1, b1_1, g_1, beta_1, W2_1, b2_1):
    del inverse_edge1
    N, D = edge_attr0.shape
    E = edge_attr1.shape[0]

    src = edge_index1[0]
    dst = edge_index1[1]
    t0 = tri111[0]
    t1 = tri111[1]
    t2 = tri111[2]

    hb1, hr1 = _pre(edge_attr1, W_inner, b_inner, block=512)
    hb0, _ = _pre(edge_attr0, W_inner, b_inner, block=400)

    zeros = jnp.zeros((_CW, D), jnp.float32)

    g01, p = _sc_edges(hb0, hr1, src, dst, zeros)
    tri_agg = _sc_tri(hb1, t0, t1, t2, zeros)

    out1 = _out1(edge_attr1, g01, tri_agg, W_111, b_111,
                 W1_1, b1_1, g_1, beta_1, W2_1, b2_1, block=512)
    out0 = _out0(edge_attr0, p[:N], p[N:], W1_0, b1_0, g_0, beta_0,
                 W2_0, b2_0, block=400)
    return (out0, out1)

# --- scband reference (transcript-rebuilt; emitter-appended) ---
"""Pipeline reference for scband-dr2-fwl2-conv-simple-81372450390513 (READ-ONLY COPY).

The authoritative reference and input builder live on the scoring server;
editing this copy changes nothing except your own understanding.
"""

import jax, jax.numpy as jnp
import numpy as np

N = 10000
E = 320000
T = 640000
D = 128

def _ln(x, g, b):
    mu = jnp.mean(x, axis=-1, keepdims=True)
    var = jnp.var(x, axis=-1, keepdims=True)
    return (x - mu) / jnp.sqrt(var + 1e-5) * g + b

def _mlp(x, W1, b1, g, beta, W2, b2):
    h = x @ W1 + b1
    h = _ln(h, g, beta)
    h = jax.nn.relu(h)
    return h @ W2 + b2

def setup_inputs(seed: int = 0):
    key = jax.random.key(seed)
    ks = jax.random.split(key, 12)
    s = 1.0 / np.sqrt(D)
    inp = {}
    inp['edge_attr0'] = jax.random.normal(ks[0], (N, D), jnp.float32)
    inp['edge_attr1'] = jax.random.normal(ks[1], (E, D), jnp.float32)
    inp['edge_index1'] = jax.random.randint(ks[2], (2, E), 0, N)
    inp['tri111'] = jax.random.randint(ks[3], (3, T), 0, E)
    inp['inverse_edge1'] = jax.random.randint(ks[4], (E,), 0, E)
    inp['W_inner'] = jax.random.uniform(ks[5], (D, D), jnp.float32, -s, s)
    inp['b_inner'] = jnp.zeros((D,), jnp.float32)
    inp['W_111'] = jax.random.uniform(ks[6], (D, D), jnp.float32, -s, s)
    inp['b_111'] = jnp.zeros((D,), jnp.float32)
    inp['W1_0'] = jax.random.uniform(ks[7], (D, D), jnp.float32, -s, s)
    inp['b1_0'] = jnp.zeros((D,), jnp.float32)
    inp['g_0'] = jnp.ones((D,), jnp.float32)
    inp['beta_0'] = jnp.zeros((D,), jnp.float32)
    inp['W2_0'] = jax.random.uniform(ks[8], (D, D), jnp.float32, -s, s)
    inp['b2_0'] = jnp.zeros((D,), jnp.float32)
    inp['W1_1'] = jax.random.uniform(ks[9], (D, D), jnp.float32, -s, s)
    inp['b1_1'] = jnp.zeros((D,), jnp.float32)
    inp['g_1'] = jnp.ones((D,), jnp.float32)
    inp['beta_1'] = jnp.zeros((D,), jnp.float32)
    inp['W2_1'] = jax.random.uniform(ks[10], (D, D), jnp.float32, -s, s)
    inp['b2_1'] = jnp.zeros((D,), jnp.float32)
    return inp

def reference(edge_attr0, edge_attr1, edge_index1, tri111, inverse_edge1, W_inner, b_inner, W_111, b_111, W1_0, b1_0, g_0, beta_0, W2_0, b2_0, W1_1, b1_1, g_1, beta_1, W2_1, b2_1):
    eps = 0.0
    src = edge_index1[0]
    dst = edge_index1[1]
    inner = lambda x: jax.nn.relu(x @ W_inner + b_inner)
    # aggr (0, 1, 1): node <-> distance-1 edge exchange
    aggr1 = inner(edge_attr0[src] + edge_attr0[dst])
    aggr0 = jax.ops.segment_sum(inner(edge_attr1), src, num_segments=N)
    # aggr (1, 1, 1): triangle aggregation over distance-1 edges
    tri_msg = inner(edge_attr1[tri111[1]] + edge_attr1[tri111[2]])
    tri_agg = jax.ops.segment_sum(tri_msg, tri111[0], num_segments=E)
    aggr1 = aggr1 + (tri_agg @ W_111 + b_111)
    out0 = _mlp(edge_attr0 * (1.0 + eps) + aggr0, W1_0, b1_0, g_0, beta_0, W2_0, b2_0) + edge_attr0
    out1 = _mlp(edge_attr1 * (1.0 + eps) + aggr1, W1_1, b1_1, g_1, beta_1, W2_1, b2_1) + edge_attr1
    return (out0, out1)

if __name__ == "__main__":
    import jax
    _d = setup_inputs()
    print(jax.jit(kernel)(*tuple(_d.values())))

</pallas_src>

<mosaic_0001>
#map = affine_map<(d0, d1) -> (0, 0)>
#map1 = affine_map<(d0, d1) -> (0)>
module attributes {stable_mosaic.version = 14 : i64} {
  func.func @k(%arg0: i32, %arg1: i32, %arg2: memref<320000x128xf32, #tpu.memory_space<hbm>>, %arg3: memref<640000xi32, #tpu.memory_space<hbm>>, %arg4: memref<640000xi32, #tpu.memory_space<hbm>>, %arg5: memref<640000xi32, #tpu.memory_space<hbm>>, %arg6: memref<80x128xf32, #tpu.memory_space<hbm>>, %arg7: memref<320000x128xf32, #tpu.memory_space<hbm>>, %arg8: memref<1x80xi32, #tpu.memory_space<vmem>>, %arg9: memref<1x80xi32, #tpu.memory_space<vmem>>, %arg10: memref<1x80xi32, #tpu.memory_space<vmem>>, %arg11: memref<80x128xf32, #tpu.memory_space<vmem>>, %arg12: memref<80x128xf32, #tpu.memory_space<vmem>>, %arg13: memref<80x128xf32, #tpu.memory_space<vmem>>, %arg14: memref<10008x128xf32, #tpu.memory_space<vmem_shared>>) attributes {dimension_semantics = [#tpu.dimension_semantics<core_parallel>, #tpu.dimension_semantics<subcore_parallel>], iteration_bounds = array<i64: 2, 16>, scalar_prefetch = 0 : i64, scratch_operands = 7 : i64, tpu.core_type = #tpu.core_type<sc_vector_subcore>, window_params = [{transform_indices = #map}, {transform_indices = #map1}, {transform_indices = #map1}, {transform_indices = #map1}, {transform_indices = #map}, {transform_indices = #map}]} {
    %scan3A = arith.constant 0 : i32
    %scan3A_0 = arith.constant 16 : i32
    %scan3A_1 = arith.addi %scan3A, %scan3A_0 : i32
    %scan3A_2 = arith.constant 1 : i32
    scf.for %scan3A_4 = %scan3A to %scan3A_1 step %scan3A_2  : i32 {
      %mul3A = arith.constant 1 : i32
      %mul3A_5 = arith.muli %scan3A_4, %mul3A : i32
      %add3A = arith.constant 0 : i32
      %add3A_6 = arith.addi %add3A, %mul3A_5 : i32
      %mul3A_7 = arith.constant 2 : i32
      %mul3A_8 = arith.muli %mul3A_7, %add3A_6 : i32
      %add3A_9 = arith.addi %mul3A_8, %arg0 : i32
      %mul3A_10 = arith.constant 10000 : i32
      %mul3A_11 = arith.muli %add3A_9, %mul3A_10 : i32
      "tpu.region"() ({
        %run_scoped3A = tpu.sem_alloc : memref<!tpu.dma_semaphore, #tpu.memory_space<semaphore_mem>>
        tpu.enqueue_dma source(%arg6 : memref<80x128xf32, #tpu.memory_space<hbm>>) target(%arg13 : memref<80x128xf32, #tpu.memory_space<vmem>>) target_semaphore(%run_scoped3A : memref<!tpu.dma_semaphore, #tpu.memory_space<semaphore_mem>>)
        tpu.wait_dma2 semaphore(%run_scoped3A : memref<!tpu.dma_semaphore, #tpu.memory_space<semaphore_mem>>) src(%arg6 : memref<80x128xf32, #tpu.memory_space<hbm>>) dst(%arg13 : memref<80x128xf32, #tpu.memory_space<vmem>>)
        tpu.yield
      }) : () -> ()
      %add3A_12 = arith.constant 0 : i32
      %add3A_13 = arith.addi %arg1, %add3A_12 : i32
      %lt3A = arith.constant 125 : i32
      %lt3A_14 = arith.cmpi slt, %add3A_13, %lt3A : i32
      %convert_element_type3A = arith.extui %lt3A_14 : i1 to i32
      %cond3A = arith.constant 0 : i32
      %cond3A_15 = arith.cmpi ne, %convert_element_type3A, %cond3A : i32
      scf.if %cond3A_15 {
        %mul3A_128 = arith.constant 80 : i32
        %mul3A_129 = arith.muli %add3A_13, %mul3A_128 : i32
        "tpu.region"() ({
          %run_scoped3A = tpu.sem_alloc : memref<!tpu.dma_semaphore, #tpu.memory_space<semaphore_mem>>
          %dma_start3A = arith.constant 0 : i32
          %dma_start3A_130 = tpu.memref_slice %arg14[%mul3A_129, %dma_start3A] : memref<10008x128xf32, #tpu.memory_space<vmem_shared>> -> memref<80x128xf32, #tpu.memory_space<vmem_shared>>
          %dma_start3A_131 = arith.constant 0 : i32
          %dma_start3A_132 = tpu.memref_slice %arg14[%mul3A_129, %dma_start3A_131] : memref<10008x128xf32, #tpu.memory_space<vmem_shared>> -> memref<80x128xf32, #tpu.memory_space<vmem_shared>>
          tpu.enqueue_dma source(%arg13 : memref<80x128xf32, #tpu.memory_space<vmem>>) target(%dma_start3A_132 : memref<80x128xf32, #tpu.memory_space<vmem_shared>>) target_semaphore(%run_scoped3A : memref<!tpu.dma_semaphore, #tpu.memory_space<semaphore_mem>>)
          %dma_wait3A = arith.constant 0 : i32
          %dma_wait3A_133 = tpu.memref_slice %arg14[%mul3A_129, %dma_wait3A] : memref<10008x128xf32, #tpu.memory_space<vmem_shared>> -> memref<80x128xf32, #tpu.memory_space<vmem_shared>>
          %dma_wait3A_134 = arith.constant 0 : i32
          %dma_wait3A_135 = tpu.memref_slice %arg14[%mul3A_129, %dma_wait3A_134] : memref<10008x128xf32, #tpu.memory_space<vmem_shared>> -> memref<80x128xf32, #tpu.memory_space<vmem_shared>>
          tpu.wait_dma2 semaphore(%run_scoped3A : memref<!tpu.dma_semaphore, #tpu.memory_space<semaphore_mem>>) src(%arg13 : memref<80x128xf32, #tpu.memory_space<vmem>>) dst(%dma_wait3A_135 : memref<80x128xf32, #tpu.memory_space<vmem_shared>>)
          tpu.yield
        }) : () -> ()
      } else {
      }
      %add3A_16 = arith.constant 16 : i32
      %add3A_17 = arith.addi %arg1, %add3A_16 : i32
      %lt3A_18 = arith.constant 125 : i32
      %lt3A_19 = arith.cmpi slt, %add3A_17, %lt3A_18 : i32
      %convert_element_type3A_20 = arith.extui %lt3A_19 : i1 to i32
      %cond3A_21 = arith.constant 0 : i32
      %cond3A_22 = arith.cmpi ne, %convert_element_type3A_20, %cond3A_21 : i32
      scf.if %cond3A_22 {
        %mul3A_128 = arith.constant 80 : i32
        %mul3A_129 = arith.muli %add3A_17, %mul3A_128 : i32
        "tpu.region"() ({
          %run_scoped3A = tpu.sem_alloc : memref<!tpu.dma_semaphore, #tpu.memory_space<semaphore_mem>>
          %dma_start3A = arith.constant 0 : i32
          %dma_start3A_130 = tpu.memref_slice %arg14[%mul3A_129, %dma_start3A] : memref<10008x128xf32, #tpu.memory_space<vmem_shared>> -> memref<80x128xf32, #tpu.memory_space<vmem_shared>>
          %dma_start3A_131 = arith.constant 0 : i32
          %dma_start3A_132 = tpu.memref_slice %arg14[%mul3A_129, %dma_start3A_131] : memref<10008x128xf32, #tpu.memory_space<vmem_shared>> -> memref<80x128xf32, #tpu.memory_space<vmem_shared>>
          tpu.enqueue_dma source(%arg13 : memref<80x128xf32, #tpu.memory_space<vmem>>) target(%dma_start3A_132 : memref<80x128xf32, #tpu.memory_space<vmem_shared>>) target_semaphore(%run_scoped3A : memref<!tpu.dma_semaphore, #tpu.memory_space<semaphore_mem>>)
          %dma_wait3A = arith.constant 0 : i32
          %dma_wait3A_133 = tpu.memref_slice %arg14[%mul3A_129, %dma_wait3A] : memref<10008x128xf32, #tpu.memory_space<vmem_shared>> -> memref<80x128xf32, #tpu.memory_space<vmem_shared>>
          %dma_wait3A_134 = arith.constant 0 : i32
          %dma_wait3A_135 = tpu.memref_slice %arg14[%mul3A_129, %dma_wait3A_134] : memref<10008x128xf32, #tpu.memory_space<vmem_shared>> -> memref<80x128xf32, #tpu.memory_space<vmem_shared>>
          tpu.wait_dma2 semaphore(%run_scoped3A : memref<!tpu.dma_semaphore, #tpu.memory_space<semaphore_mem>>) src(%arg13 : memref<80x128xf32, #tpu.memory_space<vmem>>) dst(%dma_wait3A_135 : memref<80x128xf32, #tpu.memory_space<vmem_shared>>)
          tpu.yield
        }) : () -> ()
      } else {
      }
      %add3A_23 = arith.constant 32 : i32
      %add3A_24 = arith.addi %arg1, %add3A_23 : i32
      %lt3A_25 = arith.constant 125 : i32
      %lt3A_26 = arith.cmpi slt, %add3A_24, %lt3A_25 : i32
      %convert_element_type3A_27 = arith.extui %lt3A_26 : i1 to i32
      %cond3A_28 = arith.constant 0 : i32
      %cond3A_29 = arith.cmpi ne, %convert_element_type3A_27, %cond3A_28 : i32
      scf.if %cond3A_29 {
        %mul3A_128 = arith.constant 80 : i32
        %mul3A_129 = arith.muli %add3A_24, %mul3A_128 : i32
        "tpu.region"() ({
          %run_scoped3A = tpu.sem_alloc : memref<!tpu.dma_semaphore, #tpu.memory_space<semaphore_mem>>
          %dma_start3A = arith.constant 0 : i32
          %dma_start3A_130 = tpu.memref_slice %arg14[%mul3A_129, %dma_start3A] : memref<10008x128xf32, #tpu.memory_space<vmem_shared>> -> memref<80x128xf32, #tpu.memory_space<vmem_shared>>
          %dma_start3A_131 = arith.constant 0 : i32
          %dma_start3A_132 = tpu.memref_slice %arg14[%mul3A_129, %dma_start3A_131] : memref<10008x128xf32, #tpu.memory_space<vmem_shared>> -> memref<80x128xf32, #tpu.memory_space<vmem_shared>>
          tpu.enqueue_dma source(%arg13 : memref<80x128xf32, #tpu.memory_space<vmem>>) target(%dma_start3A_132 : memref<80x128xf32, #tpu.memory_space<vmem_shared>>) target_semaphore(%run_scoped3A : memref<!tpu.dma_semaphore, #tpu.memory_space<semaphore_mem>>)
          %dma_wait3A = arith.constant 0 : i32
          %dma_wait3A_133 = tpu.memref_slice %arg14[%mul3A_129, %dma_wait3A] : memref<10008x128xf32, #tpu.memory_space<vmem_shared>> -> memref<80x128xf32, #tpu.memory_space<vmem_shared>>
          %dma_wait3A_134 = arith.constant 0 : i32
          %dma_wait3A_135 = tpu.memref_slice %arg14[%mul3A_129, %dma_wait3A_134] : memref<10008x128xf32, #tpu.memory_space<vmem_shared>> -> memref<80x128xf32, #tpu.memory_space<vmem_shared>>
          tpu.wait_dma2 semaphore(%run_scoped3A : memref<!tpu.dma_semaphore, #tpu.memory_space<semaphore_mem>>) src(%arg13 : memref<80x128xf32, #tpu.memory_space<vmem>>) dst(%dma_wait3A_135 : memref<80x128xf32, #tpu.memory_space<vmem_shared>>)
          tpu.yield
        }) : () -> ()
      } else {
      }
      %add3A_30 = arith.constant 48 : i32
      %add3A_31 = arith.addi %arg1, %add3A_30 : i32
      %lt3A_32 = arith.constant 125 : i32
      %lt3A_33 = arith.cmpi slt, %add3A_31, %lt3A_32 : i32
      %convert_element_type3A_34 = arith.extui %lt3A_33 : i1 to i32
      %cond3A_35 = arith.constant 0 : i32
      %cond3A_36 = arith.cmpi ne, %convert_element_type3A_34, %cond3A_35 : i32
      scf.if %cond3A_36 {
        %mul3A_128 = arith.constant 80 : i32
        %mul3A_129 = arith.muli %add3A_31, %mul3A_128 : i32
        "tpu.region"() ({
          %run_scoped3A = tpu.sem_alloc : memref<!tpu.dma_semaphore, #tpu.memory_space<semaphore_mem>>
          %dma_start3A = arith.constant 0 : i32
          %dma_start3A_130 = tpu.memref_slice %arg14[%mul3A_129, %dma_start3A] : memref<10008x128xf32, #tpu.memory_space<vmem_shared>> -> memref<80x128xf32, #tpu.memory_space<vmem_shared>>
          %dma_start3A_131 = arith.constant 0 : i32
          %dma_start3A_132 = tpu.memref_slice %arg14[%mul3A_129, %dma_start3A_131] : memref<10008x128xf32, #tpu.memory_space<vmem_shared>> -> memref<80x128xf32, #tpu.memory_space<vmem_shared>>
          tpu.enqueue_dma source(%arg13 : memref<80x128xf32, #tpu.memory_space<vmem>>) target(%dma_start3A_132 : memref<80x128xf32, #tpu.memory_space<vmem_shared>>) target_semaphore(%run_scoped3A : memref<!tpu.dma_semaphore, #tpu.memory_space<semaphore_mem>>)
          %dma_wait3A = arith.constant 0 : i32
          %dma_wait3A_133 = tpu.memref_slice %arg14[%mul3A_129, %dma_wait3A] : memref<10008x128xf32, #tpu.memory_space<vmem_shared>> -> memref<80x128xf32, #tpu.memory_space<vmem_shared>>
          %dma_wait3A_134 = arith.constant 0 : i32
          %dma_wait3A_135 = tpu.memref_slice %arg14[%mul3A_129, %dma_wait3A_134] : memref<10008x128xf32, #tpu.memory_space<vmem_shared>> -> memref<80x128xf32, #tpu.memory_space<vmem_shared>>
          tpu.wait_dma2 semaphore(%run_scoped3A : memref<!tpu.dma_semaphore, #tpu.memory_space<semaphore_mem>>) src(%arg13 : memref<80x128xf32, #tpu.memory_space<vmem>>) dst(%dma_wait3A_135 : memref<80x128xf32, #tpu.memory_space<vmem_shared>>)
          tpu.yield
        }) : () -> ()
      } else {
      }
      %add3A_37 = arith.constant 64 : i32
      %add3A_38 = arith.addi %arg1, %add3A_37 : i32
      %lt3A_39 = arith.constant 125 : i32
      %lt3A_40 = arith.cmpi slt, %add3A_38, %lt3A_39 : i32
      %convert_element_type3A_41 = arith.extui %lt3A_40 : i1 to i32
      %cond3A_42 = arith.constant 0 : i32
      %cond3A_43 = arith.cmpi ne, %convert_element_type3A_41, %cond3A_42 : i32
      scf.if %cond3A_43 {
        %mul3A_128 = arith.constant 80 : i32
        %mul3A_129 = arith.muli %add3A_38, %mul3A_128 : i32
        "tpu.region"() ({
          %run_scoped3A = tpu.sem_alloc : memref<!tpu.dma_semaphore, #tpu.memory_space<semaphore_mem>>
          %dma_start3A = arith.constant 0 : i32
          %dma_start3A_130 = tpu.memref_slice %arg14[%mul3A_129, %dma_start3A] : memref<10008x128xf32, #tpu.memory_space<vmem_shared>> -> memref<80x128xf32, #tpu.memory_space<vmem_shared>>
          %dma_start3A_131 = arith.constant 0 : i32
          %dma_start3A_132 = tpu.memref_slice %arg14[%mul3A_129, %dma_start3A_131] : memref<10008x128xf32, #tpu.memory_space<vmem_shared>> -> memref<80x128xf32, #tpu.memory_space<vmem_shared>>
          tpu.enqueue_dma source(%arg13 : memref<80x128xf32, #tpu.memory_space<vmem>>) target(%dma_start3A_132 : memref<80x128xf32, #tpu.memory_space<vmem_shared>>) target_semaphore(%run_scoped3A : memref<!tpu.dma_semaphore, #tpu.memory_space<semaphore_mem>>)
          %dma_wait3A = arith.constant 0 : i32
          %dma_wait3A_133 = tpu.memref_slice %arg14[%mul3A_129, %dma_wait3A] : memref<10008x128xf32, #tpu.memory_space<vmem_shared>> -> memref<80x128xf32, #tpu.memory_space<vmem_shared>>
          %dma_wait3A_134 = arith.constant 0 : i32
          %dma_wait3A_135 = tpu.memref_slice %arg14[%mul3A_129, %dma_wait3A_134] : memref<10008x128xf32, #tpu.memory_space<vmem_shared>> -> memref<80x128xf32, #tpu.memory_space<vmem_shared>>
          tpu.wait_dma2 semaphore(%run_scoped3A : memref<!tpu.dma_semaphore, #tpu.memory_space<semaphore_mem>>) src(%arg13 : memref<80x128xf32, #tpu.memory_space<vmem>>) dst(%dma_wait3A_135 : memref<80x128xf32, #tpu.memory_space<vmem_shared>>)
          tpu.yield
        }) : () -> ()
      } else {
      }
      %add3A_44 = arith.constant 80 : i32
      %add3A_45 = arith.addi %arg1, %add3A_44 : i32
      %lt3A_46 = arith.constant 125 : i32
      %lt3A_47 = arith.cmpi slt, %add3A_45, %lt3A_46 : i32
      %convert_element_type3A_48 = arith.extui %lt3A_47 : i1 to i32
      %cond3A_49 = arith.constant 0 : i32
      %cond3A_50 = arith.cmpi ne, %convert_element_type3A_48, %cond3A_49 : i32
      scf.if %cond3A_50 {
        %mul3A_128 = arith.constant 80 : i32
        %mul3A_129 = arith.muli %add3A_45, %mul3A_128 : i32
        "tpu.region"() ({
          %run_scoped3A = tpu.sem_alloc : memref<!tpu.dma_semaphore, #tpu.memory_space<semaphore_mem>>
          %dma_start3A = arith.constant 0 : i32
          %dma_start3A_130 = tpu.memref_slice %arg14[%mul3A_129, %dma_start3A] : memref<10008x128xf32, #tpu.memory_space<vmem_shared>> -> memref<80x128xf32, #tpu.memory_space<vmem_shared>>
          %dma_start3A_131 = arith.constant 0 : i32
          %dma_start3A_132 = tpu.memref_slice %arg14[%mul3A_129, %dma_start3A_131] : memref<10008x128xf32, #tpu.memory_space<vmem_shared>> -> memref<80x128xf32, #tpu.memory_space<vmem_shared>>
          tpu.enqueue_dma source(%arg13 : memref<80x128xf32, #tpu.memory_space<vmem>>) target(%dma_start3A_132 : memref<80x128xf32, #tpu.memory_space<vmem_shared>>) target_semaphore(%run_scoped3A : memref<!tpu.dma_semaphore, #tpu.memory_space<semaphore_mem>>)
          %dma_wait3A = arith.constant 0 : i32
          %dma_wait3A_133 = tpu.memref_slice %arg14[%mul3A_129, %dma_wait3A] : memref<10008x128xf32, #tpu.memory_space<vmem_shared>> -> memref<80x128xf32, #tpu.memory_space<vmem_shared>>
          %dma_wait3A_134 = arith.constant 0 : i32
          %dma_wait3A_135 = tpu.memref_slice %arg14[%mul3A_129, %dma_wait3A_134] : memref<10008x128xf32, #tpu.memory_space<vmem_shared>> -> memref<80x128xf32, #tpu.memory_space<vmem_shared>>
          tpu.wait_dma2 semaphore(%run_scoped3A : memref<!tpu.dma_semaphore, #tpu.memory_space<semaphore_mem>>) src(%arg13 : memref<80x128xf32, #tpu.memory_space<vmem>>) dst(%dma_wait3A_135 : memref<80x128xf32, #tpu.memory_space<vmem_shared>>)
          tpu.yield
        }) : () -> ()
      } else {
      }
      %add3A_51 = arith.constant 96 : i32
      %add3A_52 = arith.addi %arg1, %add3A_51 : i32
      %lt3A_53 = arith.constant 125 : i32
      %lt3A_54 = arith.cmpi slt, %add3A_52, %lt3A_53 : i32
      %convert_element_type3A_55 = arith.extui %lt3A_54 : i1 to i32
      %cond3A_56 = arith.constant 0 : i32
      %cond3A_57 = arith.cmpi ne, %convert_element_type3A_55, %cond3A_56 : i32
      scf.if %cond3A_57 {
        %mul3A_128 = arith.constant 80 : i32
        %mul3A_129 = arith.muli %add3A_52, %mul3A_128 : i32
        "tpu.region"() ({
          %run_scoped3A = tpu.sem_alloc : memref<!tpu.dma_semaphore, #tpu.memory_space<semaphore_mem>>
          %dma_start3A = arith.constant 0 : i32
          %dma_start3A_130 = tpu.memref_slice %arg14[%mul3A_129, %dma_start3A] : memref<10008x128xf32, #tpu.memory_space<vmem_shared>> -> memref<80x128xf32, #tpu.memory_space<vmem_shared>>
          %dma_start3A_131 = arith.constant 0 : i32
          %dma_start3A_132 = tpu.memref_slice %arg14[%mul3A_129, %dma_start3A_131] : memref<10008x128xf32, #tpu.memory_space<vmem_shared>> -> memref<80x128xf32, #tpu.memory_space<vmem_shared>>
          tpu.enqueue_dma source(%arg13 : memref<80x128xf32, #tpu.memory_space<vmem>>) target(%dma_start3A_132 : memref<80x128xf32, #tpu.memory_space<vmem_shared>>) target_semaphore(%run_scoped3A : memref<!tpu.dma_semaphore, #tpu.memory_space<semaphore_mem>>)
          %dma_wait3A = arith.constant 0 : i32
          %dma_wait3A_133 = tpu.memref_slice %arg14[%mul3A_129, %dma_wait3A] : memref<10008x128xf32, #tpu.memory_space<vmem_shared>> -> memref<80x128xf32, #tpu.memory_space<vmem_shared>>
          %dma_wait3A_134 = arith.constant 0 : i32
          %dma_wait3A_135 = tpu.memref_slice %arg14[%mul3A_129, %dma_wait3A_134] : memref<10008x128xf32, #tpu.memory_space<vmem_shared>> -> memref<80x128xf32, #tpu.memory_space<vmem_shared>>
          tpu.wait_dma2 semaphore(%run_scoped3A : memref<!tpu.dma_semaphore, #tpu.memory_space<semaphore_mem>>) src(%arg13 : memref<80x128xf32, #tpu.memory_space<vmem>>) dst(%dma_wait3A_135 : memref<80x128xf32, #tpu.memory_space<vmem_shared>>)
          tpu.yield
        }) : () -> ()
      } else {
      }
      %add3A_58 = arith.constant 112 : i32
      %add3A_59 = arith.addi %arg1, %add3A_58 : i32
      %lt3A_60 = arith.constant 125 : i32
      %lt3A_61 = arith.cmpi slt, %add3A_59, %lt3A_60 : i32
      %convert_element_type3A_62 = arith.extui %lt3A_61 : i1 to i32
      %cond3A_63 = arith.constant 0 : i32
      %cond3A_64 = arith.cmpi ne, %convert_element_type3A_62, %cond3A_63 : i32
      scf.if %cond3A_64 {
        %mul3A_128 = arith.constant 80 : i32
        %mul3A_129 = arith.muli %add3A_59, %mul3A_128 : i32
        "tpu.region"() ({
          %run_scoped3A = tpu.sem_alloc : memref<!tpu.dma_semaphore, #tpu.memory_space<semaphore_mem>>
          %dma_start3A = arith.constant 0 : i32
          %dma_start3A_130 = tpu.memref_slice %arg14[%mul3A_129, %dma_start3A] : memref<10008x128xf32, #tpu.memory_space<vmem_shared>> -> memref<80x128xf32, #tpu.memory_space<vmem_shared>>
          %dma_start3A_131 = arith.constant 0 : i32
          %dma_start3A_132 = tpu.memref_slice %arg14[%mul3A_129, %dma_start3A_131] : memref<10008x128xf32, #tpu.memory_space<vmem_shared>> -> memref<80x128xf32, #tpu.memory_space<vmem_shared>>
          tpu.enqueue_dma source(%arg13 : memref<80x128xf32, #tpu.memory_space<vmem>>) target(%dma_start3A_132 : memref<80x128xf32, #tpu.memory_space<vmem_shared>>) target_semaphore(%run_scoped3A : memref<!tpu.dma_semaphore, #tpu.memory_space<semaphore_mem>>)
          %dma_wait3A = arith.constant 0 : i32
          %dma_wait3A_133 = tpu.memref_slice %arg14[%mul3A_129, %dma_wait3A] : memref<10008x128xf32, #tpu.memory_space<vmem_shared>> -> memref<80x128xf32, #tpu.memory_space<vmem_shared>>
          %dma_wait3A_134 = arith.constant 0 : i32
          %dma_wait3A_135 = tpu.memref_slice %arg14[%mul3A_129, %dma_wait3A_134] : memref<10008x128xf32, #tpu.memory_space<vmem_shared>> -> memref<80x128xf32, #tpu.memory_space<vmem_shared>>
          tpu.wait_dma2 semaphore(%run_scoped3A : memref<!tpu.dma_semaphore, #tpu.memory_space<semaphore_mem>>) src(%arg13 : memref<80x128xf32, #tpu.memory_space<vmem>>) dst(%dma_wait3A_135 : memref<80x128xf32, #tpu.memory_space<vmem_shared>>)
          tpu.yield
        }) : () -> ()
      } else {
      }
      %barrier3A = arith.constant 0 : index
      tpu.barrier barrier_id(%barrier3A)
      %scan3A_65 = arith.constant 0 : i32
      %scan3A_66 = arith.constant 500 : i32
      %scan3A_67 = arith.addi %scan3A_65, %scan3A_66 : i32
      %scan3A_68 = arith.constant 1 : i32
      scf.for %scan3A_128 = %scan3A_65 to %scan3A_67 step %scan3A_68  : i32 {
        %mul3A_129 = arith.constant 1 : i32
        %mul3A_130 = arith.muli %scan3A_128, %mul3A_129 : i32
        %add3A_131 = arith.constant 0 : i32
        %add3A_132 = arith.addi %add3A_131, %mul3A_130 : i32
        %mul3A_133 = arith.constant 40000 : i32
        %mul3A_134 = arith.muli %arg1, %mul3A_133 : i32
        %mul3A_135 = arith.constant 80 : i32
        %mul3A_136 = arith.muli %add3A_132, %mul3A_135 : i32
        %add3A_137 = arith.addi %mul3A_134, %mul3A_136 : i32
        %run_scoped3A = arith.constant 0 : i32
        "tpu.region"() ({
          %run_scoped3A_153 = tpu.sem_alloc : memref<!tpu.dma_semaphore, #tpu.memory_space<semaphore_mem>>
          %dma_start3A = arith.constant 0 : i32
          %dma_start3A_154 = tpu.memref_slice %arg8[%run_scoped3A, %dma_start3A] : memref<1x80xi32, #tpu.memory_space<vmem>> -> memref<1x80xi32, #tpu.memory_space<vmem>>
          %dma_start3A_155 = tpu.memref_squeeze %dma_start3A_154 : memref<1x80xi32, #tpu.memory_space<vmem>> -> memref<80xi32, #tpu.memory_space<vmem>>
          %dma_start3A_156 = tpu.memref_slice %arg3[%add3A_137] : memref<640000xi32, #tpu.memory_space<hbm>> -> memref<80xi32, #tpu.memory_space<hbm>>
          %dma_start3A_157 = arith.constant 0 : i32
          %dma_start3A_158 = tpu.memref_slice %arg8[%run_scoped3A, %dma_start3A_157] : memref<1x80xi32, #tpu.memory_space<vmem>> -> memref<1x80xi32, #tpu.memory_space<vmem>>
          %dma_start3A_159 = tpu.memref_squeeze %dma_start3A_158 : memref<1x80xi32, #tpu.memory_space<vmem>> -> memref<80xi32, #tpu.memory_space<vmem>>
          %dma_start3A_160 = tpu.memref_slice %arg3[%add3A_137] : memref<640000xi32, #tpu.memory_space<hbm>> -> memref<80xi32, #tpu.memory_space<hbm>>
          tpu.enqueue_dma source(%dma_start3A_160 : memref<80xi32, #tpu.memory_space<hbm>>) target(%dma_start3A_159 : memref<80xi32, #tpu.memory_space<vmem>>) target_semaphore(%run_scoped3A_153 : memref<!tpu.dma_semaphore, #tpu.memory_space<semaphore_mem>>)
          %dma_wait3A = arith.constant 0 : i32
          %dma_wait3A_161 = tpu.memref_slice %arg8[%run_scoped3A, %dma_wait3A] : memref<1x80xi32, #tpu.memory_space<vmem>> -> memref<1x80xi32, #tpu.memory_space<vmem>>
          %dma_wait3A_162 = tpu.memref_squeeze %dma_wait3A_161 : memref<1x80xi32, #tpu.memory_space<vmem>> -> memref<80xi32, #tpu.memory_space<vmem>>
          %dma_wait3A_163 = tpu.memref_slice %arg3[%add3A_137] : memref<640000xi32, #tpu.memory_space<hbm>> -> memref<80xi32, #tpu.memory_space<hbm>>
          %dma_wait3A_164 = arith.constant 0 : i32
          %dma_wait3A_165 = tpu.memref_slice %arg8[%run_scoped3A, %dma_wait3A_164] : memref<1x80xi32, #tpu.memory_space<vmem>> -> memref<1x80xi32, #tpu.memory_space<vmem>>
          %dma_wait3A_166 = tpu.memref_squeeze %dma_wait3A_165 : memref<1x80xi32, #tpu.memory_space<vmem>> -> memref<80xi32, #tpu.memory_space<vmem>>
          %dma_wait3A_167 = tpu.memref_slice %arg3[%add3A_137] : memref<640000xi32, #tpu.memory_space<hbm>> -> memref<80xi32, #tpu.memory_space<hbm>>
          tpu.wait_dma2 semaphore(%run_scoped3A_153 : memref<!tpu.dma_semaphore, #tpu.memory_space<semaphore_mem>>) src(%dma_wait3A_167 : memref<80xi32, #tpu.memory_space<hbm>>) dst(%dma_wait3A_166 : memref<80xi32, #tpu.memory_space<vmem>>)
          tpu.yield
        }) : () -> ()
        %run_scoped3A_138 = arith.constant 0 : i32
        "tpu.region"() ({
          %run_scoped3A_153 = tpu.sem_alloc : memref<!tpu.dma_semaphore, #tpu.memory_space<semaphore_mem>>
          %dma_start3A = arith.constant 0 : i32
          %dma_start3A_154 = tpu.memref_slice %arg9[%run_scoped3A_138, %dma_start3A] : memref<1x80xi32, #tpu.memory_space<vmem>> -> memref<1x80xi32, #tpu.memory_space<vmem>>
          %dma_start3A_155 = tpu.memref_squeeze %dma_start3A_154 : memref<1x80xi32, #tpu.memory_space<vmem>> -> memref<80xi32, #tpu.memory_space<vmem>>
          %dma_start3A_156 = tpu.memref_slice %arg4[%add3A_137] : memref<640000xi32, #tpu.memory_space<hbm>> -> memref<80xi32, #tpu.memory_space<hbm>>
          %dma_start3A_157 = arith.constant 0 : i32
          %dma_start3A_158 = tpu.memref_slice %arg9[%run_scoped3A_138, %dma_start3A_157] : memref<1x80xi32, #tpu.memory_space<vmem>> -> memref<1x80xi32, #tpu.memory_space<vmem>>
          %dma_start3A_159 = tpu.memref_squeeze %dma_start3A_158 : memref<1x80xi32, #tpu.memory_space<vmem>> -> memref<80xi32, #tpu.memory_space<vmem>>
          %dma_start3A_160 = tpu.memref_slice %arg4[%add3A_137] : memref<640000xi32, #tpu.memory_space<hbm>> -> memref<80xi32, #tpu.memory_space<hbm>>
          tpu.enqueue_dma source(%dma_start3A_160 : memref<80xi32, #tpu.memory_space<hbm>>) target(%dma_start3A_159 : memref<80xi32, #tpu.memory_space<vmem>>) target_semaphore(%run_scoped3A_153 : memref<!tpu.dma_semaphore, #tpu.memory_space<semaphore_mem>>)
          %dma_wait3A = arith.constant 0 : i32
          %dma_wait3A_161 = tpu.memref_slice %arg9[%run_scoped3A_138, %dma_wait3A] : memref<1x80xi32, #tpu.memory_space<vmem>> -> memref<1x80xi32, #tpu.memory_space<vmem>>
          %dma_wait3A_162 = tpu.memref_squeeze %dma_wait3A_161 : memref<1x80xi32, #tpu.memory_space<vmem>> -> memref<80xi32, #tpu.memory_space<vmem>>
          %dma_wait3A_163 = tpu.memref_slice %arg4[%add3A_137] : memref<640000xi32, #tpu.memory_space<hbm>> -> memref<80xi32, #tpu.memory_space<hbm>>
          %dma_wait3A_164 = arith.constant 0 : i32
          %dma_wait3A_165 = tpu.memref_slice %arg9[%run_scoped3A_138, %dma_wait3A_164] : memref<1x80xi32, #tpu.memory_space<vmem>> -> memref<1x80xi32, #tpu.memory_space<vmem>>
          %dma_wait3A_166 = tpu.memref_squeeze %dma_wait3A_165 : memref<1x80xi32, #tpu.memory_space<vmem>> -> memref<80xi32, #tpu.memory_space<vmem>>
          %dma_wait3A_167 = tpu.memref_slice %arg4[%add3A_137] : memref<640000xi32, #tpu.memory_space<hbm>> -> memref<80xi32, #tpu.memory_space<hbm>>
          tpu.wait_dma2 semaphore(%run_scoped3A_153 : memref<!tpu.dma_semaphore, #tpu.memory_space<semaphore_mem>>) src(%dma_wait3A_167 : memref<80xi32, #tpu.memory_space<hbm>>) dst(%dma_wait3A_166 : memref<80xi32, #tpu.memory_space<vmem>>)
          tpu.yield
        }) : () -> ()
        %run_scoped3A_139 = arith.constant 0 : i32
        "tpu.region"() ({
          %run_scoped3A_153 = tpu.sem_alloc : memref<!tpu.dma_semaphore, #tpu.memory_space<semaphore_mem>>
          %dma_start3A = arith.constant 0 : i32
          %dma_start3A_154 = tpu.memref_slice %arg10[%run_scoped3A_139, %dma_start3A] : memref<1x80xi32, #tpu.memory_space<vmem>> -> memref<1x80xi32, #tpu.memory_space<vmem>>
          %dma_start3A_155 = tpu.memref_squeeze %dma_start3A_154 : memref<1x80xi32, #tpu.memory_space<vmem>> -> memref<80xi32, #tpu.memory_space<vmem>>
          %dma_start3A_156 = tpu.memref_slice %arg5[%add3A_137] : memref<640000xi32, #tpu.memory_space<hbm>> -> memref<80xi32, #tpu.memory_space<hbm>>
          %dma_start3A_157 = arith.constant 0 : i32
          %dma_start3A_158 = tpu.memref_slice %arg10[%run_scoped3A_139, %dma_start3A_157] : memref<1x80xi32, #tpu.memory_space<vmem>> -> memref<1x80xi32, #tpu.memory_space<vmem>>
          %dma_start3A_159 = tpu.memref_squeeze %dma_start3A_158 : memref<1x80xi32, #tpu.memory_space<vmem>> -> memref<80xi32, #tpu.memory_space<vmem>>
          %dma_start3A_160 = tpu.memref_slice %arg5[%add3A_137] : memref<640000xi32, #tpu.memory_space<hbm>> -> memref<80xi32, #tpu.memory_space<hbm>>
          tpu.enqueue_dma source(%dma_start3A_160 : memref<80xi32, #tpu.memory_space<hbm>>) target(%dma_start3A_159 : memref<80xi32, #tpu.memory_space<vmem>>) target_semaphore(%run_scoped3A_153 : memref<!tpu.dma_semaphore, #tpu.memory_space<semaphore_mem>>)
          %dma_wait3A = arith.constant 0 : i32
          %dma_wait3A_161 = tpu.memref_slice %arg10[%run_scoped3A_139, %dma_wait3A] : memref<1x80xi32, #tpu.memory_space<vmem>> -> memref<1x80xi32, #tpu.memory_space<vmem>>
          %dma_wait3A_162 = tpu.memref_squeeze %dma_wait3A_161 : memref<1x80xi32, #tpu.memory_space<vmem>> -> memref<80xi32, #tpu.memory_space<vmem>>
          %dma_wait3A_163 = tpu.memref_slice %arg5[%add3A_137] : memref<640000xi32, #tpu.memory_space<hbm>> -> memref<80xi32, #tpu.memory_space<hbm>>
          %dma_wait3A_164 = arith.constant 0 : i32
          %dma_wait3A_165 = tpu.memref_slice %arg10[%run_scoped3A_139, %dma_wait3A_164] : memref<1x80xi32, #tpu.memory_space<vmem>> -> memref<1x80xi32, #tpu.memory_space<vmem>>
          %dma_wait3A_166 = tpu.memref_squeeze %dma_wait3A_165 : memref<1x80xi32, #tpu.memory_space<vmem>> -> memref<80xi32, #tpu.memory_space<vmem>>
          %dma_wait3A_167 = tpu.memref_slice %arg5[%add3A_137] : memref<640000xi32, #tpu.memory_space<hbm>> -> memref<80xi32, #tpu.memory_space<hbm>>
          tpu.wait_dma2 semaphore(%run_scoped3A_153 : memref<!tpu.dma_semaphore, #tpu.memory_space<semaphore_mem>>) src(%dma_wait3A_167 : memref<80xi32, #tpu.memory_space<hbm>>) dst(%dma_wait3A_166 : memref<80xi32, #tpu.memory_space<vmem>>)
          tpu.yield
        }) : () -> ()
        %run_scoped3A_140 = arith.constant 0 : i32
        "tpu.region"() ({
          %run_scoped3A_153 = tpu.sem_alloc : memref<!tpu.dma_semaphore, #tpu.memory_space<semaphore_mem>>
          %dma_start3A = arith.constant 0 : i32
          %dma_start3A_154 = tpu.memref_slice %arg9[%run_scoped3A_140, %dma_start3A] : memref<1x80xi32, #tpu.memory_space<vmem>> -> memref<1x80xi32, #tpu.memory_space<vmem>>
          %dma_start3A_155 = tpu.memref_squeeze %dma_start3A_154 : memref<1x80xi32, #tpu.memory_space<vmem>> -> memref<80xi32, #tpu.memory_space<vmem>>
          %dma_start3A_156 = arith.constant 0 : i32
          %dma_start3A_157 = arith.constant 0 : i32
          %dma_start3A_158 = tpu.memref_slice %arg2[%dma_start3A_156, %dma_start3A_157] : memref<320000x128xf32, #tpu.memory_space<hbm>> -> memref<320000x128xf32, #tpu.memory_space<hbm>>
          tpu.enqueue_indirect_dma source(%dma_start3A_158 : memref<320000x128xf32, #tpu.memory_space<hbm>>) target(%arg11 : memref<80x128xf32, #tpu.memory_space<vmem>>) offsets(%dma_start3A_155 : memref<80xi32, #tpu.memory_space<vmem>>) semaphore(%run_scoped3A_153 : memref<!tpu.dma_semaphore, #tpu.memory_space<semaphore_mem>>)
          %dma_wait3A = arith.constant 0 : i32
          %dma_wait3A_159 = tpu.memref_slice %arg9[%run_scoped3A_140, %dma_wait3A] : memref<1x80xi32, #tpu.memory_space<vmem>> -> memref<1x80xi32, #tpu.memory_space<vmem>>
          %dma_wait3A_160 = tpu.memref_squeeze %dma_wait3A_159 : memref<1x80xi32, #tpu.memory_space<vmem>> -> memref<80xi32, #tpu.memory_space<vmem>>
          %dma_wait3A_161 = arith.constant 0 : i32
          %dma_wait3A_162 = arith.constant 0 : i32
          %dma_wait3A_163 = tpu.memref_slice %arg2[%dma_wait3A_161, %dma_wait3A_162] : memref<320000x128xf32, #tpu.memory_space<hbm>> -> memref<320000x128xf32, #tpu.memory_space<hbm>>
          tpu.wait_indirect_dma semaphore(%run_scoped3A_153 : memref<!tpu.dma_semaphore, #tpu.memory_space<semaphore_mem>>) src(%dma_wait3A_163 : memref<320000x128xf32, #tpu.memory_space<hbm>>) dst(%arg11 : memref<80x128xf32, #tpu.memory_space<vmem>>)
          tpu.yield
        }) : () -> ()
        %run_scoped3A_141 = arith.constant 0 : i32
        "tpu.region"() ({
          %run_scoped3A_153 = tpu.sem_alloc : memref<!tpu.dma_semaphore, #tpu.memory_space<semaphore_mem>>
          %dma_start3A = arith.constant 0 : i32
          %dma_start3A_154 = tpu.memref_slice %arg10[%run_scoped3A_141, %dma_start3A] : memref<1x80xi32, #tpu.memory_space<vmem>> -> memref<1x80xi32, #tpu.memory_space<vmem>>
          %dma_start3A_155 = tpu.memref_squeeze %dma_start3A_154 : memref<1x80xi32, #tpu.memory_space<vmem>> -> memref<80xi32, #tpu.memory_space<vmem>>
          %dma_start3A_156 = arith.constant 0 : i32
          %dma_start3A_157 = arith.constant 0 : i32
          %dma_start3A_158 = tpu.memref_slice %arg2[%dma_start3A_156, %dma_start3A_157] : memref<320000x128xf32, #tpu.memory_space<hbm>> -> memref<320000x128xf32, #tpu.memory_space<hbm>>
          tpu.enqueue_indirect_dma source(%dma_start3A_158 : memref<320000x128xf32, #tpu.memory_space<hbm>>) target(%arg12 : memref<80x128xf32, #tpu.memory_space<vmem>>) offsets(%dma_start3A_155 : memref<80xi32, #tpu.memory_space<vmem>>) semaphore(%run_scoped3A_153 : memref<!tpu.dma_semaphore, #tpu.memory_space<semaphore_mem>>)
          %dma_wait3A = arith.constant 0 : i32
          %dma_wait3A_159 = tpu.memref_slice %arg10[%run_scoped3A_141, %dma_wait3A] : memref<1x80xi32, #tpu.memory_space<vmem>> -> memref<1x80xi32, #tpu.memory_space<vmem>>
          %dma_wait3A_160 = tpu.memref_squeeze %dma_wait3A_159 : memref<1x80xi32, #tpu.memory_space<vmem>> -> memref<80xi32, #tpu.memory_space<vmem>>
          %dma_wait3A_161 = arith.constant 0 : i32
          %dma_wait3A_162 = arith.constant 0 : i32
          %dma_wait3A_163 = tpu.memref_slice %arg2[%dma_wait3A_161, %dma_wait3A_162] : memref<320000x128xf32, #tpu.memory_space<hbm>> -> memref<320000x128xf32, #tpu.memory_space<hbm>>
          tpu.wait_indirect_dma semaphore(%run_scoped3A_153 : memref<!tpu.dma_semaphore, #tpu.memory_space<semaphore_mem>>) src(%dma_wait3A_163 : memref<320000x128xf32, #tpu.memory_space<hbm>>) dst(%arg12 : memref<80x128xf32, #tpu.memory_space<vmem>>)
          tpu.yield
        }) : () -> ()
        %scan3A_142 = arith.constant 0 : i32
        %scan3A_143 = arith.constant 5 : i32
        %scan3A_144 = arith.addi %scan3A_142, %scan3A_143 : i32
        %scan3A_145 = arith.constant 1 : i32
        scf.for %scan3A_153 = %scan3A_142 to %scan3A_144 step %scan3A_145  : i32 {
          %mul3A_154 = arith.constant 1 : i32
          %mul3A_155 = arith.muli %scan3A_153, %mul3A_154 : i32
          %add3A_156 = arith.constant 0 : i32
          %add3A_157 = arith.addi %add3A_156, %mul3A_155 : i32
          %mul3A_158 = arith.constant 16 : i32
          %mul3A_159 = arith.muli %add3A_157, %mul3A_158 : i32
          %get3A = arith.constant 0 : index
          %get3A_160 = arith.index_cast %mul3A_159 : i32 to index
          %get3A_161 = tpu.vector_load %arg8[%get3A, %get3A_160] {strides = array<i32>} : memref<1x80xi32, #tpu.memory_space<vmem>>, vector<1x16xi32>,
          %get3A_162 = vector.shape_cast %get3A_161 : vector<1x16xi32> to vector<1x16xi32>
          %sub3A = vector.broadcast %mul3A_11 : i32 to vector<1x16xi32>
          %sub3A_163 = arith.subi %get3A_162, %sub3A : vector<1x16xi32>
          %ge3A = arith.constant 0 : i32
          %ge3A_164 = vector.broadcast %ge3A : i32 to vector<1x16xi32>
          %ge3A_165 = arith.cmpi sge, %sub3A_163, %ge3A_164 : vector<1x16xi32>
          %lt3A_166 = arith.constant 10000 : i32
          %lt3A_167 = vector.broadcast %lt3A_166 : i32 to vector<1x16xi32>
          %lt3A_168 = arith.cmpi slt, %sub3A_163, %lt3A_167 : vector<1x16xi32>
          %and3A = arith.andi %ge3A_165, %lt3A_168 : vector<1x16xi1>
          %jit3A = arith.constant 10000 : i32
          %broadcast_in_dim3A = vector.broadcast %jit3A : i32 to vector<1x16xi32>
          %select_n3A = arith.select %and3A, %sub3A_163, %broadcast_in_dim3A : vector<1x16xi1>, vector<1x16xi32>
          %swap3A = arith.constant 0 : index
          %swap3A_169 = arith.index_cast %mul3A_159 : i32 to index
          %swap3A_170 = tpu.vector_load %arg8[%swap3A, %swap3A_169] {strides = array<i32>} : memref<1x80xi32, #tpu.memory_space<vmem>>, vector<1x16xi32>,
          %swap3A_171 = vector.shape_cast %swap3A_170 : vector<1x16xi32> to vector<1x16xi32>
          %swap3A_172 = vector.shape_cast %select_n3A : vector<1x16xi32> to vector<1x16xi32>
          tpu.vector_store %arg8[%swap3A, %swap3A_169], %swap3A_172 {strides = array<i32>} : memref<1x80xi32, #tpu.memory_space<vmem>>, vector<1x16xi32>,
        }
        %scan3A_146 = arith.constant 5 : i32
        %scan3A_147 = arith.constant 0 : i32
        %scan3A_148 = arith.constant 80 : i32
        %scan3A_149 = arith.addi %scan3A_147, %scan3A_148 : i32
        %scan3A_150 = arith.constant 1 : i32
        scf.for %scan3A_153 = %scan3A_147 to %scan3A_149 step %scan3A_150  : i32 {
          %mul3A_154 = arith.constant 1 : i32
          %mul3A_155 = arith.muli %scan3A_153, %mul3A_154 : i32
          %add3A_156 = arith.constant 0 : i32
          %add3A_157 = arith.addi %add3A_156, %mul3A_155 : i32
          %get3A = arith.index_cast %add3A_157 : i32 to index
          %get3A_158 = arith.constant 0 : index
          %get3A_159 = tpu.vector_load %arg11[%get3A, %get3A_158] {strides = array<i32>} : memref<80x128xf32, #tpu.memory_space<vmem>>, vector<1x16xf32>,
          %get3A_160 = vector.shape_cast %get3A_159 : vector<1x16xf32> to vector<1x16xf32>
          %get3A_161 = arith.index_cast %add3A_157 : i32 to index
          %get3A_162 = arith.constant 0 : index
          %get3A_163 = tpu.vector_load %arg12[%get3A_161, %get3A_162] {strides = array<i32>} : memref<80x128xf32, #tpu.memory_space<vmem>>, vector<1x16xf32>,
          %get3A_164 = vector.shape_cast %get3A_163 : vector<1x16xf32> to vector<1x16xf32>
          %add3A_165 = arith.addf %get3A_160, %get3A_164 : vector<1x16xf32>
          %max3A = arith.constant 0.000000e+00 : f32
          %max3A_166 = vector.broadcast %max3A : f32 to vector<1x16xf32>
          %max3A_167 = arith.maximumf %add3A_165, %max3A_166 : vector<1x16xf32>
          %swap3A = arith.index_cast %add3A_157 : i32 to index
          %swap3A_168 = arith.constant 0 : index
          %swap3A_169 = tpu.vector_load %arg11[%swap3A, %swap3A_168] {strides = array<i32>} : memref<80x128xf32, #tpu.memory_space<vmem>>, vector<1x16xf32>,
          %swap3A_170 = vector.shape_cast %swap3A_169 : vector<1x16xf32> to vector<1x16xf32>
          %swap3A_171 = vector.shape_cast %max3A_167 : vector<1x16xf32> to vector<1x16xf32>
          tpu.vector_store %arg11[%swap3A, %swap3A_168], %swap3A_171 {strides = array<i32>} : memref<80x128xf32, #tpu.memory_space<vmem>>, vector<1x16xf32>,
          %get3A_172 = arith.index_cast %add3A_157 : i32 to index
          %get3A_173 = arith.constant 16 : index
          %get3A_174 = tpu.vector_load %arg11[%get3A_172, %get3A_173] {strides = array<i32>} : memref<80x128xf32, #tpu.memory_space<vmem>>, vector<1x16xf32>,
          %get3A_175 = vector.shape_cast %get3A_174 : vector<1x16xf32> to vector<1x16xf32>
          %get3A_176 = arith.index_cast %add3A_157 : i32 to index
          %get3A_177 = arith.constant 16 : index
          %get3A_178 = tpu.vector_load %arg12[%get3A_176, %get3A_177] {strides = array<i32>} : memref<80x128xf32, #tpu.memory_space<vmem>>, vector<1x16xf32>,
          %get3A_179 = vector.shape_cast %get3A_178 : vector<1x16xf32> to vector<1x16xf32>
          %add3A_180 = arith.addf %get3A_175, %get3A_179 : vector<1x16xf32>
          %max3A_181 = arith.constant 0.000000e+00 : f32
          %max3A_182 = vector.broadcast %max3A_181 : f32 to vector<1x16xf32>
          %max3A_183 = arith.maximumf %add3A_180, %max3A_182 : vector<1x16xf32>
          %swap3A_184 = arith.index_cast %add3A_157 : i32 to index
          %swap3A_185 = arith.constant 16 : index
          %swap3A_186 = tpu.vector_load %arg11[%swap3A_184, %swap3A_185] {strides = array<i32>} : memref<80x128xf32, #tpu.memory_space<vmem>>, vector<1x16xf32>,
          %swap3A_187 = vector.shape_cast %swap3A_186 : vector<1x16xf32> to vector<1x16xf32>
          %swap3A_188 = vector.shape_cast %max3A_183 : vector<1x16xf32> to vector<1x16xf32>
          tpu.vector_store %arg11[%swap3A_184, %swap3A_185], %swap3A_188 {strides = array<i32>} : memref<80x128xf32, #tpu.memory_space<vmem>>, vector<1x16xf32>,
          %get3A_189 = arith.index_cast %add3A_157 : i32 to index
          %get3A_190 = arith.constant 32 : index
          %get3A_191 = tpu.vector_load %arg11[%get3A_189, %get3A_190] {strides = array<i32>} : memref<80x128xf32, #tpu.memory_space<vmem>>, vector<1x16xf32>,
          %get3A_192 = vector.shape_cast %get3A_191 : vector<1x16xf32> to vector<1x16xf32>
          %get3A_193 = arith.index_cast %add3A_157 : i32 to index
          %get3A_194 = arith.constant 32 : index
          %get3A_195 = tpu.vector_load %arg12[%get3A_193, %get3A_194] {strides = array<i32>} : memref<80x128xf32, #tpu.memory_space<vmem>>, vector<1x16xf32>,
          %get3A_196 = vector.shape_cast %get3A_195 : vector<1x16xf32> to vector<1x16xf32>
          %add3A_197 = arith.addf %get3A_192, %get3A_196 : vector<1x16xf32>
          %max3A_198 = arith.constant 0.000000e+00 : f32
          %max3A_199 = vector.broadcast %max3A_198 : f32 to vector<1x16xf32>
          %max3A_200 = arith.maximumf %add3A_197, %max3A_199 : vector<1x16xf32>
          %swap3A_201 = arith.index_cast %add3A_157 : i32 to index
          %swap3A_202 = arith.constant 32 : index
          %swap3A_203 = tpu.vector_load %arg11[%swap3A_201, %swap3A_202] {strides = array<i32>} : memref<80x128xf32, #tpu.memory_space<vmem>>, vector<1x16xf32>,
          %swap3A_204 = vector.shape_cast %swap3A_203 : vector<1x16xf32> to vector<1x16xf32>
          %swap3A_205 = vector.shape_cast %max3A_200 : vector<1x16xf32> to vector<1x16xf32>
          tpu.vector_store %arg11[%swap3A_201, %swap3A_202], %swap3A_205 {strides = array<i32>} : memref<80x128xf32, #tpu.memory_space<vmem>>, vector<1x16xf32>,
          %get3A_206 = arith.index_cast %add3A_157 : i32 to index
          %get3A_207 = arith.constant 48 : index
          %get3A_208 = tpu.vector_load %arg11[%get3A_206, %get3A_207] {strides = array<i32>} : memref<80x128xf32, #tpu.memory_space<vmem>>, vector<1x16xf32>,
          %get3A_209 = vector.shape_cast %get3A_208 : vector<1x16xf32> to vector<1x16xf32>
          %get3A_210 = arith.index_cast %add3A_157 : i32 to index
          %get3A_211 = arith.constant 48 : index
          %get3A_212 = tpu.vector_load %arg12[%get3A_210, %get3A_211] {strides = array<i32>} : memref<80x128xf32, #tpu.memory_space<vmem>>, vector<1x16xf32>,
          %get3A_213 = vector.shape_cast %get3A_212 : vector<1x16xf32> to vector<1x16xf32>
          %add3A_214 = arith.addf %get3A_209, %get3A_213 : vector<1x16xf32>
          %max3A_215 = arith.constant 0.000000e+00 : f32
          %max3A_216 = vector.broadcast %max3A_215 : f32 to vector<1x16xf32>
          %max3A_217 = arith.maximumf %add3A_214, %max3A_216 : vector<1x16xf32>
          %swap3A_218 = arith.index_cast %add3A_157 : i32 to index
          %swap3A_219 = arith.constant 48 : index
          %swap3A_220 = tpu.vector_load %arg11[%swap3A_218, %swap3A_219] {strides = array<i32>} : memref<80x128xf32, #tpu.memory_space<vmem>>, vector<1x16xf32>,
          %swap3A_221 = vector.shape_cast %swap3A_220 : vector<1x16xf32> to vector<1x16xf32>
          %swap3A_222 = vector.shape_cast %max3A_217 : vector<1x16xf32> to vector<1x16xf32>
          tpu.vector_store %arg11[%swap3A_218, %swap3A_219], %swap3A_222 {strides = array<i32>} : memref<80x128xf32, #tpu.memory_space<vmem>>, vector<1x16xf32>,
          %get3A_223 = arith.index_cast %add3A_157 : i32 to index
          %get3A_224 = arith.constant 64 : index
          %get3A_225 = tpu.vector_load %arg11[%get3A_223, %get3A_224] {strides = array<i32>} : memref<80x128xf32, #tpu.memory_space<vmem>>, vector<1x16xf32>,
          %get3A_226 = vector.shape_cast %get3A_225 : vector<1x16xf32> to vector<1x16xf32>
          %get3A_227 = arith.index_cast %add3A_157 : i32 to index
          %get3A_228 = arith.constant 64 : index
          %get3A_229 = tpu.vector_load %arg12[%get3A_227, %get3A_228] {strides = array<i32>} : memref<80x128xf32, #tpu.memory_space<vmem>>, vector<1x16xf32>,
          %get3A_230 = vector.shape_cast %get3A_229 : vector<1x16xf32> to vector<1x16xf32>
          %add3A_231 = arith.addf %get3A_226, %get3A_230 : vector<1x16xf32>
          %max3A_232 = arith.constant 0.000000e+00 : f32
          %max3A_233 = vector.broadcast %max3A_232 : f32 to vector<1x16xf32>
          %max3A_234 = arith.maximumf %add3A_231, %max3A_233 : vector<1x16xf32>
          %swap3A_235 = arith.index_cast %add3A_157 : i32 to index
          %swap3A_236 = arith.constant 64 : index
          %swap3A_237 = tpu.vector_load %arg11[%swap3A_235, %swap3A_236] {strides = array<i32>} : memref<80x128xf32, #tpu.memory_space<vmem>>, vector<1x16xf32>,
          %swap3A_238 = vector.shape_cast %swap3A_237 : vector<1x16xf32> to vector<1x16xf32>
          %swap3A_239 = vector.shape_cast %max3A_234 : vector<1x16xf32> to vector<1x16xf32>
          tpu.vector_store %arg11[%swap3A_235, %swap3A_236], %swap3A_239 {strides = array<i32>} : memref<80x128xf32, #tpu.memory_space<vmem>>, vector<1x16xf32>,
          %get3A_240 = arith.index_cast %add3A_157 : i32 to index
          %get3A_241 = arith.constant 80 : index
          %get3A_242 = tpu.vector_load %arg11[%get3A_240, %get3A_241] {strides = array<i32>} : memref<80x128xf32, #tpu.memory_space<vmem>>, vector<1x16xf32>,
          %get3A_243 = vector.shape_cast %get3A_242 : vector<1x16xf32> to vector<1x16xf32>
          %get3A_244 = arith.index_cast %add3A_157 : i32 to index
          %get3A_245 = arith.constant 80 : index
          %get3A_246 = tpu.vector_load %arg12[%get3A_244, %get3A_245] {strides = array<i32>} : memref<80x128xf32, #tpu.memory_space<vmem>>, vector<1x16xf32>,
          %get3A_247 = vector.shape_cast %get3A_246 : vector<1x16xf32> to vector<1x16xf32>
          %add3A_248 = arith.addf %get3A_243, %get3A_247 : vector<1x16xf32>
          %max3A_249 = arith.constant 0.000000e+00 : f32
          %max3A_250 = vector.broadcast %max3A_249 : f32 to vector<1x16xf32>
          %max3A_251 = arith.maximumf %add3A_248, %max3A_250 : vector<1x16xf32>
          %swap3A_252 = arith.index_cast %add3A_157 : i32 to index
          %swap3A_253 = arith.constant 80 : index
          %swap3A_254 = tpu.vector_load %arg11[%swap3A_252, %swap3A_253] {strides = array<i32>} : memref<80x128xf32, #tpu.memory_space<vmem>>, vector<1x16xf32>,
          %swap3A_255 = vector.shape_cast %swap3A_254 : vector<1x16xf32> to vector<1x16xf32>
          %swap3A_256 = vector.shape_cast %max3A_251 : vector<1x16xf32> to vector<1x16xf32>
          tpu.vector_store %arg11[%swap3A_252, %swap3A_253], %swap3A_256 {strides = array<i32>} : memref<80x128xf32, #tpu.memory_space<vmem>>, vector<1x16xf32>,
          %get3A_257 = arith.index_cast %add3A_157 : i32 to index
          %get3A_258 = arith.constant 96 : index
          %get3A_259 = tpu.vector_load %arg11[%get3A_257, %get3A_258] {strides = array<i32>} : memref<80x128xf32, #tpu.memory_space<vmem>>, vector<1x16xf32>,
          %get3A_260 = vector.shape_cast %get3A_259 : vector<1x16xf32> to vector<1x16xf32>
          %get3A_261 = arith.index_cast %add3A_157 : i32 to index
          %get3A_262 = arith.constant 96 : index
          %get3A_263 = tpu.vector_load %arg12[%get3A_261, %get3A_262] {strides = array<i32>} : memref<80x128xf32, #tpu.memory_space<vmem>>, vector<1x16xf32>,
          %get3A_264 = vector.shape_cast %get3A_263 : vector<1x16xf32> to vector<1x16xf32>
          %add3A_265 = arith.addf %get3A_260, %get3A_264 : vector<1x16xf32>
          %max3A_266 = arith.constant 0.000000e+00 : f32
          %max3A_267 = vector.broadcast %max3A_266 : f32 to vector<1x16xf32>
          %max3A_268 = arith.maximumf %add3A_265, %max3A_267 : vector<1x16xf32>
          %swap3A_269 = arith.index_cast %add3A_157 : i32 to index
          %swap3A_270 = arith.constant 96 : index
          %swap3A_271 = tpu.vector_load %arg11[%swap3A_269, %swap3A_270] {strides = array<i32>} : memref<80x128xf32, #tpu.memory_space<vmem>>, vector<1x16xf32>,
          %swap3A_272 = vector.shape_cast %swap3A_271 : vector<1x16xf32> to vector<1x16xf32>
          %swap3A_273 = vector.shape_cast %max3A_268 : vector<1x16xf32> to vector<1x16xf32>
          tpu.vector_store %arg11[%swap3A_269, %swap3A_270], %swap3A_273 {strides = array<i32>} : memref<80x128xf32, #tpu.memory_space<vmem>>, vector<1x16xf32>,
          %get3A_274 = arith.index_cast %add3A_157 : i32 to index
          %get3A_275 = arith.constant 112 : index
          %get3A_276 = tpu.vector_load %arg11[%get3A_274, %get3A_275] {strides = array<i32>} : memref<80x128xf32, #tpu.memory_space<vmem>>, vector<1x16xf32>,
          %get3A_277 = vector.shape_cast %get3A_276 : vector<1x16xf32> to vector<1x16xf32>
          %get3A_278 = arith.index_cast %add3A_157 : i32 to index
          %get3A_279 = arith.constant 112 : index
          %get3A_280 = tpu.vector_load %arg12[%get3A_278, %get3A_279] {strides = array<i32>} : memref<80x128xf32, #tpu.memory_space<vmem>>, vector<1x16xf32>,
          %get3A_281 = vector.shape_cast %get3A_280 : vector<1x16xf32> to vector<1x16xf32>
          %add3A_282 = arith.addf %get3A_277, %get3A_281 : vector<1x16xf32>
          %max3A_283 = arith.constant 0.000000e+00 : f32
          %max3A_284 = vector.broadcast %max3A_283 : f32 to vector<1x16xf32>
          %max3A_285 = arith.maximumf %add3A_282, %max3A_284 : vector<1x16xf32>
          %swap3A_286 = arith.index_cast %add3A_157 : i32 to index
          %swap3A_287 = arith.constant 112 : index
          %swap3A_288 = tpu.vector_load %arg11[%swap3A_286, %swap3A_287] {strides = array<i32>} : memref<80x128xf32, #tpu.memory_space<vmem>>, vector<1x16xf32>,
          %swap3A_289 = vector.shape_cast %swap3A_288 : vector<1x16xf32> to vector<1x16xf32>
          %swap3A_290 = vector.shape_cast %max3A_285 : vector<1x16xf32> to vector<1x16xf32>
          tpu.vector_store %arg11[%swap3A_286, %swap3A_287], %swap3A_290 {strides = array<i32>} : memref<80x128xf32, #tpu.memory_space<vmem>>, vector<1x16xf32>,
        }
        %scan3A_151 = arith.constant 80 : i32
        %run_scoped3A_152 = arith.constant 0 : i32
        "tpu.region"() ({
          %run_scoped3A_153 = tpu.sem_alloc : memref<!tpu.dma_semaphore, #tpu.memory_space<semaphore_mem>>
          %dma_start3A = arith.constant 0 : i32
          %dma_start3A_154 = tpu.memref_slice %arg8[%run_scoped3A_152, %dma_start3A] : memref<1x80xi32, #tpu.memory_space<vmem>> -> memref<1x80xi32, #tpu.memory_space<vmem>>
          %dma_start3A_155 = tpu.memref_squeeze %dma_start3A_154 : memref<1x80xi32, #tpu.memory_space<vmem>> -> memref<80xi32, #tpu.memory_space<vmem>>
          %dma_start3A_156 = arith.constant 0 : i32
          %dma_start3A_157 = arith.constant 0 : i32
          %dma_start3A_158 = tpu.memref_slice %arg14[%dma_start3A_156, %dma_start3A_157] : memref<10008x128xf32, #tpu.memory_space<vmem_shared>> -> memref<10008x128xf32, #tpu.memory_space<vmem_shared>>
          tpu.enqueue_indirect_dma source(%arg11 : memref<80x128xf32, #tpu.memory_space<vmem>>) target(%dma_start3A_158 : memref<10008x128xf32, #tpu.memory_space<vmem_shared>>) offsets(%dma_start3A_155 : memref<80xi32, #tpu.memory_space<vmem>>) semaphore(%run_scoped3A_153 : memref<!tpu.dma_semaphore, #tpu.memory_space<semaphore_mem>>) {add = true}
          %dma_wait3A = arith.constant 0 : i32
          %dma_wait3A_159 = tpu.memref_slice %arg8[%run_scoped3A_152, %dma_wait3A] : memref<1x80xi32, #tpu.memory_space<vmem>> -> memref<1x80xi32, #tpu.memory_space<vmem>>
          %dma_wait3A_160 = tpu.memref_squeeze %dma_wait3A_159 : memref<1x80xi32, #tpu.memory_space<vmem>> -> memref<80xi32, #tpu.memory_space<vmem>>
          %dma_wait3A_161 = arith.constant 0 : i32
          %dma_wait3A_162 = arith.constant 0 : i32
          %dma_wait3A_163 = tpu.memref_slice %arg14[%dma_wait3A_161, %dma_wait3A_162] : memref<10008x128xf32, #tpu.memory_space<vmem_shared>> -> memref<10008x128xf32, #tpu.memory_space<vmem_shared>>
          tpu.wait_indirect_dma semaphore(%run_scoped3A_153 : memref<!tpu.dma_semaphore, #tpu.memory_space<semaphore_mem>>) src(%arg11 : memref<80x128xf32, #tpu.memory_space<vmem>>) dst(%dma_wait3A_163 : memref<10008x128xf32, #tpu.memory_space<vmem_shared>>)
          tpu.yield
        }) : () -> ()
      }
      %scan3A_69 = arith.constant 500 : i32
      %barrier3A_70 = arith.constant 0 : index
      tpu.barrier barrier_id(%barrier3A_70)
      %add3A_71 = arith.constant 0 : i32
      %add3A_72 = arith.addi %arg1, %add3A_71 : i32
      %lt3A_73 = arith.constant 125 : i32
      %lt3A_74 = arith.cmpi slt, %add3A_72, %lt3A_73 : i32
      %convert_element_type3A_75 = arith.extui %lt3A_74 : i1 to i32
      %cond3A_76 = arith.constant 0 : i32
      %cond3A_77 = arith.cmpi ne, %convert_element_type3A_75, %cond3A_76 : i32
      scf.if %cond3A_77 {
        %mul3A_128 = arith.constant 80 : i32
        %mul3A_129 = arith.muli %add3A_72, %mul3A_128 : i32
        "tpu.region"() ({
          %run_scoped3A = tpu.sem_alloc : memref<!tpu.dma_semaphore, #tpu.memory_space<semaphore_mem>>
          %dma_start3A = arith.constant 0 : i32
          %dma_start3A_131 = tpu.memref_slice %arg14[%mul3A_129, %dma_start3A] : memref<10008x128xf32, #tpu.memory_space<vmem_shared>> -> memref<80x128xf32, #tpu.memory_space<vmem_shared>>
          %dma_start3A_132 = arith.constant 0 : i32
          %dma_start3A_133 = tpu.memref_slice %arg14[%mul3A_129, %dma_start3A_132] : memref<10008x128xf32, #tpu.memory_space<vmem_shared>> -> memref<80x128xf32, #tpu.memory_space<vmem_shared>>
          tpu.enqueue_dma source(%dma_start3A_133 : memref<80x128xf32, #tpu.memory_space<vmem_shared>>) target(%arg13 : memref<80x128xf32, #tpu.memory_space<vmem>>) target_semaphore(%run_scoped3A : memref<!tpu.dma_semaphore, #tpu.memory_space<semaphore_mem>>)
          %dma_wait3A = arith.constant 0 : i32
          %dma_wait3A_134 = tpu.memref_slice %arg14[%mul3A_129, %dma_wait3A] : memref<10008x128xf32, #tpu.memory_space<vmem_shared>> -> memref<80x128xf32, #tpu.memory_space<vmem_shared>>
          %dma_wait3A_135 = arith.constant 0 : i32
          %dma_wait3A_136 = tpu.memref_slice %arg14[%mul3A_129, %dma_wait3A_135] : memref<10008x128xf32, #tpu.memory_space<vmem_shared>> -> memref<80x128xf32, #tpu.memory_space<vmem_shared>>
          tpu.wait_dma2 semaphore(%run_scoped3A : memref<!tpu.dma_semaphore, #tpu.memory_space<semaphore_mem>>) src(%dma_wait3A_136 : memref<80x128xf32, #tpu.memory_space<vmem_shared>>) dst(%arg13 : memref<80x128xf32, #tpu.memory_space<vmem>>)
          tpu.yield
        }) : () -> ()
        %add3A_130 = arith.addi %mul3A_11, %mul3A_129 : i32
        "tpu.region"() ({
          %run_scoped3A = tpu.sem_alloc : memref<!tpu.dma_semaphore, #tpu.memory_space<semaphore_mem>>
          %dma_start3A = arith.constant 0 : i32
          %dma_start3A_131 = tpu.memref_slice %arg7[%add3A_130, %dma_start3A] : memref<320000x128xf32, #tpu.memory_space<hbm>> -> memref<80x128xf32, #tpu.memory_space<hbm>>
          %dma_start3A_132 = arith.constant 0 : i32
          %dma_start3A_133 = tpu.memref_slice %arg7[%add3A_130, %dma_start3A_132] : memref<320000x128xf32, #tpu.memory_space<hbm>> -> memref<80x128xf32, #tpu.memory_space<hbm>>
          tpu.enqueue_dma source(%arg13 : memref<80x128xf32, #tpu.memory_space<vmem>>) target(%dma_start3A_133 : memref<80x128xf32, #tpu.memory_space<hbm>>) target_semaphore(%run_scoped3A : memref<!tpu.dma_semaphore, #tpu.memory_space<semaphore_mem>>)
          %dma_wait3A = arith.constant 0 : i32
          %dma_wait3A_134 = tpu.memref_slice %arg7[%add3A_130, %dma_wait3A] : memref<320000x128xf32, #tpu.memory_space<hbm>> -> memref<80x128xf32, #tpu.memory_space<hbm>>
          %dma_wait3A_135 = arith.constant 0 : i32
          %dma_wait3A_136 = tpu.memref_slice %arg7[%add3A_130, %dma_wait3A_135] : memref<320000x128xf32, #tpu.memory_space<hbm>> -> memref<80x128xf32, #tpu.memory_space<hbm>>
          tpu.wait_dma2 semaphore(%run_scoped3A : memref<!tpu.dma_semaphore, #tpu.memory_space<semaphore_mem>>) src(%arg13 : memref<80x128xf32, #tpu.memory_space<vmem>>) dst(%dma_wait3A_136 : memref<80x128xf32, #tpu.memory_space<hbm>>)
          tpu.yield
        }) : () -> ()
      } else {
      }
      %add3A_78 = arith.constant 16 : i32
      %add3A_79 = arith.addi %arg1, %add3A_78 : i32
      %lt3A_80 = arith.constant 125 : i32
      %lt3A_81 = arith.cmpi slt, %add3A_79, %lt3A_80 : i32
      %convert_element_type3A_82 = arith.extui %lt3A_81 : i1 to i32
      %cond3A_83 = arith.constant 0 : i32
      %cond3A_84 = arith.cmpi ne, %convert_element_type3A_82, %cond3A_83 : i32
      scf.if %cond3A_84 {
        %mul3A_128 = arith.constant 80 : i32
        %mul3A_129 = arith.muli %add3A_79, %mul3A_128 : i32
        "tpu.region"() ({
          %run_scoped3A = tpu.sem_alloc : memref<!tpu.dma_semaphore, #tpu.memory_space<semaphore_mem>>
          %dma_start3A = arith.constant 0 : i32
          %dma_start3A_131 = tpu.memref_slice %arg14[%mul3A_129, %dma_start3A] : memref<10008x128xf32, #tpu.memory_space<vmem_shared>> -> memref<80x128xf32, #tpu.memory_space<vmem_shared>>
          %dma_start3A_132 = arith.constant 0 : i32
          %dma_start3A_133 = tpu.memref_slice %arg14[%mul3A_129, %dma_start3A_132] : memref<10008x128xf32, #tpu.memory_space<vmem_shared>> -> memref<80x128xf32, #tpu.memory_space<vmem_shared>>
          tpu.enqueue_dma source(%dma_start3A_133 : memref<80x128xf32, #tpu.memory_space<vmem_shared>>) target(%arg13 : memref<80x128xf32, #tpu.memory_space<vmem>>) target_semaphore(%run_scoped3A : memref<!tpu.dma_semaphore, #tpu.memory_space<semaphore_mem>>)
          %dma_wait3A = arith.constant 0 : i32
          %dma_wait3A_134 = tpu.memref_slice %arg14[%mul3A_129, %dma_wait3A] : memref<10008x128xf32, #tpu.memory_space<vmem_shared>> -> memref<80x128xf32, #tpu.memory_space<vmem_shared>>
          %dma_wait3A_135 = arith.constant 0 : i32
          %dma_wait3A_136 = tpu.memref_slice %arg14[%mul3A_129, %dma_wait3A_135] : memref<10008x128xf32, #tpu.memory_space<vmem_shared>> -> memref<80x128xf32, #tpu.memory_space<vmem_shared>>
          tpu.wait_dma2 semaphore(%run_scoped3A : memref<!tpu.dma_semaphore, #tpu.memory_space<semaphore_mem>>) src(%dma_wait3A_136 : memref<80x128xf32, #tpu.memory_space<vmem_shared>>) dst(%arg13 : memref<80x128xf32, #tpu.memory_space<vmem>>)
          tpu.yield
        }) : () -> ()
        %add3A_130 = arith.addi %mul3A_11, %mul3A_129 : i32
        "tpu.region"() ({
          %run_scoped3A = tpu.sem_alloc : memref<!tpu.dma_semaphore, #tpu.memory_space<semaphore_mem>>
          %dma_start3A = arith.constant 0 : i32
          %dma_start3A_131 = tpu.memref_slice %arg7[%add3A_130, %dma_start3A] : memref<320000x128xf32, #tpu.memory_space<hbm>> -> memref<80x128xf32, #tpu.memory_space<hbm>>
          %dma_start3A_132 = arith.constant 0 : i32
          %dma_start3A_133 = tpu.memref_slice %arg7[%add3A_130, %dma_start3A_132] : memref<320000x128xf32, #tpu.memory_space<hbm>> -> memref<80x128xf32, #tpu.memory_space<hbm>>
          tpu.enqueue_dma source(%arg13 : memref<80x128xf32, #tpu.memory_space<vmem>>) target(%dma_start3A_133 : memref<80x128xf32, #tpu.memory_space<hbm>>) target_semaphore(%run_scoped3A : memref<!tpu.dma_semaphore, #tpu.memory_space<semaphore_mem>>)
          %dma_wait3A = arith.constant 0 : i32
          %dma_wait3A_134 = tpu.memref_slice %arg7[%add3A_130, %dma_wait3A] : memref<320000x128xf32, #tpu.memory_space<hbm>> -> memref<80x128xf32, #tpu.memory_space<hbm>>
          %dma_wait3A_135 = arith.constant 0 : i32
          %dma_wait3A_136 = tpu.memref_slice %arg7[%add3A_130, %dma_wait3A_135] : memref<320000x128xf32, #tpu.memory_space<hbm>> -> memref<80x128xf32, #tpu.memory_space<hbm>>
          tpu.wait_dma2 semaphore(%run_scoped3A : memref<!tpu.dma_semaphore, #tpu.memory_space<semaphore_mem>>) src(%arg13 : memref<80x128xf32, #tpu.memory_space<vmem>>) dst(%dma_wait3A_136 : memref<80x128xf32, #tpu.memory_space<hbm>>)
          tpu.yield
        }) : () -> ()
      } else {
      }
      %add3A_85 = arith.constant 32 : i32
      %add3A_86 = arith.addi %arg1, %add3A_85 : i32
      %lt3A_87 = arith.constant 125 : i32
      %lt3A_88 = arith.cmpi slt, %add3A_86, %lt3A_87 : i32
      %convert_element_type3A_89 = arith.extui %lt3A_88 : i1 to i32
      %cond3A_90 = arith.constant 0 : i32
      %cond3A_91 = arith.cmpi ne, %convert_element_type3A_89, %cond3A_90 : i32
      scf.if %cond3A_91 {
        %mul3A_128 = arith.constant 80 : i32
        %mul3A_129 = arith.muli %add3A_86, %mul3A_128 : i32
        "tpu.region"() ({
          %run_scoped3A = tpu.sem_alloc : memref<!tpu.dma_semaphore, #tpu.memory_space<semaphore_mem>>
          %dma_start3A = arith.constant 0 : i32
          %dma_start3A_131 = tpu.memref_slice %arg14[%mul3A_129, %dma_start3A] : memref<10008x128xf32, #tpu.memory_space<vmem_shared>> -> memref<80x128xf32, #tpu.memory_space<vmem_shared>>
          %dma_start3A_132 = arith.constant 0 : i32
          %dma_start3A_133 = tpu.memref_slice %arg14[%mul3A_129, %dma_start3A_132] : memref<10008x128xf32, #tpu.memory_space<vmem_shared>> -> memref<80x128xf32, #tpu.memory_space<vmem_shared>>
          tpu.enqueue_dma source(%dma_start3A_133 : memref<80x128xf32, #tpu.memory_space<vmem_shared>>) target(%arg13 : memref<80x128xf32, #tpu.memory_space<vmem>>) target_semaphore(%run_scoped3A : memref<!tpu.dma_semaphore, #tpu.memory_space<semaphore_mem>>)
          %dma_wait3A = arith.constant 0 : i32
          %dma_wait3A_134 = tpu.memref_slice %arg14[%mul3A_129, %dma_wait3A] : memref<10008x128xf32, #tpu.memory_space<vmem_shared>> -> memref<80x128xf32, #tpu.memory_space<vmem_shared>>
          %dma_wait3A_135 = arith.constant 0 : i32
          %dma_wait3A_136 = tpu.memref_slice %arg14[%mul3A_129, %dma_wait3A_135] : memref<10008x128xf32, #tpu.memory_space<vmem_shared>> -> memref<80x128xf32, #tpu.memory_space<vmem_shared>>
          tpu.wait_dma2 semaphore(%run_scoped3A : memref<!tpu.dma_semaphore, #tpu.memory_space<semaphore_mem>>) src(%dma_wait3A_136 : memref<80x128xf32, #tpu.memory_space<vmem_shared>>) dst(%arg13 : memref<80x128xf32, #tpu.memory_space<vmem>>)
          tpu.yield
        }) : () -> ()
        %add3A_130 = arith.addi %mul3A_11, %mul3A_129 : i32
        "tpu.region"() ({
          %run_scoped3A = tpu.sem_alloc : memref<!tpu.dma_semaphore, #tpu.memory_space<semaphore_mem>>
          %dma_start3A = arith.constant 0 : i32
          %dma_start3A_131 = tpu.memref_slice %arg7[%add3A_130, %dma_start3A] : memref<320000x128xf32, #tpu.memory_space<hbm>> -> memref<80x128xf32, #tpu.memory_space<hbm>>
          %dma_start3A_132 = arith.constant 0 : i32
          %dma_start3A_133 = tpu.memref_slice %arg7[%add3A_130, %dma_start3A_132] : memref<320000x128xf32, #tpu.memory_space<hbm>> -> memref<80x128xf32, #tpu.memory_space<hbm>>
          tpu.enqueue_dma source(%arg13 : memref<80x128xf32, #tpu.memory_space<vmem>>) target(%dma_start3A_133 : memref<80x128xf32, #tpu.memory_space<hbm>>) target_semaphore(%run_scoped3A : memref<!tpu.dma_semaphore, #tpu.memory_space<semaphore_mem>>)
          %dma_wait3A = arith.constant 0 : i32
          %dma_wait3A_134 = tpu.memref_slice %arg7[%add3A_130, %dma_wait3A] : memref<320000x128xf32, #tpu.memory_space<hbm>> -> memref<80x128xf32, #tpu.memory_space<hbm>>
          %dma_wait3A_135 = arith.constant 0 : i32
          %dma_wait3A_136 = tpu.memref_slice %arg7[%add3A_130, %dma_wait3A_135] : memref<320000x128xf32, #tpu.memory_space<hbm>> -> memref<80x128xf32, #tpu.memory_space<hbm>>
          tpu.wait_dma2 semaphore(%run_scoped3A : memref<!tpu.dma_semaphore, #tpu.memory_space<semaphore_mem>>) src(%arg13 : memref<80x128xf32, #tpu.memory_space<vmem>>) dst(%dma_wait3A_136 : memref<80x128xf32, #tpu.memory_space<hbm>>)
          tpu.yield
        }) : () -> ()
      } else {
      }
      %add3A_92 = arith.constant 48 : i32
      %add3A_93 = arith.addi %arg1, %add3A_92 : i32
      %lt3A_94 = arith.constant 125 : i32
      %lt3A_95 = arith.cmpi slt, %add3A_93, %lt3A_94 : i32
      %convert_element_type3A_96 = arith.extui %lt3A_95 : i1 to i32
      %cond3A_97 = arith.constant 0 : i32
      %cond3A_98 = arith.cmpi ne, %convert_element_type3A_96, %cond3A_97 : i32
      scf.if %cond3A_98 {
        %mul3A_128 = arith.constant 80 : i32
        %mul3A_129 = arith.muli %add3A_93, %mul3A_128 : i32
        "tpu.region"() ({
          %run_scoped3A = tpu.sem_alloc : memref<!tpu.dma_semaphore, #tpu.memory_space<semaphore_mem>>
          %dma_start3A = arith.constant 0 : i32
          %dma_start3A_131 = tpu.memref_slice %arg14[%mul3A_129, %dma_start3A] : memref<10008x128xf32, #tpu.memory_space<vmem_shared>> -> memref<80x128xf32, #tpu.memory_space<vmem_shared>>
          %dma_start3A_132 = arith.constant 0 : i32
          %dma_start3A_133 = tpu.memref_slice %arg14[%mul3A_129, %dma_start3A_132] : memref<10008x128xf32, #tpu.memory_space<vmem_shared>> -> memref<80x128xf32, #tpu.memory_space<vmem_shared>>
          tpu.enqueue_dma source(%dma_start3A_133 : memref<80x128xf32, #tpu.memory_space<vmem_shared>>) target(%arg13 : memref<80x128xf32, #tpu.memory_space<vmem>>) target_semaphore(%run_scoped3A : memref<!tpu.dma_semaphore, #tpu.memory_space<semaphore_mem>>)
          %dma_wait3A = arith.constant 0 : i32
          %dma_wait3A_134 = tpu.memref_slice %arg14[%mul3A_129, %dma_wait3A] : memref<10008x128xf32, #tpu.memory_space<vmem_shared>> -> memref<80x128xf32, #tpu.memory_space<vmem_shared>>
          %dma_wait3A_135 = arith.constant 0 : i32
          %dma_wait3A_136 = tpu.memref_slice %arg14[%mul3A_129, %dma_wait3A_135] : memref<10008x128xf32, #tpu.memory_space<vmem_shared>> -> memref<80x128xf32, #tpu.memory_space<vmem_shared>>
          tpu.wait_dma2 semaphore(%run_scoped3A : memref<!tpu.dma_semaphore, #tpu.memory_space<semaphore_mem>>) src(%dma_wait3A_136 : memref<80x128xf32, #tpu.memory_space<vmem_shared>>) dst(%arg13 : memref<80x128xf32, #tpu.memory_space<vmem>>)
          tpu.yield
        }) : () -> ()
        %add3A_130 = arith.addi %mul3A_11, %mul3A_129 : i32
        "tpu.region"() ({
          %run_scoped3A = tpu.sem_alloc : memref<!tpu.dma_semaphore, #tpu.memory_space<semaphore_mem>>
          %dma_start3A = arith.constant 0 : i32
          %dma_start3A_131 = tpu.memref_slice %arg7[%add3A_130, %dma_start3A] : memref<320000x128xf32, #tpu.memory_space<hbm>> -> memref<80x128xf32, #tpu.memory_space<hbm>>
          %dma_start3A_132 = arith.constant 0 : i32
          %dma_start3A_133 = tpu.memref_slice %arg7[%add3A_130, %dma_start3A_132] : memref<320000x128xf32, #tpu.memory_space<hbm>> -> memref<80x128xf32, #tpu.memory_space<hbm>>
          tpu.enqueue_dma source(%arg13 : memref<80x128xf32, #tpu.memory_space<vmem>>) target(%dma_start3A_133 : memref<80x128xf32, #tpu.memory_space<hbm>>) target_semaphore(%run_scoped3A : memref<!tpu.dma_semaphore, #tpu.memory_space<semaphore_mem>>)
          %dma_wait3A = arith.constant 0 : i32
          %dma_wait3A_134 = tpu.memref_slice %arg7[%add3A_130, %dma_wait3A] : memref<320000x128xf32, #tpu.memory_space<hbm>> -> memref<80x128xf32, #tpu.memory_space<hbm>>
          %dma_wait3A_135 = arith.constant 0 : i32
          %dma_wait3A_136 = tpu.memref_slice %arg7[%add3A_130, %dma_wait3A_135] : memref<320000x128xf32, #tpu.memory_space<hbm>> -> memref<80x128xf32, #tpu.memory_space<hbm>>
          tpu.wait_dma2 semaphore(%run_scoped3A : memref<!tpu.dma_semaphore, #tpu.memory_space<semaphore_mem>>) src(%arg13 : memref<80x128xf32, #tpu.memory_space<vmem>>) dst(%dma_wait3A_136 : memref<80x128xf32, #tpu.memory_space<hbm>>)
          tpu.yield
        }) : () -> ()
      } else {
      }
      %add3A_99 = arith.constant 64 : i32
      %add3A_100 = arith.addi %arg1, %add3A_99 : i32
      %lt3A_101 = arith.constant 125 : i32
      %lt3A_102 = arith.cmpi slt, %add3A_100, %lt3A_101 : i32
      %convert_element_type3A_103 = arith.extui %lt3A_102 : i1 to i32
      %cond3A_104 = arith.constant 0 : i32
      %cond3A_105 = arith.cmpi ne, %convert_element_type3A_103, %cond3A_104 : i32
      scf.if %cond3A_105 {
        %mul3A_128 = arith.constant 80 : i32
        %mul3A_129 = arith.muli %add3A_100, %mul3A_128 : i32
        "tpu.region"() ({
          %run_scoped3A = tpu.sem_alloc : memref<!tpu.dma_semaphore, #tpu.memory_space<semaphore_mem>>
          %dma_start3A = arith.constant 0 : i32
          %dma_start3A_131 = tpu.memref_slice %arg14[%mul3A_129, %dma_start3A] : memref<10008x128xf32, #tpu.memory_space<vmem_shared>> -> memref<80x128xf32, #tpu.memory_space<vmem_shared>>
          %dma_start3A_132 = arith.constant 0 : i32
          %dma_start3A_133 = tpu.memref_slice %arg14[%mul3A_129, %dma_start3A_132] : memref<10008x128xf32, #tpu.memory_space<vmem_shared>> -> memref<80x128xf32, #tpu.memory_space<vmem_shared>>
          tpu.enqueue_dma source(%dma_start3A_133 : memref<80x128xf32, #tpu.memory_space<vmem_shared>>) target(%arg13 : memref<80x128xf32, #tpu.memory_space<vmem>>) target_semaphore(%run_scoped3A : memref<!tpu.dma_semaphore, #tpu.memory_space<semaphore_mem>>)
          %dma_wait3A = arith.constant 0 : i32
          %dma_wait3A_134 = tpu.memref_slice %arg14[%mul3A_129, %dma_wait3A] : memref<10008x128xf32, #tpu.memory_space<vmem_shared>> -> memref<80x128xf32, #tpu.memory_space<vmem_shared>>
          %dma_wait3A_135 = arith.constant 0 : i32
          %dma_wait3A_136 = tpu.memref_slice %arg14[%mul3A_129, %dma_wait3A_135] : memref<10008x128xf32, #tpu.memory_space<vmem_shared>> -> memref<80x128xf32, #tpu.memory_space<vmem_shared>>
          tpu.wait_dma2 semaphore(%run_scoped3A : memref<!tpu.dma_semaphore, #tpu.memory_space<semaphore_mem>>) src(%dma_wait3A_136 : memref<80x128xf32, #tpu.memory_space<vmem_shared>>) dst(%arg13 : memref<80x128xf32, #tpu.memory_space<vmem>>)
          tpu.yield
        }) : () -> ()
        %add3A_130 = arith.addi %mul3A_11, %mul3A_129 : i32
        "tpu.region"() ({
          %run_scoped3A = tpu.sem_alloc : memref<!tpu.dma_semaphore, #tpu.memory_space<semaphore_mem>>
          %dma_start3A = arith.constant 0 : i32
          %dma_start3A_131 = tpu.memref_slice %arg7[%add3A_130, %dma_start3A] : memref<320000x128xf32, #tpu.memory_space<hbm>> -> memref<80x128xf32, #tpu.memory_space<hbm>>
          %dma_start3A_132 = arith.constant 0 : i32
          %dma_start3A_133 = tpu.memref_slice %arg7[%add3A_130, %dma_start3A_132] : memref<320000x128xf32, #tpu.memory_space<hbm>> -> memref<80x128xf32, #tpu.memory_space<hbm>>
          tpu.enqueue_dma source(%arg13 : memref<80x128xf32, #tpu.memory_space<vmem>>) target(%dma_start3A_133 : memref<80x128xf32, #tpu.memory_space<hbm>>) target_semaphore(%run_scoped3A : memref<!tpu.dma_semaphore, #tpu.memory_space<semaphore_mem>>)
          %dma_wait3A = arith.constant 0 : i32
          %dma_wait3A_134 = tpu.memref_slice %arg7[%add3A_130, %dma_wait3A] : memref<320000x128xf32, #tpu.memory_space<hbm>> -> memref<80x128xf32, #tpu.memory_space<hbm>>
          %dma_wait3A_135 = arith.constant 0 : i32
          %dma_wait3A_136 = tpu.memref_slice %arg7[%add3A_130, %dma_wait3A_135] : memref<320000x128xf32, #tpu.memory_space<hbm>> -> memref<80x128xf32, #tpu.memory_space<hbm>>
          tpu.wait_dma2 semaphore(%run_scoped3A : memref<!tpu.dma_semaphore, #tpu.memory_space<semaphore_mem>>) src(%arg13 : memref<80x128xf32, #tpu.memory_space<vmem>>) dst(%dma_wait3A_136 : memref<80x128xf32, #tpu.memory_space<hbm>>)
          tpu.yield
        }) : () -> ()
      } else {
      }
      %add3A_106 = arith.constant 80 : i32
      %add3A_107 = arith.addi %arg1, %add3A_106 : i32
      %lt3A_108 = arith.constant 125 : i32
      %lt3A_109 = arith.cmpi slt, %add3A_107, %lt3A_108 : i32
      %convert_element_type3A_110 = arith.extui %lt3A_109 : i1 to i32
      %cond3A_111 = arith.constant 0 : i32
      %cond3A_112 = arith.cmpi ne, %convert_element_type3A_110, %cond3A_111 : i32
      scf.if %cond3A_112 {
        %mul3A_128 = arith.constant 80 : i32
        %mul3A_129 = arith.muli %add3A_107, %mul3A_128 : i32
        "tpu.region"() ({
          %run_scoped3A = tpu.sem_alloc : memref<!tpu.dma_semaphore, #tpu.memory_space<semaphore_mem>>
          %dma_start3A = arith.constant 0 : i32
          %dma_start3A_131 = tpu.memref_slice %arg14[%mul3A_129, %dma_start3A] : memref<10008x128xf32, #tpu.memory_space<vmem_shared>> -> memref<80x128xf32, #tpu.memory_space<vmem_shared>>
          %dma_start3A_132 = arith.constant 0 : i32
          %dma_start3A_133 = tpu.memref_slice %arg14[%mul3A_129, %dma_start3A_132] : memref<10008x128xf32, #tpu.memory_space<vmem_shared>> -> memref<80x128xf32, #tpu.memory_space<vmem_shared>>
          tpu.enqueue_dma source(%dma_start3A_133 : memref<80x128xf32, #tpu.memory_space<vmem_shared>>) target(%arg13 : memref<80x128xf32, #tpu.memory_space<vmem>>) target_semaphore(%run_scoped3A : memref<!tpu.dma_semaphore, #tpu.memory_space<semaphore_mem>>)
          %dma_wait3A = arith.constant 0 : i32
          %dma_wait3A_134 = tpu.memref_slice %arg14[%mul3A_129, %dma_wait3A] : memref<10008x128xf32, #tpu.memory_space<vmem_shared>> -> memref<80x128xf32, #tpu.memory_space<vmem_shared>>
          %dma_wait3A_135 = arith.constant 0 : i32
          %dma_wait3A_136 = tpu.memref_slice %arg14[%mul3A_129, %dma_wait3A_135] : memref<10008x128xf32, #tpu.memory_space<vmem_shared>> -> memref<80x128xf32, #tpu.memory_space<vmem_shared>>
          tpu.wait_dma2 semaphore(%run_scoped3A : memref<!tpu.dma_semaphore, #tpu.memory_space<semaphore_mem>>) src(%dma_wait3A_136 : memref<80x128xf32, #tpu.memory_space<vmem_shared>>) dst(%arg13 : memref<80x128xf32, #tpu.memory_space<vmem>>)
          tpu.yield
        }) : () -> ()
        %add3A_130 = arith.addi %mul3A_11, %mul3A_129 : i32
        "tpu.region"() ({
          %run_scoped3A = tpu.sem_alloc : memref<!tpu.dma_semaphore, #tpu.memory_space<semaphore_mem>>
          %dma_start3A = arith.constant 0 : i32
          %dma_start3A_131 = tpu.memref_slice %arg7[%add3A_130, %dma_start3A] : memref<320000x128xf32, #tpu.memory_space<hbm>> -> memref<80x128xf32, #tpu.memory_space<hbm>>
          %dma_start3A_132 = arith.constant 0 : i32
          %dma_start3A_133 = tpu.memref_slice %arg7[%add3A_130, %dma_start3A_132] : memref<320000x128xf32, #tpu.memory_space<hbm>> -> memref<80x128xf32, #tpu.memory_space<hbm>>
          tpu.enqueue_dma source(%arg13 : memref<80x128xf32, #tpu.memory_space<vmem>>) target(%dma_start3A_133 : memref<80x128xf32, #tpu.memory_space<hbm>>) target_semaphore(%run_scoped3A : memref<!tpu.dma_semaphore, #tpu.memory_space<semaphore_mem>>)
          %dma_wait3A = arith.constant 0 : i32
          %dma_wait3A_134 = tpu.memref_slice %arg7[%add3A_130, %dma_wait3A] : memref<320000x128xf32, #tpu.memory_space<hbm>> -> memref<80x128xf32, #tpu.memory_space<hbm>>
          %dma_wait3A_135 = arith.constant 0 : i32
          %dma_wait3A_136 = tpu.memref_slice %arg7[%add3A_130, %dma_wait3A_135] : memref<320000x128xf32, #tpu.memory_space<hbm>> -> memref<80x128xf32, #tpu.memory_space<hbm>>
          tpu.wait_dma2 semaphore(%run_scoped3A : memref<!tpu.dma_semaphore, #tpu.memory_space<semaphore_mem>>) src(%arg13 : memref<80x128xf32, #tpu.memory_space<vmem>>) dst(%dma_wait3A_136 : memref<80x128xf32, #tpu.memory_space<hbm>>)
          tpu.yield
        }) : () -> ()
      } else {
      }
      %add3A_113 = arith.constant 96 : i32
      %add3A_114 = arith.addi %arg1, %add3A_113 : i32
      %lt3A_115 = arith.constant 125 : i32
      %lt3A_116 = arith.cmpi slt, %add3A_114, %lt3A_115 : i32
      %convert_element_type3A_117 = arith.extui %lt3A_116 : i1 to i32
      %cond3A_118 = arith.constant 0 : i32
      %cond3A_119 = arith.cmpi ne, %convert_element_type3A_117, %cond3A_118 : i32
      scf.if %cond3A_119 {
        %mul3A_128 = arith.constant 80 : i32
        %mul3A_129 = arith.muli %add3A_114, %mul3A_128 : i32
        "tpu.region"() ({
          %run_scoped3A = tpu.sem_alloc : memref<!tpu.dma_semaphore, #tpu.memory_space<semaphore_mem>>
          %dma_start3A = arith.constant 0 : i32
          %dma_start3A_131 = tpu.memref_slice %arg14[%mul3A_129, %dma_start3A] : memref<10008x128xf32, #tpu.memory_space<vmem_shared>> -> memref<80x128xf32, #tpu.memory_space<vmem_shared>>
          %dma_start3A_132 = arith.constant 0 : i32
          %dma_start3A_133 = tpu.memref_slice %arg14[%mul3A_129, %dma_start3A_132] : memref<10008x128xf32, #tpu.memory_space<vmem_shared>> -> memref<80x128xf32, #tpu.memory_space<vmem_shared>>
          tpu.enqueue_dma source(%dma_start3A_133 : memref<80x128xf32, #tpu.memory_space<vmem_shared>>) target(%arg13 : memref<80x128xf32, #tpu.memory_space<vmem>>) target_semaphore(%run_scoped3A : memref<!tpu.dma_semaphore, #tpu.memory_space<semaphore_mem>>)
          %dma_wait3A = arith.constant 0 : i32
          %dma_wait3A_134 = tpu.memref_slice %arg14[%mul3A_129, %dma_wait3A] : memref<10008x128xf32, #tpu.memory_space<vmem_shared>> -> memref<80x128xf32, #tpu.memory_space<vmem_shared>>
          %dma_wait3A_135 = arith.constant 0 : i32
          %dma_wait3A_136 = tpu.memref_slice %arg14[%mul3A_129, %dma_wait3A_135] : memref<10008x128xf32, #tpu.memory_space<vmem_shared>> -> memref<80x128xf32, #tpu.memory_space<vmem_shared>>
          tpu.wait_dma2 semaphore(%run_scoped3A : memref<!tpu.dma_semaphore, #tpu.memory_space<semaphore_mem>>) src(%dma_wait3A_136 : memref<80x128xf32, #tpu.memory_space<vmem_shared>>) dst(%arg13 : memref<80x128xf32, #tpu.memory_space<vmem>>)
          tpu.yield
        }) : () -> ()
        %add3A_130 = arith.addi %mul3A_11, %mul3A_129 : i32
        "tpu.region"() ({
          %run_scoped3A = tpu.sem_alloc : memref<!tpu.dma_semaphore, #tpu.memory_space<semaphore_mem>>
          %dma_start3A = arith.constant 0 : i32
          %dma_start3A_131 = tpu.memref_slice %arg7[%add3A_130, %dma_start3A] : memref<320000x128xf32, #tpu.memory_space<hbm>> -> memref<80x128xf32, #tpu.memory_space<hbm>>
          %dma_start3A_132 = arith.constant 0 : i32
          %dma_start3A_133 = tpu.memref_slice %arg7[%add3A_130, %dma_start3A_132] : memref<320000x128xf32, #tpu.memory_space<hbm>> -> memref<80x128xf32, #tpu.memory_space<hbm>>
          tpu.enqueue_dma source(%arg13 : memref<80x128xf32, #tpu.memory_space<vmem>>) target(%dma_start3A_133 : memref<80x128xf32, #tpu.memory_space<hbm>>) target_semaphore(%run_scoped3A : memref<!tpu.dma_semaphore, #tpu.memory_space<semaphore_mem>>)
          %dma_wait3A = arith.constant 0 : i32
          %dma_wait3A_134 = tpu.memref_slice %arg7[%add3A_130, %dma_wait3A] : memref<320000x128xf32, #tpu.memory_space<hbm>> -> memref<80x128xf32, #tpu.memory_space<hbm>>
          %dma_wait3A_135 = arith.constant 0 : i32
          %dma_wait3A_136 = tpu.memref_slice %arg7[%add3A_130, %dma_wait3A_135] : memref<320000x128xf32, #tpu.memory_space<hbm>> -> memref<80x128xf32, #tpu.memory_space<hbm>>
          tpu.wait_dma2 semaphore(%run_scoped3A : memref<!tpu.dma_semaphore, #tpu.memory_space<semaphore_mem>>) src(%arg13 : memref<80x128xf32, #tpu.memory_space<vmem>>) dst(%dma_wait3A_136 : memref<80x128xf32, #tpu.memory_space<hbm>>)
          tpu.yield
        }) : () -> ()
      } else {
      }
      %add3A_120 = arith.constant 112 : i32
      %add3A_121 = arith.addi %arg1, %add3A_120 : i32
      %lt3A_122 = arith.constant 125 : i32
      %lt3A_123 = arith.cmpi slt, %add3A_121, %lt3A_122 : i32
      %convert_element_type3A_124 = arith.extui %lt3A_123 : i1 to i32
      %cond3A_125 = arith.constant 0 : i32
      %cond3A_126 = arith.cmpi ne, %convert_element_type3A_124, %cond3A_125 : i32
      scf.if %cond3A_126 {
        %mul3A_128 = arith.constant 80 : i32
        %mul3A_129 = arith.muli %add3A_121, %mul3A_128 : i32
        "tpu.region"() ({
          %run_scoped3A = tpu.sem_alloc : memref<!tpu.dma_semaphore, #tpu.memory_space<semaphore_mem>>
          %dma_start3A = arith.constant 0 : i32
          %dma_start3A_131 = tpu.memref_slice %arg14[%mul3A_129, %dma_start3A] : memref<10008x128xf32, #tpu.memory_space<vmem_shared>> -> memref<80x128xf32, #tpu.memory_space<vmem_shared>>
          %dma_start3A_132 = arith.constant 0 : i32
          %dma_start3A_133 = tpu.memref_slice %arg14[%mul3A_129, %dma_start3A_132] : memref<10008x128xf32, #tpu.memory_space<vmem_shared>> -> memref<80x128xf32, #tpu.memory_space<vmem_shared>>
          tpu.enqueue_dma source(%dma_start3A_133 : memref<80x128xf32, #tpu.memory_space<vmem_shared>>) target(%arg13 : memref<80x128xf32, #tpu.memory_space<vmem>>) target_semaphore(%run_scoped3A : memref<!tpu.dma_semaphore, #tpu.memory_space<semaphore_mem>>)
          %dma_wait3A = arith.constant 0 : i32
          %dma_wait3A_134 = tpu.memref_slice %arg14[%mul3A_129, %dma_wait3A] : memref<10008x128xf32, #tpu.memory_space<vmem_shared>> -> memref<80x128xf32, #tpu.memory_space<vmem_shared>>
          %dma_wait3A_135 = arith.constant 0 : i32
          %dma_wait3A_136 = tpu.memref_slice %arg14[%mul3A_129, %dma_wait3A_135] : memref<10008x128xf32, #tpu.memory_space<vmem_shared>> -> memref<80x128xf32, #tpu.memory_space<vmem_shared>>
          tpu.wait_dma2 semaphore(%run_scoped3A : memref<!tpu.dma_semaphore, #tpu.memory_space<semaphore_mem>>) src(%dma_wait3A_136 : memref<80x128xf32, #tpu.memory_space<vmem_shared>>) dst(%arg13 : memref<80x128xf32, #tpu.memory_space<vmem>>)
          tpu.yield
        }) : () -> ()
        %add3A_130 = arith.addi %mul3A_11, %mul3A_129 : i32
        "tpu.region"() ({
          %run_scoped3A = tpu.sem_alloc : memref<!tpu.dma_semaphore, #tpu.memory_space<semaphore_mem>>
          %dma_start3A = arith.constant 0 : i32
          %dma_start3A_131 = tpu.memref_slice %arg7[%add3A_130, %dma_start3A] : memref<320000x128xf32, #tpu.memory_space<hbm>> -> memref<80x128xf32, #tpu.memory_space<hbm>>
          %dma_start3A_132 = arith.constant 0 : i32
          %dma_start3A_133 = tpu.memref_slice %arg7[%add3A_130, %dma_start3A_132] : memref<320000x128xf32, #tpu.memory_space<hbm>> -> memref<80x128xf32, #tpu.memory_space<hbm>>
          tpu.enqueue_dma source(%arg13 : memref<80x128xf32, #tpu.memory_space<vmem>>) target(%dma_start3A_133 : memref<80x128xf32, #tpu.memory_space<hbm>>) target_semaphore(%run_scoped3A : memref<!tpu.dma_semaphore, #tpu.memory_space<semaphore_mem>>)
          %dma_wait3A = arith.constant 0 : i32
          %dma_wait3A_134 = tpu.memref_slice %arg7[%add3A_130, %dma_wait3A] : memref<320000x128xf32, #tpu.memory_space<hbm>> -> memref<80x128xf32, #tpu.memory_space<hbm>>
          %dma_wait3A_135 = arith.constant 0 : i32
          %dma_wait3A_136 = tpu.memref_slice %arg7[%add3A_130, %dma_wait3A_135] : memref<320000x128xf32, #tpu.memory_space<hbm>> -> memref<80x128xf32, #tpu.memory_space<hbm>>
          tpu.wait_dma2 semaphore(%run_scoped3A : memref<!tpu.dma_semaphore, #tpu.memory_space<semaphore_mem>>) src(%arg13 : memref<80x128xf32, #tpu.memory_space<vmem>>) dst(%dma_wait3A_136 : memref<80x128xf32, #tpu.memory_space<hbm>>)
          tpu.yield
        }) : () -> ()
      } else {
      }
      %barrier3A_127 = arith.constant 0 : index
      tpu.barrier barrier_id(%barrier3A_127)
    }
    %scan3A_3 = arith.constant 16 : i32
    return
  }
}

#map = affine_map<(d0, d1) -> (0, 0)>
#map1 = affine_map<(d0, d1) -> (0)>
module attributes {stable_mosaic.version = 14 : i64} {
  func.func @k(%arg0: i32, %arg1: i32, %arg2: memref<10000x128xf32, #tpu.memory_space<hbm>>, %arg3: memref<320000x128xf32, #tpu.memory_space<hbm>>, %arg4: memref<320000xi32, #tpu.memory_space<hbm>>, %arg5: memref<320000xi32, #tpu.memory_space<hbm>>, %arg6: memref<80x128xf32, #tpu.memory_space<hbm>>, %arg7: memref<320000x128xf32, #tpu.memory_space<hbm>>, %arg8: memref<20000x128xf32, #tpu.memory_space<hbm>>, %arg9: memref<1x80xi32, #tpu.memory_space<vmem>>, %arg10: memref<1x80xi32, #tpu.memory_space<vmem>>, %arg11: memref<80x128xf32, #tpu.memory_space<vmem>>, %arg12: memref<80x128xf32, #tpu.memory_space<vmem>>, %arg13: memref<80x128xf32, #tpu.memory_space<vmem>>, %arg14: memref<80x128xf32, #tpu.memory_space<vmem>>, %arg15: memref<10000x128xf32, #tpu.memory_space<vmem_shared>>) attributes {dimension_semantics = [#tpu.dimension_semantics<core_parallel>, #tpu.dimension_semantics<subcore_parallel>], iteration_bounds = array<i64: 2, 16>, scalar_prefetch = 0 : i64, scratch_operands = 7 : i64, tpu.core_type = #tpu.core_type<sc_vector_subcore>, window_params = [{transform_indices = #map}, {transform_indices = #map}, {transform_indices = #map1}, {transform_indices = #map1}, {transform_indices = #map}, {transform_indices = #map}, {transform_indices = #map}]} {
    %mul3A = arith.constant 16 : i32
    %mul3A_0 = arith.muli %arg0, %mul3A : i32
    %add3A = arith.addi %mul3A_0, %arg1 : i32
    "tpu.region"() ({
      %run_scoped3A = tpu.sem_alloc : memref<!tpu.dma_semaphore, #tpu.memory_space<semaphore_mem>>
      tpu.enqueue_dma source(%arg6 : memref<80x128xf32, #tpu.memory_space<hbm>>) target(%arg14 : memref<80x128xf32, #tpu.memory_space<vmem>>) target_semaphore(%run_scoped3A : memref<!tpu.dma_semaphore, #tpu.memory_space<semaphore_mem>>)
      tpu.wait_dma2 semaphore(%run_scoped3A : memref<!tpu.dma_semaphore, #tpu.memory_space<semaphore_mem>>) src(%arg6 : memref<80x128xf32, #tpu.memory_space<hbm>>) dst(%arg14 : memref<80x128xf32, #tpu.memory_space<vmem>>)
      tpu.yield
    }) : () -> ()
    %add3A_1 = arith.constant 0 : i32
    %add3A_2 = arith.addi %arg1, %add3A_1 : i32
    %lt3A = arith.constant 125 : i32
    %lt3A_3 = arith.cmpi slt, %add3A_2, %lt3A : i32
    %convert_element_type3A = arith.extui %lt3A_3 : i1 to i32
    %cond3A = arith.constant 0 : i32
    %cond3A_4 = arith.cmpi ne, %convert_element_type3A, %cond3A : i32
    scf.if %cond3A_4 {
      %mul3A_115 = arith.constant 80 : i32
      %mul3A_116 = arith.muli %add3A_2, %mul3A_115 : i32
      "tpu.region"() ({
        %run_scoped3A = tpu.sem_alloc : memref<!tpu.dma_semaphore, #tpu.memory_space<semaphore_mem>>
        %dma_start3A = arith.constant 0 : i32
        %dma_start3A_117 = tpu.memref_slice %arg15[%mul3A_116, %dma_start3A] : memref<10000x128xf32, #tpu.memory_space<vmem_shared>> -> memref<80x128xf32, #tpu.memory_space<vmem_shared>>
        %dma_start3A_118 = arith.constant 0 : i32
        %dma_start3A_119 = tpu.memref_slice %arg15[%mul3A_116, %dma_start3A_118] : memref<10000x128xf32, #tpu.memory_space<vmem_shared>> -> memref<80x128xf32, #tpu.memory_space<vmem_shared>>
        tpu.enqueue_dma source(%arg14 : memref<80x128xf32, #tpu.memory_space<vmem>>) target(%dma_start3A_119 : memref<80x128xf32, #tpu.memory_space<vmem_shared>>) target_semaphore(%run_scoped3A : memref<!tpu.dma_semaphore, #tpu.memory_space<semaphore_mem>>)
        %dma_wait3A = arith.constant 0 : i32
        %dma_wait3A_120 = tpu.memref_slice %arg15[%mul3A_116, %dma_wait3A] : memref<10000x128xf32, #tpu.memory_space<vmem_shared>> -> memref<80x128xf32, #tpu.memory_space<vmem_shared>>
        %dma_wait3A_121 = arith.constant 0 : i32
        %dma_wait3A_122 = tpu.memref_slice %arg15[%mul3A_116, %dma_wait3A_121] : memref<10000x128xf32, #tpu.memory_space<vmem_shared>> -> memref<80x128xf32, #tpu.memory_space<vmem_shared>>
        tpu.wait_dma2 semaphore(%run_scoped3A : memref<!tpu.dma_semaphore, #tpu.memory_space<semaphore_mem>>) src(%arg14 : memref<80x128xf32, #tpu.memory_space<vmem>>) dst(%dma_wait3A_122 : memref<80x128xf32, #tpu.memory_space<vmem_shared>>)
        tpu.yield
      }) : () -> ()
    } else {
    }
    %add3A_5 = arith.constant 16 : i32
    %add3A_6 = arith.addi %arg1, %add3A_5 : i32
    %lt3A_7 = arith.constant 125 : i32
    %lt3A_8 = arith.cmpi slt, %add3A_6, %lt3A_7 : i32
    %convert_element_type3A_9 = arith.extui %lt3A_8 : i1 to i32
    %cond3A_10 = arith.constant 0 : i32
    %cond3A_11 = arith.cmpi ne, %convert_element_type3A_9, %cond3A_10 : i32
    scf.if %cond3A_11 {
      %mul3A_115 = arith.constant 80 : i32
      %mul3A_116 = arith.muli %add3A_6, %mul3A_115 : i32
      "tpu.region"() ({
        %run_scoped3A = tpu.sem_alloc : memref<!tpu.dma_semaphore, #tpu.memory_space<semaphore_mem>>
        %dma_start3A = arith.constant 0 : i32
        %dma_start3A_117 = tpu.memref_slice %arg15[%mul3A_116, %dma_start3A] : memref<10000x128xf32, #tpu.memory_space<vmem_shared>> -> memref<80x128xf32, #tpu.memory_space<vmem_shared>>
        %dma_start3A_118 = arith.constant 0 : i32
        %dma_start3A_119 = tpu.memref_slice %arg15[%mul3A_116, %dma_start3A_118] : memref<10000x128xf32, #tpu.memory_space<vmem_shared>> -> memref<80x128xf32, #tpu.memory_space<vmem_shared>>
        tpu.enqueue_dma source(%arg14 : memref<80x128xf32, #tpu.memory_space<vmem>>) target(%dma_start3A_119 : memref<80x128xf32, #tpu.memory_space<vmem_shared>>) target_semaphore(%run_scoped3A : memref<!tpu.dma_semaphore, #tpu.memory_space<semaphore_mem>>)
        %dma_wait3A = arith.constant 0 : i32
        %dma_wait3A_120 = tpu.memref_slice %arg15[%mul3A_116, %dma_wait3A] : memref<10000x128xf32, #tpu.memory_space<vmem_shared>> -> memref<80x128xf32, #tpu.memory_space<vmem_shared>>
        %dma_wait3A_121 = arith.constant 0 : i32
        %dma_wait3A_122 = tpu.memref_slice %arg15[%mul3A_116, %dma_wait3A_121] : memref<10000x128xf32, #tpu.memory_space<vmem_shared>> -> memref<80x128xf32, #tpu.memory_space<vmem_shared>>
        tpu.wait_dma2 semaphore(%run_scoped3A : memref<!tpu.dma_semaphore, #tpu.memory_space<semaphore_mem>>) src(%arg14 : memref<80x128xf32, #tpu.memory_space<vmem>>) dst(%dma_wait3A_122 : memref<80x128xf32, #tpu.memory_space<vmem_shared>>)
        tpu.yield
      }) : () -> ()
    } else {
    }
    %add3A_12 = arith.constant 32 : i32
    %add3A_13 = arith.addi %arg1, %add3A_12 : i32
    %lt3A_14 = arith.constant 125 : i32
    %lt3A_15 = arith.cmpi slt, %add3A_13, %lt3A_14 : i32
    %convert_element_type3A_16 = arith.extui %lt3A_15 : i1 to i32
    %cond3A_17 = arith.constant 0 : i32
    %cond3A_18 = arith.cmpi ne, %convert_element_type3A_16, %cond3A_17 : i32
    scf.if %cond3A_18 {
      %mul3A_115 = arith.constant 80 : i32
      %mul3A_116 = arith.muli %add3A_13, %mul3A_115 : i32
      "tpu.region"() ({
        %run_scoped3A = tpu.sem_alloc : memref<!tpu.dma_semaphore, #tpu.memory_space<semaphore_mem>>
        %dma_start3A = arith.constant 0 : i32
        %dma_start3A_117 = tpu.memref_slice %arg15[%mul3A_116, %dma_start3A] : memref<10000x128xf32, #tpu.memory_space<vmem_shared>> -> memref<80x128xf32, #tpu.memory_space<vmem_shared>>
        %dma_start3A_118 = arith.constant 0 : i32
        %dma_start3A_119 = tpu.memref_slice %arg15[%mul3A_116, %dma_start3A_118] : memref<10000x128xf32, #tpu.memory_space<vmem_shared>> -> memref<80x128xf32, #tpu.memory_space<vmem_shared>>
        tpu.enqueue_dma source(%arg14 : memref<80x128xf32, #tpu.memory_space<vmem>>) target(%dma_start3A_119 : memref<80x128xf32, #tpu.memory_space<vmem_shared>>) target_semaphore(%run_scoped3A : memref<!tpu.dma_semaphore, #tpu.memory_space<semaphore_mem>>)
        %dma_wait3A = arith.constant 0 : i32
        %dma_wait3A_120 = tpu.memref_slice %arg15[%mul3A_116, %dma_wait3A] : memref<10000x128xf32, #tpu.memory_space<vmem_shared>> -> memref<80x128xf32, #tpu.memory_space<vmem_shared>>
        %dma_wait3A_121 = arith.constant 0 : i32
        %dma_wait3A_122 = tpu.memref_slice %arg15[%mul3A_116, %dma_wait3A_121] : memref<10000x128xf32, #tpu.memory_space<vmem_shared>> -> memref<80x128xf32, #tpu.memory_space<vmem_shared>>
        tpu.wait_dma2 semaphore(%run_scoped3A : memref<!tpu.dma_semaphore, #tpu.memory_space<semaphore_mem>>) src(%arg14 : memref<80x128xf32, #tpu.memory_space<vmem>>) dst(%dma_wait3A_122 : memref<80x128xf32, #tpu.memory_space<vmem_shared>>)
        tpu.yield
      }) : () -> ()
    } else {
    }
    %add3A_19 = arith.constant 48 : i32
    %add3A_20 = arith.addi %arg1, %add3A_19 : i32
    %lt3A_21 = arith.constant 125 : i32
    %lt3A_22 = arith.cmpi slt, %add3A_20, %lt3A_21 : i32
    %convert_element_type3A_23 = arith.extui %lt3A_22 : i1 to i32
    %cond3A_24 = arith.constant 0 : i32
    %cond3A_25 = arith.cmpi ne, %convert_element_type3A_23, %cond3A_24 : i32
    scf.if %cond3A_25 {
      %mul3A_115 = arith.constant 80 : i32
      %mul3A_116 = arith.muli %add3A_20, %mul3A_115 : i32
      "tpu.region"() ({
        %run_scoped3A = tpu.sem_alloc : memref<!tpu.dma_semaphore, #tpu.memory_space<semaphore_mem>>
        %dma_start3A = arith.constant 0 : i32
        %dma_start3A_117 = tpu.memref_slice %arg15[%mul3A_116, %dma_start3A] : memref<10000x128xf32, #tpu.memory_space<vmem_shared>> -> memref<80x128xf32, #tpu.memory_space<vmem_shared>>
        %dma_start3A_118 = arith.constant 0 : i32
        %dma_start3A_119 = tpu.memref_slice %arg15[%mul3A_116, %dma_start3A_118] : memref<10000x128xf32, #tpu.memory_space<vmem_shared>> -> memref<80x128xf32, #tpu.memory_space<vmem_shared>>
        tpu.enqueue_dma source(%arg14 : memref<80x128xf32, #tpu.memory_space<vmem>>) target(%dma_start3A_119 : memref<80x128xf32, #tpu.memory_space<vmem_shared>>) target_semaphore(%run_scoped3A : memref<!tpu.dma_semaphore, #tpu.memory_space<semaphore_mem>>)
        %dma_wait3A = arith.constant 0 : i32
        %dma_wait3A_120 = tpu.memref_slice %arg15[%mul3A_116, %dma_wait3A] : memref<10000x128xf32, #tpu.memory_space<vmem_shared>> -> memref<80x128xf32, #tpu.memory_space<vmem_shared>>
        %dma_wait3A_121 = arith.constant 0 : i32
        %dma_wait3A_122 = tpu.memref_slice %arg15[%mul3A_116, %dma_wait3A_121] : memref<10000x128xf32, #tpu.memory_space<vmem_shared>> -> memref<80x128xf32, #tpu.memory_space<vmem_shared>>
        tpu.wait_dma2 semaphore(%run_scoped3A : memref<!tpu.dma_semaphore, #tpu.memory_space<semaphore_mem>>) src(%arg14 : memref<80x128xf32, #tpu.memory_space<vmem>>) dst(%dma_wait3A_122 : memref<80x128xf32, #tpu.memory_space<vmem_shared>>)
        tpu.yield
      }) : () -> ()
    } else {
    }
    %add3A_26 = arith.constant 64 : i32
    %add3A_27 = arith.addi %arg1, %add3A_26 : i32
    %lt3A_28 = arith.constant 125 : i32
    %lt3A_29 = arith.cmpi slt, %add3A_27, %lt3A_28 : i32
    %convert_element_type3A_30 = arith.extui %lt3A_29 : i1 to i32
    %cond3A_31 = arith.constant 0 : i32
    %cond3A_32 = arith.cmpi ne, %convert_element_type3A_30, %cond3A_31 : i32
    scf.if %cond3A_32 {
      %mul3A_115 = arith.constant 80 : i32
      %mul3A_116 = arith.muli %add3A_27, %mul3A_115 : i32
      "tpu.region"() ({
        %run_scoped3A = tpu.sem_alloc : memref<!tpu.dma_semaphore, #tpu.memory_space<semaphore_mem>>
        %dma_start3A = arith.constant 0 : i32
        %dma_start3A_117 = tpu.memref_slice %arg15[%mul3A_116, %dma_start3A] : memref<10000x128xf32, #tpu.memory_space<vmem_shared>> -> memref<80x128xf32, #tpu.memory_space<vmem_shared>>
        %dma_start3A_118 = arith.constant 0 : i32
        %dma_start3A_119 = tpu.memref_slice %arg15[%mul3A_116, %dma_start3A_118] : memref<10000x128xf32, #tpu.memory_space<vmem_shared>> -> memref<80x128xf32, #tpu.memory_space<vmem_shared>>
        tpu.enqueue_dma source(%arg14 : memref<80x128xf32, #tpu.memory_space<vmem>>) target(%dma_start3A_119 : memref<80x128xf32, #tpu.memory_space<vmem_shared>>) target_semaphore(%run_scoped3A : memref<!tpu.dma_semaphore, #tpu.memory_space<semaphore_mem>>)
        %dma_wait3A = arith.constant 0 : i32
        %dma_wait3A_120 = tpu.memref_slice %arg15[%mul3A_116, %dma_wait3A] : memref<10000x128xf32, #tpu.memory_space<vmem_shared>> -> memref<80x128xf32, #tpu.memory_space<vmem_shared>>
        %dma_wait3A_121 = arith.constant 0 : i32
        %dma_wait3A_122 = tpu.memref_slice %arg15[%mul3A_116, %dma_wait3A_121] : memref<10000x128xf32, #tpu.memory_space<vmem_shared>> -> memref<80x128xf32, #tpu.memory_space<vmem_shared>>
        tpu.wait_dma2 semaphore(%run_scoped3A : memref<!tpu.dma_semaphore, #tpu.memory_space<semaphore_mem>>) src(%arg14 : memref<80x128xf32, #tpu.memory_space<vmem>>) dst(%dma_wait3A_122 : memref<80x128xf32, #tpu.memory_space<vmem_shared>>)
        tpu.yield
      }) : () -> ()
    } else {
    }
    %add3A_33 = arith.constant 80 : i32
    %add3A_34 = arith.addi %arg1, %add3A_33 : i32
    %lt3A_35 = arith.constant 125 : i32
    %lt3A_36 = arith.cmpi slt, %add3A_34, %lt3A_35 : i32
    %convert_element_type3A_37 = arith.extui %lt3A_36 : i1 to i32
    %cond3A_38 = arith.constant 0 : i32
    %cond3A_39 = arith.cmpi ne, %convert_element_type3A_37, %cond3A_38 : i32
    scf.if %cond3A_39 {
      %mul3A_115 = arith.constant 80 : i32
      %mul3A_116 = arith.muli %add3A_34, %mul3A_115 : i32
      "tpu.region"() ({
        %run_scoped3A = tpu.sem_alloc : memref<!tpu.dma_semaphore, #tpu.memory_space<semaphore_mem>>
        %dma_start3A = arith.constant 0 : i32
        %dma_start3A_117 = tpu.memref_slice %arg15[%mul3A_116, %dma_start3A] : memref<10000x128xf32, #tpu.memory_space<vmem_shared>> -> memref<80x128xf32, #tpu.memory_space<vmem_shared>>
        %dma_start3A_118 = arith.constant 0 : i32
        %dma_start3A_119 = tpu.memref_slice %arg15[%mul3A_116, %dma_start3A_118] : memref<10000x128xf32, #tpu.memory_space<vmem_shared>> -> memref<80x128xf32, #tpu.memory_space<vmem_shared>>
        tpu.enqueue_dma source(%arg14 : memref<80x128xf32, #tpu.memory_space<vmem>>) target(%dma_start3A_119 : memref<80x128xf32, #tpu.memory_space<vmem_shared>>) target_semaphore(%run_scoped3A : memref<!tpu.dma_semaphore, #tpu.memory_space<semaphore_mem>>)
        %dma_wait3A = arith.constant 0 : i32
        %dma_wait3A_120 = tpu.memref_slice %arg15[%mul3A_116, %dma_wait3A] : memref<10000x128xf32, #tpu.memory_space<vmem_shared>> -> memref<80x128xf32, #tpu.memory_space<vmem_shared>>
        %dma_wait3A_121 = arith.constant 0 : i32
        %dma_wait3A_122 = tpu.memref_slice %arg15[%mul3A_116, %dma_wait3A_121] : memref<10000x128xf32, #tpu.memory_space<vmem_shared>> -> memref<80x128xf32, #tpu.memory_space<vmem_shared>>
        tpu.wait_dma2 semaphore(%run_scoped3A : memref<!tpu.dma_semaphore, #tpu.memory_space<semaphore_mem>>) src(%arg14 : memref<80x128xf32, #tpu.memory_space<vmem>>) dst(%dma_wait3A_122 : memref<80x128xf32, #tpu.memory_space<vmem_shared>>)
        tpu.yield
      }) : () -> ()
    } else {
    }
    %add3A_40 = arith.constant 96 : i32
    %add3A_41 = arith.addi %arg1, %add3A_40 : i32
    %lt3A_42 = arith.constant 125 : i32
    %lt3A_43 = arith.cmpi slt, %add3A_41, %lt3A_42 : i32
    %convert_element_type3A_44 = arith.extui %lt3A_43 : i1 to i32
    %cond3A_45 = arith.constant 0 : i32
    %cond3A_46 = arith.cmpi ne, %convert_element_type3A_44, %cond3A_45 : i32
    scf.if %cond3A_46 {
      %mul3A_115 = arith.constant 80 : i32
      %mul3A_116 = arith.muli %add3A_41, %mul3A_115 : i32
      "tpu.region"() ({
        %run_scoped3A = tpu.sem_alloc : memref<!tpu.dma_semaphore, #tpu.memory_space<semaphore_mem>>
        %dma_start3A = arith.constant 0 : i32
        %dma_start3A_117 = tpu.memref_slice %arg15[%mul3A_116, %dma_start3A] : memref<10000x128xf32, #tpu.memory_space<vmem_shared>> -> memref<80x128xf32, #tpu.memory_space<vmem_shared>>
        %dma_start3A_118 = arith.constant 0 : i32
        %dma_start3A_119 = tpu.memref_slice %arg15[%mul3A_116, %dma_start3A_118] : memref<10000x128xf32, #tpu.memory_space<vmem_shared>> -> memref<80x128xf32, #tpu.memory_space<vmem_shared>>
        tpu.enqueue_dma source(%arg14 : memref<80x128xf32, #tpu.memory_space<vmem>>) target(%dma_start3A_119 : memref<80x128xf32, #tpu.memory_space<vmem_shared>>) target_semaphore(%run_scoped3A : memref<!tpu.dma_semaphore, #tpu.memory_space<semaphore_mem>>)
        %dma_wait3A = arith.constant 0 : i32
        %dma_wait3A_120 = tpu.memref_slice %arg15[%mul3A_116, %dma_wait3A] : memref<10000x128xf32, #tpu.memory_space<vmem_shared>> -> memref<80x128xf32, #tpu.memory_space<vmem_shared>>
        %dma_wait3A_121 = arith.constant 0 : i32
        %dma_wait3A_122 = tpu.memref_slice %arg15[%mul3A_116, %dma_wait3A_121] : memref<10000x128xf32, #tpu.memory_space<vmem_shared>> -> memref<80x128xf32, #tpu.memory_space<vmem_shared>>
        tpu.wait_dma2 semaphore(%run_scoped3A : memref<!tpu.dma_semaphore, #tpu.memory_space<semaphore_mem>>) src(%arg14 : memref<80x128xf32, #tpu.memory_space<vmem>>) dst(%dma_wait3A_122 : memref<80x128xf32, #tpu.memory_space<vmem_shared>>)
        tpu.yield
      }) : () -> ()
    } else {
    }
    %add3A_47 = arith.constant 112 : i32
    %add3A_48 = arith.addi %arg1, %add3A_47 : i32
    %lt3A_49 = arith.constant 125 : i32
    %lt3A_50 = arith.cmpi slt, %add3A_48, %lt3A_49 : i32
    %convert_element_type3A_51 = arith.extui %lt3A_50 : i1 to i32
    %cond3A_52 = arith.constant 0 : i32
    %cond3A_53 = arith.cmpi ne, %convert_element_type3A_51, %cond3A_52 : i32
    scf.if %cond3A_53 {
      %mul3A_115 = arith.constant 80 : i32
      %mul3A_116 = arith.muli %add3A_48, %mul3A_115 : i32
      "tpu.region"() ({
        %run_scoped3A = tpu.sem_alloc : memref<!tpu.dma_semaphore, #tpu.memory_space<semaphore_mem>>
        %dma_start3A = arith.constant 0 : i32
        %dma_start3A_117 = tpu.memref_slice %arg15[%mul3A_116, %dma_start3A] : memref<10000x128xf32, #tpu.memory_space<vmem_shared>> -> memref<80x128xf32, #tpu.memory_space<vmem_shared>>
        %dma_start3A_118 = arith.constant 0 : i32
        %dma_start3A_119 = tpu.memref_slice %arg15[%mul3A_116, %dma_start3A_118] : memref<10000x128xf32, #tpu.memory_space<vmem_shared>> -> memref<80x128xf32, #tpu.memory_space<vmem_shared>>
        tpu.enqueue_dma source(%arg14 : memref<80x128xf32, #tpu.memory_space<vmem>>) target(%dma_start3A_119 : memref<80x128xf32, #tpu.memory_space<vmem_shared>>) target_semaphore(%run_scoped3A : memref<!tpu.dma_semaphore, #tpu.memory_space<semaphore_mem>>)
        %dma_wait3A = arith.constant 0 : i32
        %dma_wait3A_120 = tpu.memref_slice %arg15[%mul3A_116, %dma_wait3A] : memref<10000x128xf32, #tpu.memory_space<vmem_shared>> -> memref<80x128xf32, #tpu.memory_space<vmem_shared>>
        %dma_wait3A_121 = arith.constant 0 : i32
        %dma_wait3A_122 = tpu.memref_slice %arg15[%mul3A_116, %dma_wait3A_121] : memref<10000x128xf32, #tpu.memory_space<vmem_shared>> -> memref<80x128xf32, #tpu.memory_space<vmem_shared>>
        tpu.wait_dma2 semaphore(%run_scoped3A : memref<!tpu.dma_semaphore, #tpu.memory_space<semaphore_mem>>) src(%arg14 : memref<80x128xf32, #tpu.memory_space<vmem>>) dst(%dma_wait3A_122 : memref<80x128xf32, #tpu.memory_space<vmem_shared>>)
        tpu.yield
      }) : () -> ()
    } else {
    }
    %barrier3A = arith.constant 0 : index
    tpu.barrier barrier_id(%barrier3A)
    %scan3A = arith.constant 0 : i32
    %scan3A_54 = arith.constant 125 : i32
    %scan3A_55 = arith.addi %scan3A, %scan3A_54 : i32
    %scan3A_56 = arith.constant 1 : i32
    scf.for %scan3A_115 = %scan3A to %scan3A_55 step %scan3A_56  : i32 {
      %mul3A_116 = arith.constant 1 : i32
      %mul3A_117 = arith.muli %scan3A_115, %mul3A_116 : i32
      %add3A_118 = arith.constant 0 : i32
      %add3A_119 = arith.addi %add3A_118, %mul3A_117 : i32
      %mul3A_120 = arith.constant 10000 : i32
      %mul3A_121 = arith.muli %add3A, %mul3A_120 : i32
      %mul3A_122 = arith.constant 80 : i32
      %mul3A_123 = arith.muli %add3A_119, %mul3A_122 : i32
      %add3A_124 = arith.addi %mul3A_121, %mul3A_123 : i32
      %run_scoped3A = arith.constant 0 : i32
      "tpu.region"() ({
        %run_scoped3A_134 = tpu.sem_alloc : memref<!tpu.dma_semaphore, #tpu.memory_space<semaphore_mem>>
        %dma_start3A = arith.constant 0 : i32
        %dma_start3A_135 = tpu.memref_slice %arg9[%run_scoped3A, %dma_start3A] : memref<1x80xi32, #tpu.memory_space<vmem>> -> memref<1x80xi32, #tpu.memory_space<vmem>>
        %dma_start3A_136 = tpu.memref_squeeze %dma_start3A_135 : memref<1x80xi32, #tpu.memory_space<vmem>> -> memref<80xi32, #tpu.memory_space<vmem>>
        %dma_start3A_137 = tpu.memref_slice %arg4[%add3A_124] : memref<320000xi32, #tpu.memory_space<hbm>> -> memref<80xi32, #tpu.memory_space<hbm>>
        %dma_start3A_138 = arith.constant 0 : i32
        %dma_start3A_139 = tpu.memref_slice %arg9[%run_scoped3A, %dma_start3A_138] : memref<1x80xi32, #tpu.memory_space<vmem>> -> memref<1x80xi32, #tpu.memory_space<vmem>>
        %dma_start3A_140 = tpu.memref_squeeze %dma_start3A_139 : memref<1x80xi32, #tpu.memory_space<vmem>> -> memref<80xi32, #tpu.memory_space<vmem>>
        %dma_start3A_141 = tpu.memref_slice %arg4[%add3A_124] : memref<320000xi32, #tpu.memory_space<hbm>> -> memref<80xi32, #tpu.memory_space<hbm>>
        tpu.enqueue_dma source(%dma_start3A_141 : memref<80xi32, #tpu.memory_space<hbm>>) target(%dma_start3A_140 : memref<80xi32, #tpu.memory_space<vmem>>) target_semaphore(%run_scoped3A_134 : memref<!tpu.dma_semaphore, #tpu.memory_space<semaphore_mem>>)
        %dma_wait3A = arith.constant 0 : i32
        %dma_wait3A_142 = tpu.memref_slice %arg9[%run_scoped3A, %dma_wait3A] : memref<1x80xi32, #tpu.memory_space<vmem>> -> memref<1x80xi32, #tpu.memory_space<vmem>>
        %dma_wait3A_143 = tpu.memref_squeeze %dma_wait3A_142 : memref<1x80xi32, #tpu.memory_space<vmem>> -> memref<80xi32, #tpu.memory_space<vmem>>
        %dma_wait3A_144 = tpu.memref_slice %arg4[%add3A_124] : memref<320000xi32, #tpu.memory_space<hbm>> -> memref<80xi32, #tpu.memory_space<hbm>>
        %dma_wait3A_145 = arith.constant 0 : i32
        %dma_wait3A_146 = tpu.memref_slice %arg9[%run_scoped3A, %dma_wait3A_145] : memref<1x80xi32, #tpu.memory_space<vmem>> -> memref<1x80xi32, #tpu.memory_space<vmem>>
        %dma_wait3A_147 = tpu.memref_squeeze %dma_wait3A_146 : memref<1x80xi32, #tpu.memory_space<vmem>> -> memref<80xi32, #tpu.memory_space<vmem>>
        %dma_wait3A_148 = tpu.memref_slice %arg4[%add3A_124] : memref<320000xi32, #tpu.memory_space<hbm>> -> memref<80xi32, #tpu.memory_space<hbm>>
        tpu.wait_dma2 semaphore(%run_scoped3A_134 : memref<!tpu.dma_semaphore, #tpu.memory_space<semaphore_mem>>) src(%dma_wait3A_148 : memref<80xi32, #tpu.memory_space<hbm>>) dst(%dma_wait3A_147 : memref<80xi32, #tpu.memory_space<vmem>>)
        tpu.yield
      }) : () -> ()
      %run_scoped3A_125 = arith.constant 0 : i32
      "tpu.region"() ({
        %run_scoped3A_134 = tpu.sem_alloc : memref<!tpu.dma_semaphore, #tpu.memory_space<semaphore_mem>>
        %dma_start3A = arith.constant 0 : i32
        %dma_start3A_135 = tpu.memref_slice %arg10[%run_scoped3A_125, %dma_start3A] : memref<1x80xi32, #tpu.memory_space<vmem>> -> memref<1x80xi32, #tpu.memory_space<vmem>>
        %dma_start3A_136 = tpu.memref_squeeze %dma_start3A_135 : memref<1x80xi32, #tpu.memory_space<vmem>> -> memref<80xi32, #tpu.memory_space<vmem>>
        %dma_start3A_137 = tpu.memref_slice %arg5[%add3A_124] : memref<320000xi32, #tpu.memory_space<hbm>> -> memref<80xi32, #tpu.memory_space<hbm>>
        %dma_start3A_138 = arith.constant 0 : i32
        %dma_start3A_139 = tpu.memref_slice %arg10[%run_scoped3A_125, %dma_start3A_138] : memref<1x80xi32, #tpu.memory_space<vmem>> -> memref<1x80xi32, #tpu.memory_space<vmem>>
        %dma_start3A_140 = tpu.memref_squeeze %dma_start3A_139 : memref<1x80xi32, #tpu.memory_space<vmem>> -> memref<80xi32, #tpu.memory_space<vmem>>
        %dma_start3A_141 = tpu.memref_slice %arg5[%add3A_124] : memref<320000xi32, #tpu.memory_space<hbm>> -> memref<80xi32, #tpu.memory_space<hbm>>
        tpu.enqueue_dma source(%dma_start3A_141 : memref<80xi32, #tpu.memory_space<hbm>>) target(%dma_start3A_140 : memref<80xi32, #tpu.memory_space<vmem>>) target_semaphore(%run_scoped3A_134 : memref<!tpu.dma_semaphore, #tpu.memory_space<semaphore_mem>>)
        %dma_wait3A = arith.constant 0 : i32
        %dma_wait3A_142 = tpu.memref_slice %arg10[%run_scoped3A_125, %dma_wait3A] : memref<1x80xi32, #tpu.memory_space<vmem>> -> memref<1x80xi32, #tpu.memory_space<vmem>>
        %dma_wait3A_143 = tpu.memref_squeeze %dma_wait3A_142 : memref<1x80xi32, #tpu.memory_space<vmem>> -> memref<80xi32, #tpu.memory_space<vmem>>
        %dma_wait3A_144 = tpu.memref_slice %arg5[%add3A_124] : memref<320000xi32, #tpu.memory_space<hbm>> -> memref<80xi32, #tpu.memory_space<hbm>>
        %dma_wait3A_145 = arith.constant 0 : i32
        %dma_wait3A_146 = tpu.memref_slice %arg10[%run_scoped3A_125, %dma_wait3A_145] : memref<1x80xi32, #tpu.memory_space<vmem>> -> memref<1x80xi32, #tpu.memory_space<vmem>>
        %dma_wait3A_147 = tpu.memref_squeeze %dma_wait3A_146 : memref<1x80xi32, #tpu.memory_space<vmem>> -> memref<80xi32, #tpu.memory_space<vmem>>
        %dma_wait3A_148 = tpu.memref_slice %arg5[%add3A_124] : memref<320000xi32, #tpu.memory_space<hbm>> -> memref<80xi32, #tpu.memory_space<hbm>>
        tpu.wait_dma2 semaphore(%run_scoped3A_134 : memref<!tpu.dma_semaphore, #tpu.memory_space<semaphore_mem>>) src(%dma_wait3A_148 : memref<80xi32, #tpu.memory_space<hbm>>) dst(%dma_wait3A_147 : memref<80xi32, #tpu.memory_space<vmem>>)
        tpu.yield
      }) : () -> ()
      %run_scoped3A_126 = arith.constant 0 : i32
      "tpu.region"() ({
        %run_scoped3A_134 = tpu.sem_alloc : memref<!tpu.dma_semaphore, #tpu.memory_space<semaphore_mem>>
        %dma_start3A = arith.constant 0 : i32
        %dma_start3A_135 = tpu.memref_slice %arg9[%run_scoped3A_126, %dma_start3A] : memref<1x80xi32, #tpu.memory_space<vmem>> -> memref<1x80xi32, #tpu.memory_space<vmem>>
        %dma_start3A_136 = tpu.memref_squeeze %dma_start3A_135 : memref<1x80xi32, #tpu.memory_space<vmem>> -> memref<80xi32, #tpu.memory_space<vmem>>
        %dma_start3A_137 = arith.constant 0 : i32
        %dma_start3A_138 = arith.constant 0 : i32
        %dma_start3A_139 = tpu.memref_slice %arg2[%dma_start3A_137, %dma_start3A_138] : memref<10000x128xf32, #tpu.memory_space<hbm>> -> memref<10000x128xf32, #tpu.memory_space<hbm>>
        tpu.enqueue_indirect_dma source(%dma_start3A_139 : memref<10000x128xf32, #tpu.memory_space<hbm>>) target(%arg11 : memref<80x128xf32, #tpu.memory_space<vmem>>) offsets(%dma_start3A_136 : memref<80xi32, #tpu.memory_space<vmem>>) semaphore(%run_scoped3A_134 : memref<!tpu.dma_semaphore, #tpu.memory_space<semaphore_mem>>)
        %dma_wait3A = arith.constant 0 : i32
        %dma_wait3A_140 = tpu.memref_slice %arg9[%run_scoped3A_126, %dma_wait3A] : memref<1x80xi32, #tpu.memory_space<vmem>> -> memref<1x80xi32, #tpu.memory_space<vmem>>
        %dma_wait3A_141 = tpu.memref_squeeze %dma_wait3A_140 : memref<1x80xi32, #tpu.memory_space<vmem>> -> memref<80xi32, #tpu.memory_space<vmem>>
        %dma_wait3A_142 = arith.constant 0 : i32
        %dma_wait3A_143 = arith.constant 0 : i32
        %dma_wait3A_144 = tpu.memref_slice %arg2[%dma_wait3A_142, %dma_wait3A_143] : memref<10000x128xf32, #tpu.memory_space<hbm>> -> memref<10000x128xf32, #tpu.memory_space<hbm>>
        tpu.wait_indirect_dma semaphore(%run_scoped3A_134 : memref<!tpu.dma_semaphore, #tpu.memory_space<semaphore_mem>>) src(%dma_wait3A_144 : memref<10000x128xf32, #tpu.memory_space<hbm>>) dst(%arg11 : memref<80x128xf32, #tpu.memory_space<vmem>>)
        tpu.yield
      }) : () -> ()
      %run_scoped3A_127 = arith.constant 0 : i32
      "tpu.region"() ({
        %run_scoped3A_134 = tpu.sem_alloc : memref<!tpu.dma_semaphore, #tpu.memory_space<semaphore_mem>>
        %dma_start3A = arith.constant 0 : i32
        %dma_start3A_135 = tpu.memref_slice %arg10[%run_scoped3A_127, %dma_start3A] : memref<1x80xi32, #tpu.memory_space<vmem>> -> memref<1x80xi32, #tpu.memory_space<vmem>>
        %dma_start3A_136 = tpu.memref_squeeze %dma_start3A_135 : memref<1x80xi32, #tpu.memory_space<vmem>> -> memref<80xi32, #tpu.memory_space<vmem>>
        %dma_start3A_137 = arith.constant 0 : i32
        %dma_start3A_138 = arith.constant 0 : i32
        %dma_start3A_139 = tpu.memref_slice %arg2[%dma_start3A_137, %dma_start3A_138] : memref<10000x128xf32, #tpu.memory_space<hbm>> -> memref<10000x128xf32, #tpu.memory_space<hbm>>
        tpu.enqueue_indirect_dma source(%dma_start3A_139 : memref<10000x128xf32, #tpu.memory_space<hbm>>) target(%arg12 : memref<80x128xf32, #tpu.memory_space<vmem>>) offsets(%dma_start3A_136 : memref<80xi32, #tpu.memory_space<vmem>>) semaphore(%run_scoped3A_134 : memref<!tpu.dma_semaphore, #tpu.memory_space<semaphore_mem>>)
        %dma_wait3A = arith.constant 0 : i32
        %dma_wait3A_140 = tpu.memref_slice %arg10[%run_scoped3A_127, %dma_wait3A] : memref<1x80xi32, #tpu.memory_space<vmem>> -> memref<1x80xi32, #tpu.memory_space<vmem>>
        %dma_wait3A_141 = tpu.memref_squeeze %dma_wait3A_140 : memref<1x80xi32, #tpu.memory_space<vmem>> -> memref<80xi32, #tpu.memory_space<vmem>>
        %dma_wait3A_142 = arith.constant 0 : i32
        %dma_wait3A_143 = arith.constant 0 : i32
        %dma_wait3A_144 = tpu.memref_slice %arg2[%dma_wait3A_142, %dma_wait3A_143] : memref<10000x128xf32, #tpu.memory_space<hbm>> -> memref<10000x128xf32, #tpu.memory_space<hbm>>
        tpu.wait_indirect_dma semaphore(%run_scoped3A_134 : memref<!tpu.dma_semaphore, #tpu.memory_space<semaphore_mem>>) src(%dma_wait3A_144 : memref<10000x128xf32, #tpu.memory_space<hbm>>) dst(%arg12 : memref<80x128xf32, #tpu.memory_space<vmem>>)
        tpu.yield
      }) : () -> ()
      %scan3A_128 = arith.constant 0 : i32
      %scan3A_129 = arith.constant 80 : i32
      %scan3A_130 = arith.addi %scan3A_128, %scan3A_129 : i32
      %scan3A_131 = arith.constant 1 : i32
      scf.for %scan3A_134 = %scan3A_128 to %scan3A_130 step %scan3A_131  : i32 {
        %mul3A_135 = arith.constant 1 : i32
        %mul3A_136 = arith.muli %scan3A_134, %mul3A_135 : i32
        %add3A_137 = arith.constant 0 : i32
        %add3A_138 = arith.addi %add3A_137, %mul3A_136 : i32
        %get3A = arith.index_cast %add3A_138 : i32 to index
        %get3A_139 = arith.constant 0 : index
        %get3A_140 = tpu.vector_load %arg11[%get3A, %get3A_139] {strides = array<i32>} : memref<80x128xf32, #tpu.memory_space<vmem>>, vector<1x16xf32>,
        %get3A_141 = vector.shape_cast %get3A_140 : vector<1x16xf32> to vector<16xf32>
        %get3A_142 = arith.index_cast %add3A_138 : i32 to index
        %get3A_143 = arith.constant 0 : index
        %get3A_144 = tpu.vector_load %arg12[%get3A_142, %get3A_143] {strides = array<i32>} : memref<80x128xf32, #tpu.memory_space<vmem>>, vector<1x16xf32>,
        %get3A_145 = vector.shape_cast %get3A_144 : vector<1x16xf32> to vector<16xf32>
        %add3A_146 = arith.addf %get3A_141, %get3A_145 : vector<16xf32>
        %swap3A = arith.index_cast %add3A_138 : i32 to index
        %swap3A_147 = arith.constant 0 : index
        %swap3A_148 = tpu.vector_load %arg11[%swap3A, %swap3A_147] {strides = array<i32>} : memref<80x128xf32, #tpu.memory_space<vmem>>, vector<1x16xf32>,
        %swap3A_149 = vector.shape_cast %swap3A_148 : vector<1x16xf32> to vector<16xf32>
        %swap3A_150 = vector.shape_cast %add3A_146 : vector<16xf32> to vector<1x16xf32>
        tpu.vector_store %arg11[%swap3A, %swap3A_147], %swap3A_150 {strides = array<i32>} : memref<80x128xf32, #tpu.memory_space<vmem>>, vector<1x16xf32>,
        %get3A_151 = arith.index_cast %add3A_138 : i32 to index
        %get3A_152 = arith.constant 16 : index
        %get3A_153 = tpu.vector_load %arg11[%get3A_151, %get3A_152] {strides = array<i32>} : memref<80x128xf32, #tpu.memory_space<vmem>>, vector<1x16xf32>,
        %get3A_154 = vector.shape_cast %get3A_153 : vector<1x16xf32> to vector<16xf32>
        %get3A_155 = arith.index_cast %add3A_138 : i32 to index
        %get3A_156 = arith.constant 16 : index
        %get3A_157 = tpu.vector_load %arg12[%get3A_155, %get3A_156] {strides = array<i32>} : memref<80x128xf32, #tpu.memory_space<vmem>>, vector<1x16xf32>,
        %get3A_158 = vector.shape_cast %get3A_157 : vector<1x16xf32> to vector<16xf32>
        %add3A_159 = arith.addf %get3A_154, %get3A_158 : vector<16xf32>
        %swap3A_160 = arith.index_cast %add3A_138 : i32 to index
        %swap3A_161 = arith.constant 16 : index
        %swap3A_162 = tpu.vector_load %arg11[%swap3A_160, %swap3A_161] {strides = array<i32>} : memref<80x128xf32, #tpu.memory_space<vmem>>, vector<1x16xf32>,
        %swap3A_163 = vector.shape_cast %swap3A_162 : vector<1x16xf32> to vector<16xf32>
        %swap3A_164 = vector.shape_cast %add3A_159 : vector<16xf32> to vector<1x16xf32>
        tpu.vector_store %arg11[%swap3A_160, %swap3A_161], %swap3A_164 {strides = array<i32>} : memref<80x128xf32, #tpu.memory_space<vmem>>, vector<1x16xf32>,
        %get3A_165 = arith.index_cast %add3A_138 : i32 to index
        %get3A_166 = arith.constant 32 : index
        %get3A_167 = tpu.vector_load %arg11[%get3A_165, %get3A_166] {strides = array<i32>} : memref<80x128xf32, #tpu.memory_space<vmem>>, vector<1x16xf32>,
        %get3A_168 = vector.shape_cast %get3A_167 : vector<1x16xf32> to vector<16xf32>
        %get3A_169 = arith.index_cast %add3A_138 : i32 to index
        %get3A_170 = arith.constant 32 : index
        %get3A_171 = tpu.vector_load %arg12[%get3A_169, %get3A_170] {strides = array<i32>} : memref<80x128xf32, #tpu.memory_space<vmem>>, vector<1x16xf32>,
        %get3A_172 = vector.shape_cast %get3A_171 : vector<1x16xf32> to vector<16xf32>
        %add3A_173 = arith.addf %get3A_168, %get3A_172 : vector<16xf32>
        %swap3A_174 = arith.index_cast %add3A_138 : i32 to index
        %swap3A_175 = arith.constant 32 : index
        %swap3A_176 = tpu.vector_load %arg11[%swap3A_174, %swap3A_175] {strides = array<i32>} : memref<80x128xf32, #tpu.memory_space<vmem>>, vector<1x16xf32>,
        %swap3A_177 = vector.shape_cast %swap3A_176 : vector<1x16xf32> to vector<16xf32>
        %swap3A_178 = vector.shape_cast %add3A_173 : vector<16xf32> to vector<1x16xf32>
        tpu.vector_store %arg11[%swap3A_174, %swap3A_175], %swap3A_178 {strides = array<i32>} : memref<80x128xf32, #tpu.memory_space<vmem>>, vector<1x16xf32>,
        %get3A_179 = arith.index_cast %add3A_138 : i32 to index
        %get3A_180 = arith.constant 48 : index
        %get3A_181 = tpu.vector_load %arg11[%get3A_179, %get3A_180] {strides = array<i32>} : memref<80x128xf32, #tpu.memory_space<vmem>>, vector<1x16xf32>,
        %get3A_182 = vector.shape_cast %get3A_181 : vector<1x16xf32> to vector<16xf32>
        %get3A_183 = arith.index_cast %add3A_138 : i32 to index
        %get3A_184 = arith.constant 48 : index
        %get3A_185 = tpu.vector_load %arg12[%get3A_183, %get3A_184] {strides = array<i32>} : memref<80x128xf32, #tpu.memory_space<vmem>>, vector<1x16xf32>,
        %get3A_186 = vector.shape_cast %get3A_185 : vector<1x16xf32> to vector<16xf32>
        %add3A_187 = arith.addf %get3A_182, %get3A_186 : vector<16xf32>
        %swap3A_188 = arith.index_cast %add3A_138 : i32 to index
        %swap3A_189 = arith.constant 48 : index
        %swap3A_190 = tpu.vector_load %arg11[%swap3A_188, %swap3A_189] {strides = array<i32>} : memref<80x128xf32, #tpu.memory_space<vmem>>, vector<1x16xf32>,
        %swap3A_191 = vector.shape_cast %swap3A_190 : vector<1x16xf32> to vector<16xf32>
        %swap3A_192 = vector.shape_cast %add3A_187 : vector<16xf32> to vector<1x16xf32>
        tpu.vector_store %arg11[%swap3A_188, %swap3A_189], %swap3A_192 {strides = array<i32>} : memref<80x128xf32, #tpu.memory_space<vmem>>, vector<1x16xf32>,
        %get3A_193 = arith.index_cast %add3A_138 : i32 to index
        %get3A_194 = arith.constant 64 : index
        %get3A_195 = tpu.vector_load %arg11[%get3A_193, %get3A_194] {strides = array<i32>} : memref<80x128xf32, #tpu.memory_space<vmem>>, vector<1x16xf32>,
        %get3A_196 = vector.shape_cast %get3A_195 : vector<1x16xf32> to vector<16xf32>
        %get3A_197 = arith.index_cast %add3A_138 : i32 to index
        %get3A_198 = arith.constant 64 : index
        %get3A_199 = tpu.vector_load %arg12[%get3A_197, %get3A_198] {strides = array<i32>} : memref<80x128xf32, #tpu.memory_space<vmem>>, vector<1x16xf32>,
        %get3A_200 = vector.shape_cast %get3A_199 : vector<1x16xf32> to vector<16xf32>
        %add3A_201 = arith.addf %get3A_196, %get3A_200 : vector<16xf32>
        %swap3A_202 = arith.index_cast %add3A_138 : i32 to index
        %swap3A_203 = arith.constant 64 : index
        %swap3A_204 = tpu.vector_load %arg11[%swap3A_202, %swap3A_203] {strides = array<i32>} : memref<80x128xf32, #tpu.memory_space<vmem>>, vector<1x16xf32>,
        %swap3A_205 = vector.shape_cast %swap3A_204 : vector<1x16xf32> to vector<16xf32>
        %swap3A_206 = vector.shape_cast %add3A_201 : vector<16xf32> to vector<1x16xf32>
        tpu.vector_store %arg11[%swap3A_202, %swap3A_203], %swap3A_206 {strides = array<i32>} : memref<80x128xf32, #tpu.memory_space<vmem>>, vector<1x16xf32>,
        %get3A_207 = arith.index_cast %add3A_138 : i32 to index
        %get3A_208 = arith.constant 80 : index
        %get3A_209 = tpu.vector_load %arg11[%get3A_207, %get3A_208] {strides = array<i32>} : memref<80x128xf32, #tpu.memory_space<vmem>>, vector<1x16xf32>,
        %get3A_210 = vector.shape_cast %get3A_209 : vector<1x16xf32> to vector<16xf32>
        %get3A_211 = arith.index_cast %add3A_138 : i32 to index
        %get3A_212 = arith.constant 80 : index
        %get3A_213 = tpu.vector_load %arg12[%get3A_211, %get3A_212] {strides = array<i32>} : memref<80x128xf32, #tpu.memory_space<vmem>>, vector<1x16xf32>,
        %get3A_214 = vector.shape_cast %get3A_213 : vector<1x16xf32> to vector<16xf32>
        %add3A_215 = arith.addf %get3A_210, %get3A_214 : vector<16xf32>
        %swap3A_216 = arith.index_cast %add3A_138 : i32 to index
        %swap3A_217 = arith.constant 80 : index
        %swap3A_218 = tpu.vector_load %arg11[%swap3A_216, %swap3A_217] {strides = array<i32>} : memref<80x128xf32, #tpu.memory_space<vmem>>, vector<1x16xf32>,
        %swap3A_219 = vector.shape_cast %swap3A_218 : vector<1x16xf32> to vector<16xf32>
        %swap3A_220 = vector.shape_cast %add3A_215 : vector<16xf32> to vector<1x16xf32>
        tpu.vector_store %arg11[%swap3A_216, %swap3A_217], %swap3A_220 {strides = array<i32>} : memref<80x128xf32, #tpu.memory_space<vmem>>, vector<1x16xf32>,
        %get3A_221 = arith.index_cast %add3A_138 : i32 to index
        %get3A_222 = arith.constant 96 : index
        %get3A_223 = tpu.vector_load %arg11[%get3A_221, %get3A_222] {strides = array<i32>} : memref<80x128xf32, #tpu.memory_space<vmem>>, vector<1x16xf32>,
        %get3A_224 = vector.shape_cast %get3A_223 : vector<1x16xf32> to vector<16xf32>
        %get3A_225 = arith.index_cast %add3A_138 : i32 to index
        %get3A_226 = arith.constant 96 : index
        %get3A_227 = tpu.vector_load %arg12[%get3A_225, %get3A_226] {strides = array<i32>} : memref<80x128xf32, #tpu.memory_space<vmem>>, vector<1x16xf32>,
        %get3A_228 = vector.shape_cast %get3A_227 : vector<1x16xf32> to vector<16xf32>
        %add3A_229 = arith.addf %get3A_224, %get3A_228 : vector<16xf32>
        %swap3A_230 = arith.index_cast %add3A_138 : i32 to index
        %swap3A_231 = arith.constant 96 : index
        %swap3A_232 = tpu.vector_load %arg11[%swap3A_230, %swap3A_231] {strides = array<i32>} : memref<80x128xf32, #tpu.memory_space<vmem>>, vector<1x16xf32>,
        %swap3A_233 = vector.shape_cast %swap3A_232 : vector<1x16xf32> to vector<16xf32>
        %swap3A_234 = vector.shape_cast %add3A_229 : vector<16xf32> to vector<1x16xf32>
        tpu.vector_store %arg11[%swap3A_230, %swap3A_231], %swap3A_234 {strides = array<i32>} : memref<80x128xf32, #tpu.memory_space<vmem>>, vector<1x16xf32>,
        %get3A_235 = arith.index_cast %add3A_138 : i32 to index
        %get3A_236 = arith.constant 112 : index
        %get3A_237 = tpu.vector_load %arg11[%get3A_235, %get3A_236] {strides = array<i32>} : memref<80x128xf32, #tpu.memory_space<vmem>>, vector<1x16xf32>,
        %get3A_238 = vector.shape_cast %get3A_237 : vector<1x16xf32> to vector<16xf32>
        %get3A_239 = arith.index_cast %add3A_138 : i32 to index
        %get3A_240 = arith.constant 112 : index
        %get3A_241 = tpu.vector_load %arg12[%get3A_239, %get3A_240] {strides = array<i32>} : memref<80x128xf32, #tpu.memory_space<vmem>>, vector<1x16xf32>,
        %get3A_242 = vector.shape_cast %get3A_241 : vector<1x16xf32> to vector<16xf32>
        %add3A_243 = arith.addf %get3A_238, %get3A_242 : vector<16xf32>
        %swap3A_244 = arith.index_cast %add3A_138 : i32 to index
        %swap3A_245 = arith.constant 112 : index
        %swap3A_246 = tpu.vector_load %arg11[%swap3A_244, %swap3A_245] {strides = array<i32>} : memref<80x128xf32, #tpu.memory_space<vmem>>, vector<1x16xf32>,
        %swap3A_247 = vector.shape_cast %swap3A_246 : vector<1x16xf32> to vector<16xf32>
        %swap3A_248 = vector.shape_cast %add3A_243 : vector<16xf32> to vector<1x16xf32>
        tpu.vector_store %arg11[%swap3A_244, %swap3A_245], %swap3A_248 {strides = array<i32>} : memref<80x128xf32, #tpu.memory_space<vmem>>, vector<1x16xf32>,
      }
      %scan3A_132 = arith.constant 80 : i32
      "tpu.region"() ({
        %run_scoped3A_134 = tpu.sem_alloc : memref<!tpu.dma_semaphore, #tpu.memory_space<semaphore_mem>>
        %dma_start3A = arith.constant 0 : i32
        %dma_start3A_135 = tpu.memref_slice %arg7[%add3A_124, %dma_start3A] : memref<320000x128xf32, #tpu.memory_space<hbm>> -> memref<80x128xf32, #tpu.memory_space<hbm>>
        %dma_start3A_136 = arith.constant 0 : i32
        %dma_start3A_137 = tpu.memref_slice %arg7[%add3A_124, %dma_start3A_136] : memref<320000x128xf32, #tpu.memory_space<hbm>> -> memref<80x128xf32, #tpu.memory_space<hbm>>
        tpu.enqueue_dma source(%arg11 : memref<80x128xf32, #tpu.memory_space<vmem>>) target(%dma_start3A_137 : memref<80x128xf32, #tpu.memory_space<hbm>>) target_semaphore(%run_scoped3A_134 : memref<!tpu.dma_semaphore, #tpu.memory_space<semaphore_mem>>)
        %dma_wait3A = arith.constant 0 : i32
        %dma_wait3A_138 = tpu.memref_slice %arg7[%add3A_124, %dma_wait3A] : memref<320000x128xf32, #tpu.memory_space<hbm>> -> memref<80x128xf32, #tpu.memory_space<hbm>>
        %dma_wait3A_139 = arith.constant 0 : i32
        %dma_wait3A_140 = tpu.memref_slice %arg7[%add3A_124, %dma_wait3A_139] : memref<320000x128xf32, #tpu.memory_space<hbm>> -> memref<80x128xf32, #tpu.memory_space<hbm>>
        tpu.wait_dma2 semaphore(%run_scoped3A_134 : memref<!tpu.dma_semaphore, #tpu.memory_space<semaphore_mem>>) src(%arg11 : memref<80x128xf32, #tpu.memory_space<vmem>>) dst(%dma_wait3A_140 : memref<80x128xf32, #tpu.memory_space<hbm>>)
        tpu.yield
      }) : () -> ()
      "tpu.region"() ({
        %run_scoped3A_134 = tpu.sem_alloc : memref<!tpu.dma_semaphore, #tpu.memory_space<semaphore_mem>>
        %dma_start3A = arith.constant 0 : i32
        %dma_start3A_135 = tpu.memref_slice %arg3[%add3A_124, %dma_start3A] : memref<320000x128xf32, #tpu.memory_space<hbm>> -> memref<80x128xf32, #tpu.memory_space<hbm>>
        %dma_start3A_136 = arith.constant 0 : i32
        %dma_start3A_137 = tpu.memref_slice %arg3[%add3A_124, %dma_start3A_136] : memref<320000x128xf32, #tpu.memory_space<hbm>> -> memref<80x128xf32, #tpu.memory_space<hbm>>
        tpu.enqueue_dma source(%dma_start3A_137 : memref<80x128xf32, #tpu.memory_space<hbm>>) target(%arg13 : memref<80x128xf32, #tpu.memory_space<vmem>>) target_semaphore(%run_scoped3A_134 : memref<!tpu.dma_semaphore, #tpu.memory_space<semaphore_mem>>)
        %dma_wait3A = arith.constant 0 : i32
        %dma_wait3A_138 = tpu.memref_slice %arg3[%add3A_124, %dma_wait3A] : memref<320000x128xf32, #tpu.memory_space<hbm>> -> memref<80x128xf32, #tpu.memory_space<hbm>>
        %dma_wait3A_139 = arith.constant 0 : i32
        %dma_wait3A_140 = tpu.memref_slice %arg3[%add3A_124, %dma_wait3A_139] : memref<320000x128xf32, #tpu.memory_space<hbm>> -> memref<80x128xf32, #tpu.memory_space<hbm>>
        tpu.wait_dma2 semaphore(%run_scoped3A_134 : memref<!tpu.dma_semaphore, #tpu.memory_space<semaphore_mem>>) src(%dma_wait3A_140 : memref<80x128xf32, #tpu.memory_space<hbm>>) dst(%arg13 : memref<80x128xf32, #tpu.memory_space<vmem>>)
        tpu.yield
      }) : () -> ()
      %run_scoped3A_133 = arith.constant 0 : i32
      "tpu.region"() ({
        %run_scoped3A_134 = tpu.sem_alloc : memref<!tpu.dma_semaphore, #tpu.memory_space<semaphore_mem>>
        %dma_start3A = arith.constant 0 : i32
        %dma_start3A_135 = tpu.memref_slice %arg9[%run_scoped3A_133, %dma_start3A] : memref<1x80xi32, #tpu.memory_space<vmem>> -> memref<1x80xi32, #tpu.memory_space<vmem>>
        %dma_start3A_136 = tpu.memref_squeeze %dma_start3A_135 : memref<1x80xi32, #tpu.memory_space<vmem>> -> memref<80xi32, #tpu.memory_space<vmem>>
        %dma_start3A_137 = arith.constant 0 : i32
        %dma_start3A_138 = arith.constant 0 : i32
        %dma_start3A_139 = tpu.memref_slice %arg15[%dma_start3A_137, %dma_start3A_138] : memref<10000x128xf32, #tpu.memory_space<vmem_shared>> -> memref<10000x128xf32, #tpu.memory_space<vmem_shared>>
        tpu.enqueue_indirect_dma source(%arg13 : memref<80x128xf32, #tpu.memory_space<vmem>>) target(%dma_start3A_139 : memref<10000x128xf32, #tpu.memory_space<vmem_shared>>) offsets(%dma_start3A_136 : memref<80xi32, #tpu.memory_space<vmem>>) semaphore(%run_scoped3A_134 : memref<!tpu.dma_semaphore, #tpu.memory_space<semaphore_mem>>) {add = true}
        %dma_wait3A = arith.constant 0 : i32
        %dma_wait3A_140 = tpu.memref_slice %arg9[%run_scoped3A_133, %dma_wait3A] : memref<1x80xi32, #tpu.memory_space<vmem>> -> memref<1x80xi32, #tpu.memory_space<vmem>>
        %dma_wait3A_141 = tpu.memref_squeeze %dma_wait3A_140 : memref<1x80xi32, #tpu.memory_space<vmem>> -> memref<80xi32, #tpu.memory_space<vmem>>
        %dma_wait3A_142 = arith.constant 0 : i32
        %dma_wait3A_143 = arith.constant 0 : i32
        %dma_wait3A_144 = tpu.memref_slice %arg15[%dma_wait3A_142, %dma_wait3A_143] : memref<10000x128xf32, #tpu.memory_space<vmem_shared>> -> memref<10000x128xf32, #tpu.memory_space<vmem_shared>>
        tpu.wait_indirect_dma semaphore(%run_scoped3A_134 : memref<!tpu.dma_semaphore, #tpu.memory_space<semaphore_mem>>) src(%arg13 : memref<80x128xf32, #tpu.memory_space<vmem>>) dst(%dma_wait3A_144 : memref<10000x128xf32, #tpu.memory_space<vmem_shared>>)
        tpu.yield
      }) : () -> ()
    }
    %scan3A_57 = arith.constant 125 : i32
    %barrier3A_58 = arith.constant 0 : index
    tpu.barrier barrier_id(%barrier3A_58)
    %add3A_59 = arith.constant 0 : i32
    %add3A_60 = arith.addi %arg1, %add3A_59 : i32
    %lt3A_61 = arith.constant 125 : i32
    %lt3A_62 = arith.cmpi slt, %add3A_60, %lt3A_61 : i32
    %convert_element_type3A_63 = arith.extui %lt3A_62 : i1 to i32
    %cond3A_64 = arith.constant 0 : i32
    %cond3A_65 = arith.cmpi ne, %convert_element_type3A_63, %cond3A_64 : i32
    scf.if %cond3A_65 {
      %mul3A_115 = arith.constant 80 : i32
      %mul3A_116 = arith.muli %add3A_60, %mul3A_115 : i32
      "tpu.region"() ({
        %run_scoped3A = tpu.sem_alloc : memref<!tpu.dma_semaphore, #tpu.memory_space<semaphore_mem>>
        %dma_start3A = arith.constant 0 : i32
        %dma_start3A_120 = tpu.memref_slice %arg15[%mul3A_116, %dma_start3A] : memref<10000x128xf32, #tpu.memory_space<vmem_shared>> -> memref<80x128xf32, #tpu.memory_space<vmem_shared>>
        %dma_start3A_121 = arith.constant 0 : i32
        %dma_start3A_122 = tpu.memref_slice %arg15[%mul3A_116, %dma_start3A_121] : memref<10000x128xf32, #tpu.memory_space<vmem_shared>> -> memref<80x128xf32, #tpu.memory_space<vmem_shared>>
        tpu.enqueue_dma source(%dma_start3A_122 : memref<80x128xf32, #tpu.memory_space<vmem_shared>>) target(%arg14 : memref<80x128xf32, #tpu.memory_space<vmem>>) target_semaphore(%run_scoped3A : memref<!tpu.dma_semaphore, #tpu.memory_space<semaphore_mem>>)
        %dma_wait3A = arith.constant 0 : i32
        %dma_wait3A_123 = tpu.memref_slice %arg15[%mul3A_116, %dma_wait3A] : memref<10000x128xf32, #tpu.memory_space<vmem_shared>> -> memref<80x128xf32, #tpu.memory_space<vmem_shared>>
        %dma_wait3A_124 = arith.constant 0 : i32
        %dma_wait3A_125 = tpu.memref_slice %arg15[%mul3A_116, %dma_wait3A_124] : memref<10000x128xf32, #tpu.memory_space<vmem_shared>> -> memref<80x128xf32, #tpu.memory_space<vmem_shared>>
        tpu.wait_dma2 semaphore(%run_scoped3A : memref<!tpu.dma_semaphore, #tpu.memory_space<semaphore_mem>>) src(%dma_wait3A_125 : memref<80x128xf32, #tpu.memory_space<vmem_shared>>) dst(%arg14 : memref<80x128xf32, #tpu.memory_space<vmem>>)
        tpu.yield
      }) : () -> ()
      %mul3A_117 = arith.constant 10000 : i32
      %mul3A_118 = arith.muli %arg0, %mul3A_117 : i32
      %add3A_119 = arith.addi %mul3A_118, %mul3A_116 : i32
      "tpu.region"() ({
        %run_scoped3A = tpu.sem_alloc : memref<!tpu.dma_semaphore, #tpu.memory_space<semaphore_mem>>
        %dma_start3A = arith.constant 0 : i32
        %dma_start3A_120 = tpu.memref_slice %arg8[%add3A_119, %dma_start3A] : memref<20000x128xf32, #tpu.memory_space<hbm>> -> memref<80x128xf32, #tpu.memory_space<hbm>>
        %dma_start3A_121 = arith.constant 0 : i32
        %dma_start3A_122 = tpu.memref_slice %arg8[%add3A_119, %dma_start3A_121] : memref<20000x128xf32, #tpu.memory_space<hbm>> -> memref<80x128xf32, #tpu.memory_space<hbm>>
        tpu.enqueue_dma source(%arg14 : memref<80x128xf32, #tpu.memory_space<vmem>>) target(%dma_start3A_122 : memref<80x128xf32, #tpu.memory_space<hbm>>) target_semaphore(%run_scoped3A : memref<!tpu.dma_semaphore, #tpu.memory_space<semaphore_mem>>)
        %dma_wait3A = arith.constant 0 : i32
        %dma_wait3A_123 = tpu.memref_slice %arg8[%add3A_119, %dma_wait3A] : memref<20000x128xf32, #tpu.memory_space<hbm>> -> memref<80x128xf32, #tpu.memory_space<hbm>>
        %dma_wait3A_124 = arith.constant 0 : i32
        %dma_wait3A_125 = tpu.memref_slice %arg8[%add3A_119, %dma_wait3A_124] : memref<20000x128xf32, #tpu.memory_space<hbm>> -> memref<80x128xf32, #tpu.memory_space<hbm>>
        tpu.wait_dma2 semaphore(%run_scoped3A : memref<!tpu.dma_semaphore, #tpu.memory_space<semaphore_mem>>) src(%arg14 : memref<80x128xf32, #tpu.memory_space<vmem>>) dst(%dma_wait3A_125 : memref<80x128xf32, #tpu.memory_space<hbm>>)
        tpu.yield
      }) : () -> ()
    } else {
    }
    %add3A_66 = arith.constant 16 : i32
    %add3A_67 = arith.addi %arg1, %add3A_66 : i32
    %lt3A_68 = arith.constant 125 : i32
    %lt3A_69 = arith.cmpi slt, %add3A_67, %lt3A_68 : i32
    %convert_element_type3A_70 = arith.extui %lt3A_69 : i1 to i32
    %cond3A_71 = arith.constant 0 : i32
    %cond3A_72 = arith.cmpi ne, %convert_element_type3A_70, %cond3A_71 : i32
    scf.if %cond3A_72 {
      %mul3A_115 = arith.constant 80 : i32
      %mul3A_116 = arith.muli %add3A_67, %mul3A_115 : i32
      "tpu.region"() ({
        %run_scoped3A = tpu.sem_alloc : memref<!tpu.dma_semaphore, #tpu.memory_space<semaphore_mem>>
        %dma_start3A = arith.constant 0 : i32
        %dma_start3A_120 = tpu.memref_slice %arg15[%mul3A_116, %dma_start3A] : memref<10000x128xf32, #tpu.memory_space<vmem_shared>> -> memref<80x128xf32, #tpu.memory_space<vmem_shared>>
        %dma_start3A_121 = arith.constant 0 : i32
        %dma_start3A_122 = tpu.memref_slice %arg15[%mul3A_116, %dma_start3A_121] : memref<10000x128xf32, #tpu.memory_space<vmem_shared>> -> memref<80x128xf32, #tpu.memory_space<vmem_shared>>
        tpu.enqueue_dma source(%dma_start3A_122 : memref<80x128xf32, #tpu.memory_space<vmem_shared>>) target(%arg14 : memref<80x128xf32, #tpu.memory_space<vmem>>) target_semaphore(%run_scoped3A : memref<!tpu.dma_semaphore, #tpu.memory_space<semaphore_mem>>)
        %dma_wait3A = arith.constant 0 : i32
        %dma_wait3A_123 = tpu.memref_slice %arg15[%mul3A_116, %dma_wait3A] : memref<10000x128xf32, #tpu.memory_space<vmem_shared>> -> memref<80x128xf32, #tpu.memory_space<vmem_shared>>
        %dma_wait3A_124 = arith.constant 0 : i32
        %dma_wait3A_125 = tpu.memref_slice %arg15[%mul3A_116, %dma_wait3A_124] : memref<10000x128xf32, #tpu.memory_space<vmem_shared>> -> memref<80x128xf32, #tpu.memory_space<vmem_shared>>
        tpu.wait_dma2 semaphore(%run_scoped3A : memref<!tpu.dma_semaphore, #tpu.memory_space<semaphore_mem>>) src(%dma_wait3A_125 : memref<80x128xf32, #tpu.memory_space<vmem_shared>>) dst(%arg14 : memref<80x128xf32, #tpu.memory_space<vmem>>)
        tpu.yield
      }) : () -> ()
      %mul3A_117 = arith.constant 10000 : i32
      %mul3A_118 = arith.muli %arg0, %mul3A_117 : i32
      %add3A_119 = arith.addi %mul3A_118, %mul3A_116 : i32
      "tpu.region"() ({
        %run_scoped3A = tpu.sem_alloc : memref<!tpu.dma_semaphore, #tpu.memory_space<semaphore_mem>>
        %dma_start3A = arith.constant 0 : i32
        %dma_start3A_120 = tpu.memref_slice %arg8[%add3A_119, %dma_start3A] : memref<20000x128xf32, #tpu.memory_space<hbm>> -> memref<80x128xf32, #tpu.memory_space<hbm>>
        %dma_start3A_121 = arith.constant 0 : i32
        %dma_start3A_122 = tpu.memref_slice %arg8[%add3A_119, %dma_start3A_121] : memref<20000x128xf32, #tpu.memory_space<hbm>> -> memref<80x128xf32, #tpu.memory_space<hbm>>
        tpu.enqueue_dma source(%arg14 : memref<80x128xf32, #tpu.memory_space<vmem>>) target(%dma_start3A_122 : memref<80x128xf32, #tpu.memory_space<hbm>>) target_semaphore(%run_scoped3A : memref<!tpu.dma_semaphore, #tpu.memory_space<semaphore_mem>>)
        %dma_wait3A = arith.constant 0 : i32
        %dma_wait3A_123 = tpu.memref_slice %arg8[%add3A_119, %dma_wait3A] : memref<20000x128xf32, #tpu.memory_space<hbm>> -> memref<80x128xf32, #tpu.memory_space<hbm>>
        %dma_wait3A_124 = arith.constant 0 : i32
        %dma_wait3A_125 = tpu.memref_slice %arg8[%add3A_119, %dma_wait3A_124] : memref<20000x128xf32, #tpu.memory_space<hbm>> -> memref<80x128xf32, #tpu.memory_space<hbm>>
        tpu.wait_dma2 semaphore(%run_scoped3A : memref<!tpu.dma_semaphore, #tpu.memory_space<semaphore_mem>>) src(%arg14 : memref<80x128xf32, #tpu.memory_space<vmem>>) dst(%dma_wait3A_125 : memref<80x128xf32, #tpu.memory_space<hbm>>)
        tpu.yield
      }) : () -> ()
    } else {
    }
    %add3A_73 = arith.constant 32 : i32
    %add3A_74 = arith.addi %arg1, %add3A_73 : i32
    %lt3A_75 = arith.constant 125 : i32
    %lt3A_76 = arith.cmpi slt, %add3A_74, %lt3A_75 : i32
    %convert_element_type3A_77 = arith.extui %lt3A_76 : i1 to i32
    %cond3A_78 = arith.constant 0 : i32
    %cond3A_79 = arith.cmpi ne, %convert_element_type3A_77, %cond3A_78 : i32
    scf.if %cond3A_79 {
      %mul3A_115 = arith.constant 80 : i32
      %mul3A_116 = arith.muli %add3A_74, %mul3A_115 : i32
      "tpu.region"() ({
        %run_scoped3A = tpu.sem_alloc : memref<!tpu.dma_semaphore, #tpu.memory_space<semaphore_mem>>
        %dma_start3A = arith.constant 0 : i32
        %dma_start3A_120 = tpu.memref_slice %arg15[%mul3A_116, %dma_start3A] : memref<10000x128xf32, #tpu.memory_space<vmem_shared>> -> memref<80x128xf32, #tpu.memory_space<vmem_shared>>
        %dma_start3A_121 = arith.constant 0 : i32
        %dma_start3A_122 = tpu.memref_slice %arg15[%mul3A_116, %dma_start3A_121] : memref<10000x128xf32, #tpu.memory_space<vmem_shared>> -> memref<80x128xf32, #tpu.memory_space<vmem_shared>>
        tpu.enqueue_dma source(%dma_start3A_122 : memref<80x128xf32, #tpu.memory_space<vmem_shared>>) target(%arg14 : memref<80x128xf32, #tpu.memory_space<vmem>>) target_semaphore(%run_scoped3A : memref<!tpu.dma_semaphore, #tpu.memory_space<semaphore_mem>>)
        %dma_wait3A = arith.constant 0 : i32
        %dma_wait3A_123 = tpu.memref_slice %arg15[%mul3A_116, %dma_wait3A] : memref<10000x128xf32, #tpu.memory_space<vmem_shared>> -> memref<80x128xf32, #tpu.memory_space<vmem_shared>>
        %dma_wait3A_124 = arith.constant 0 : i32
        %dma_wait3A_125 = tpu.memref_slice %arg15[%mul3A_116, %dma_wait3A_124] : memref<10000x128xf32, #tpu.memory_space<vmem_shared>> -> memref<80x128xf32, #tpu.memory_space<vmem_shared>>
        tpu.wait_dma2 semaphore(%run_scoped3A : memref<!tpu.dma_semaphore, #tpu.memory_space<semaphore_mem>>) src(%dma_wait3A_125 : memref<80x128xf32, #tpu.memory_space<vmem_shared>>) dst(%arg14 : memref<80x128xf32, #tpu.memory_space<vmem>>)
        tpu.yield
      }) : () -> ()
      %mul3A_117 = arith.constant 10000 : i32
      %mul3A_118 = arith.muli %arg0, %mul3A_117 : i32
      %add3A_119 = arith.addi %mul3A_118, %mul3A_116 : i32
      "tpu.region"() ({
        %run_scoped3A = tpu.sem_alloc : memref<!tpu.dma_semaphore, #tpu.memory_space<semaphore_mem>>
        %dma_start3A = arith.constant 0 : i32
        %dma_start3A_120 = tpu.memref_slice %arg8[%add3A_119, %dma_start3A] : memref<20000x128xf32, #tpu.memory_space<hbm>> -> memref<80x128xf32, #tpu.memory_space<hbm>>
        %dma_start3A_121 = arith.constant 0 : i32
        %dma_start3A_122 = tpu.memref_slice %arg8[%add3A_119, %dma_start3A_121] : memref<20000x128xf32, #tpu.memory_space<hbm>> -> memref<80x128xf32, #tpu.memory_space<hbm>>
        tpu.enqueue_dma source(%arg14 : memref<80x128xf32, #tpu.memory_space<vmem>>) target(%dma_start3A_122 : memref<80x128xf32, #tpu.memory_space<hbm>>) target_semaphore(%run_scoped3A : memref<!tpu.dma_semaphore, #tpu.memory_space<semaphore_mem>>)
        %dma_wait3A = arith.constant 0 : i32
        %dma_wait3A_123 = tpu.memref_slice %arg8[%add3A_119, %dma_wait3A] : memref<20000x128xf32, #tpu.memory_space<hbm>> -> memref<80x128xf32, #tpu.memory_space<hbm>>
        %dma_wait3A_124 = arith.constant 0 : i32
        %dma_wait3A_125 = tpu.memref_slice %arg8[%add3A_119, %dma_wait3A_124] : memref<20000x128xf32, #tpu.memory_space<hbm>> -> memref<80x128xf32, #tpu.memory_space<hbm>>
        tpu.wait_dma2 semaphore(%run_scoped3A : memref<!tpu.dma_semaphore, #tpu.memory_space<semaphore_mem>>) src(%arg14 : memref<80x128xf32, #tpu.memory_space<vmem>>) dst(%dma_wait3A_125 : memref<80x128xf32, #tpu.memory_space<hbm>>)
        tpu.yield
      }) : () -> ()
    } else {
    }
    %add3A_80 = arith.constant 48 : i32
    %add3A_81 = arith.addi %arg1, %add3A_80 : i32
    %lt3A_82 = arith.constant 125 : i32
    %lt3A_83 = arith.cmpi slt, %add3A_81, %lt3A_82 : i32
    %convert_element_type3A_84 = arith.extui %lt3A_83 : i1 to i32
    %cond3A_85 = arith.constant 0 : i32
    %cond3A_86 = arith.cmpi ne, %convert_element_type3A_84, %cond3A_85 : i32
    scf.if %cond3A_86 {
      %mul3A_115 = arith.constant 80 : i32
      %mul3A_116 = arith.muli %add3A_81, %mul3A_115 : i32
      "tpu.region"() ({
        %run_scoped3A = tpu.sem_alloc : memref<!tpu.dma_semaphore, #tpu.memory_space<semaphore_mem>>
        %dma_start3A = arith.constant 0 : i32
        %dma_start3A_120 = tpu.memref_slice %arg15[%mul3A_116, %dma_start3A] : memref<10000x128xf32, #tpu.memory_space<vmem_shared>> -> memref<80x128xf32, #tpu.memory_space<vmem_shared>>
        %dma_start3A_121 = arith.constant 0 : i32
        %dma_start3A_122 = tpu.memref_slice %arg15[%mul3A_116, %dma_start3A_121] : memref<10000x128xf32, #tpu.memory_space<vmem_shared>> -> memref<80x128xf32, #tpu.memory_space<vmem_shared>>
        tpu.enqueue_dma source(%dma_start3A_122 : memref<80x128xf32, #tpu.memory_space<vmem_shared>>) target(%arg14 : memref<80x128xf32, #tpu.memory_space<vmem>>) target_semaphore(%run_scoped3A : memref<!tpu.dma_semaphore, #tpu.memory_space<semaphore_mem>>)
        %dma_wait3A = arith.constant 0 : i32
        %dma_wait3A_123 = tpu.memref_slice %arg15[%mul3A_116, %dma_wait3A] : memref<10000x128xf32, #tpu.memory_space<vmem_shared>> -> memref<80x128xf32, #tpu.memory_space<vmem_shared>>
        %dma_wait3A_124 = arith.constant 0 : i32
        %dma_wait3A_125 = tpu.memref_slice %arg15[%mul3A_116, %dma_wait3A_124] : memref<10000x128xf32, #tpu.memory_space<vmem_shared>> -> memref<80x128xf32, #tpu.memory_space<vmem_shared>>
        tpu.wait_dma2 semaphore(%run_scoped3A : memref<!tpu.dma_semaphore, #tpu.memory_space<semaphore_mem>>) src(%dma_wait3A_125 : memref<80x128xf32, #tpu.memory_space<vmem_shared>>) dst(%arg14 : memref<80x128xf32, #tpu.memory_space<vmem>>)
        tpu.yield
      }) : () -> ()
      %mul3A_117 = arith.constant 10000 : i32
      %mul3A_118 = arith.muli %arg0, %mul3A_117 : i32
      %add3A_119 = arith.addi %mul3A_118, %mul3A_116 : i32
      "tpu.region"() ({
        %run_scoped3A = tpu.sem_alloc : memref<!tpu.dma_semaphore, #tpu.memory_space<semaphore_mem>>
        %dma_start3A = arith.constant 0 : i32
        %dma_start3A_120 = tpu.memref_slice %arg8[%add3A_119, %dma_start3A] : memref<20000x128xf32, #tpu.memory_space<hbm>> -> memref<80x128xf32, #tpu.memory_space<hbm>>
        %dma_start3A_121 = arith.constant 0 : i32
        %dma_start3A_122 = tpu.memref_slice %arg8[%add3A_119, %dma_start3A_121] : memref<20000x128xf32, #tpu.memory_space<hbm>> -> memref<80x128xf32, #tpu.memory_space<hbm>>
        tpu.enqueue_dma source(%arg14 : memref<80x128xf32, #tpu.memory_space<vmem>>) target(%dma_start3A_122 : memref<80x128xf32, #tpu.memory_space<hbm>>) target_semaphore(%run_scoped3A : memref<!tpu.dma_semaphore, #tpu.memory_space<semaphore_mem>>)
        %dma_wait3A = arith.constant 0 : i32
        %dma_wait3A_123 = tpu.memref_slice %arg8[%add3A_119, %dma_wait3A] : memref<20000x128xf32, #tpu.memory_space<hbm>> -> memref<80x128xf32, #tpu.memory_space<hbm>>
        %dma_wait3A_124 = arith.constant 0 : i32
        %dma_wait3A_125 = tpu.memref_slice %arg8[%add3A_119, %dma_wait3A_124] : memref<20000x128xf32, #tpu.memory_space<hbm>> -> memref<80x128xf32, #tpu.memory_space<hbm>>
        tpu.wait_dma2 semaphore(%run_scoped3A : memref<!tpu.dma_semaphore, #tpu.memory_space<semaphore_mem>>) src(%arg14 : memref<80x128xf32, #tpu.memory_space<vmem>>) dst(%dma_wait3A_125 : memref<80x128xf32, #tpu.memory_space<hbm>>)
        tpu.yield
      }) : () -> ()
    } else {
    }
    %add3A_87 = arith.constant 64 : i32
    %add3A_88 = arith.addi %arg1, %add3A_87 : i32
    %lt3A_89 = arith.constant 125 : i32
    %lt3A_90 = arith.cmpi slt, %add3A_88, %lt3A_89 : i32
    %convert_element_type3A_91 = arith.extui %lt3A_90 : i1 to i32
    %cond3A_92 = arith.constant 0 : i32
    %cond3A_93 = arith.cmpi ne, %convert_element_type3A_91, %cond3A_92 : i32
    scf.if %cond3A_93 {
      %mul3A_115 = arith.constant 80 : i32
      %mul3A_116 = arith.muli %add3A_88, %mul3A_115 : i32
      "tpu.region"() ({
        %run_scoped3A = tpu.sem_alloc : memref<!tpu.dma_semaphore, #tpu.memory_space<semaphore_mem>>
        %dma_start3A = arith.constant 0 : i32
        %dma_start3A_120 = tpu.memref_slice %arg15[%mul3A_116, %dma_start3A] : memref<10000x128xf32, #tpu.memory_space<vmem_shared>> -> memref<80x128xf32, #tpu.memory_space<vmem_shared>>
        %dma_start3A_121 = arith.constant 0 : i32
        %dma_start3A_122 = tpu.memref_slice %arg15[%mul3A_116, %dma_start3A_121] : memref<10000x128xf32, #tpu.memory_space<vmem_shared>> -> memref<80x128xf32, #tpu.memory_space<vmem_shared>>
        tpu.enqueue_dma source(%dma_start3A_122 : memref<80x128xf32, #tpu.memory_space<vmem_shared>>) target(%arg14 : memref<80x128xf32, #tpu.memory_space<vmem>>) target_semaphore(%run_scoped3A : memref<!tpu.dma_semaphore, #tpu.memory_space<semaphore_mem>>)
        %dma_wait3A = arith.constant 0 : i32
        %dma_wait3A_123 = tpu.memref_slice %arg15[%mul3A_116, %dma_wait3A] : memref<10000x128xf32, #tpu.memory_space<vmem_shared>> -> memref<80x128xf32, #tpu.memory_space<vmem_shared>>
        %dma_wait3A_124 = arith.constant 0 : i32
        %dma_wait3A_125 = tpu.memref_slice %arg15[%mul3A_116, %dma_wait3A_124] : memref<10000x128xf32, #tpu.memory_space<vmem_shared>> -> memref<80x128xf32, #tpu.memory_space<vmem_shared>>
        tpu.wait_dma2 semaphore(%run_scoped3A : memref<!tpu.dma_semaphore, #tpu.memory_space<semaphore_mem>>) src(%dma_wait3A_125 : memref<80x128xf32, #tpu.memory_space<vmem_shared>>) dst(%arg14 : memref<80x128xf32, #tpu.memory_space<vmem>>)
        tpu.yield
      }) : () -> ()
      %mul3A_117 = arith.constant 10000 : i32
      %mul3A_118 = arith.muli %arg0, %mul3A_117 : i32
      %add3A_119 = arith.addi %mul3A_118, %mul3A_116 : i32
      "tpu.region"() ({
        %run_scoped3A = tpu.sem_alloc : memref<!tpu.dma_semaphore, #tpu.memory_space<semaphore_mem>>
        %dma_start3A = arith.constant 0 : i32
        %dma_start3A_120 = tpu.memref_slice %arg8[%add3A_119, %dma_start3A] : memref<20000x128xf32, #tpu.memory_space<hbm>> -> memref<80x128xf32, #tpu.memory_space<hbm>>
        %dma_start3A_121 = arith.constant 0 : i32
        %dma_start3A_122 = tpu.memref_slice %arg8[%add3A_119, %dma_start3A_121] : memref<20000x128xf32, #tpu.memory_space<hbm>> -> memref<80x128xf32, #tpu.memory_space<hbm>>
        tpu.enqueue_dma source(%arg14 : memref<80x128xf32, #tpu.memory_space<vmem>>) target(%dma_start3A_122 : memref<80x128xf32, #tpu.memory_space<hbm>>) target_semaphore(%run_scoped3A : memref<!tpu.dma_semaphore, #tpu.memory_space<semaphore_mem>>)
        %dma_wait3A = arith.constant 0 : i32
        %dma_wait3A_123 = tpu.memref_slice %arg8[%add3A_119, %dma_wait3A] : memref<20000x128xf32, #tpu.memory_space<hbm>> -> memref<80x128xf32, #tpu.memory_space<hbm>>
        %dma_wait3A_124 = arith.constant 0 : i32
        %dma_wait3A_125 = tpu.memref_slice %arg8[%add3A_119, %dma_wait3A_124] : memref<20000x128xf32, #tpu.memory_space<hbm>> -> memref<80x128xf32, #tpu.memory_space<hbm>>
        tpu.wait_dma2 semaphore(%run_scoped3A : memref<!tpu.dma_semaphore, #tpu.memory_space<semaphore_mem>>) src(%arg14 : memref<80x128xf32, #tpu.memory_space<vmem>>) dst(%dma_wait3A_125 : memref<80x128xf32, #tpu.memory_space<hbm>>)
        tpu.yield
      }) : () -> ()
    } else {
    }
    %add3A_94 = arith.constant 80 : i32
    %add3A_95 = arith.addi %arg1, %add3A_94 : i32
    %lt3A_96 = arith.constant 125 : i32
    %lt3A_97 = arith.cmpi slt, %add3A_95, %lt3A_96 : i32
    %convert_element_type3A_98 = arith.extui %lt3A_97 : i1 to i32
    %cond3A_99 = arith.constant 0 : i32
    %cond3A_100 = arith.cmpi ne, %convert_element_type3A_98, %cond3A_99 : i32
    scf.if %cond3A_100 {
      %mul3A_115 = arith.constant 80 : i32
      %mul3A_116 = arith.muli %add3A_95, %mul3A_115 : i32
      "tpu.region"() ({
        %run_scoped3A = tpu.sem_alloc : memref<!tpu.dma_semaphore, #tpu.memory_space<semaphore_mem>>
        %dma_start3A = arith.constant 0 : i32
        %dma_start3A_120 = tpu.memref_slice %arg15[%mul3A_116, %dma_start3A] : memref<10000x128xf32, #tpu.memory_space<vmem_shared>> -> memref<80x128xf32, #tpu.memory_space<vmem_shared>>
        %dma_start3A_121 = arith.constant 0 : i32
        %dma_start3A_122 = tpu.memref_slice %arg15[%mul3A_116, %dma_start3A_121] : memref<10000x128xf32, #tpu.memory_space<vmem_shared>> -> memref<80x128xf32, #tpu.memory_space<vmem_shared>>
        tpu.enqueue_dma source(%dma_start3A_122 : memref<80x128xf32, #tpu.memory_space<vmem_shared>>) target(%arg14 : memref<80x128xf32, #tpu.memory_space<vmem>>) target_semaphore(%run_scoped3A : memref<!tpu.dma_semaphore, #tpu.memory_space<semaphore_mem>>)
        %dma_wait3A = arith.constant 0 : i32
        %dma_wait3A_123 = tpu.memref_slice %arg15[%mul3A_116, %dma_wait3A] : memref<10000x128xf32, #tpu.memory_space<vmem_shared>> -> memref<80x128xf32, #tpu.memory_space<vmem_shared>>
        %dma_wait3A_124 = arith.constant 0 : i32
        %dma_wait3A_125 = tpu.memref_slice %arg15[%mul3A_116, %dma_wait3A_124] : memref<10000x128xf32, #tpu.memory_space<vmem_shared>> -> memref<80x128xf32, #tpu.memory_space<vmem_shared>>
        tpu.wait_dma2 semaphore(%run_scoped3A : memref<!tpu.dma_semaphore, #tpu.memory_space<semaphore_mem>>) src(%dma_wait3A_125 : memref<80x128xf32, #tpu.memory_space<vmem_shared>>) dst(%arg14 : memref<80x128xf32, #tpu.memory_space<vmem>>)
        tpu.yield
      }) : () -> ()
      %mul3A_117 = arith.constant 10000 : i32
      %mul3A_118 = arith.muli %arg0, %mul3A_117 : i32
      %add3A_119 = arith.addi %mul3A_118, %mul3A_116 : i32
      "tpu.region"() ({
        %run_scoped3A = tpu.sem_alloc : memref<!tpu.dma_semaphore, #tpu.memory_space<semaphore_mem>>
        %dma_start3A = arith.constant 0 : i32
        %dma_start3A_120 = tpu.memref_slice %arg8[%add3A_119, %dma_start3A] : memref<20000x128xf32, #tpu.memory_space<hbm>> -> memref<80x128xf32, #tpu.memory_space<hbm>>
        %dma_start3A_121 = arith.constant 0 : i32
        %dma_start3A_122 = tpu.memref_slice %arg8[%add3A_119, %dma_start3A_121] : memref<20000x128xf32, #tpu.memory_space<hbm>> -> memref<80x128xf32, #tpu.memory_space<hbm>>
        tpu.enqueue_dma source(%arg14 : memref<80x128xf32, #tpu.memory_space<vmem>>) target(%dma_start3A_122 : memref<80x128xf32, #tpu.memory_space<hbm>>) target_semaphore(%run_scoped3A : memref<!tpu.dma_semaphore, #tpu.memory_space<semaphore_mem>>)
        %dma_wait3A = arith.constant 0 : i32
        %dma_wait3A_123 = tpu.memref_slice %arg8[%add3A_119, %dma_wait3A] : memref<20000x128xf32, #tpu.memory_space<hbm>> -> memref<80x128xf32, #tpu.memory_space<hbm>>
        %dma_wait3A_124 = arith.constant 0 : i32
        %dma_wait3A_125 = tpu.memref_slice %arg8[%add3A_119, %dma_wait3A_124] : memref<20000x128xf32, #tpu.memory_space<hbm>> -> memref<80x128xf32, #tpu.memory_space<hbm>>
        tpu.wait_dma2 semaphore(%run_scoped3A : memref<!tpu.dma_semaphore, #tpu.memory_space<semaphore_mem>>) src(%arg14 : memref<80x128xf32, #tpu.memory_space<vmem>>) dst(%dma_wait3A_125 : memref<80x128xf32, #tpu.memory_space<hbm>>)
        tpu.yield
      }) : () -> ()
    } else {
    }
    %add3A_101 = arith.constant 96 : i32
    %add3A_102 = arith.addi %arg1, %add3A_101 : i32
    %lt3A_103 = arith.constant 125 : i32
    %lt3A_104 = arith.cmpi slt, %add3A_102, %lt3A_103 : i32
    %convert_element_type3A_105 = arith.extui %lt3A_104 : i1 to i32
    %cond3A_106 = arith.constant 0 : i32
    %cond3A_107 = arith.cmpi ne, %convert_element_type3A_105, %cond3A_106 : i32
    scf.if %cond3A_107 {
      %mul3A_115 = arith.constant 80 : i32
      %mul3A_116 = arith.muli %add3A_102, %mul3A_115 : i32
      "tpu.region"() ({
        %run_scoped3A = tpu.sem_alloc : memref<!tpu.dma_semaphore, #tpu.memory_space<semaphore_mem>>
        %dma_start3A = arith.constant 0 : i32
        %dma_start3A_120 = tpu.memref_slice %arg15[%mul3A_116, %dma_start3A] : memref<10000x128xf32, #tpu.memory_space<vmem_shared>> -> memref<80x128xf32, #tpu.memory_space<vmem_shared>>
        %dma_start3A_121 = arith.constant 0 : i32
        %dma_start3A_122 = tpu.memref_slice %arg15[%mul3A_116, %dma_start3A_121] : memref<10000x128xf32, #tpu.memory_space<vmem_shared>> -> memref<80x128xf32, #tpu.memory_space<vmem_shared>>
        tpu.enqueue_dma source(%dma_start3A_122 : memref<80x128xf32, #tpu.memory_space<vmem_shared>>) target(%arg14 : memref<80x128xf32, #tpu.memory_space<vmem>>) target_semaphore(%run_scoped3A : memref<!tpu.dma_semaphore, #tpu.memory_space<semaphore_mem>>)
        %dma_wait3A = arith.constant 0 : i32
        %dma_wait3A_123 = tpu.memref_slice %arg15[%mul3A_116, %dma_wait3A] : memref<10000x128xf32, #tpu.memory_space<vmem_shared>> -> memref<80x128xf32, #tpu.memory_space<vmem_shared>>
        %dma_wait3A_124 = arith.constant 0 : i32
        %dma_wait3A_125 = tpu.memref_slice %arg15[%mul3A_116, %dma_wait3A_124] : memref<10000x128xf32, #tpu.memory_space<vmem_shared>> -> memref<80x128xf32, #tpu.memory_space<vmem_shared>>
        tpu.wait_dma2 semaphore(%run_scoped3A : memref<!tpu.dma_semaphore, #tpu.memory_space<semaphore_mem>>) src(%dma_wait3A_125 : memref<80x128xf32, #tpu.memory_space<vmem_shared>>) dst(%arg14 : memref<80x128xf32, #tpu.memory_space<vmem>>)
        tpu.yield
      }) : () -> ()
      %mul3A_117 = arith.constant 10000 : i32
      %mul3A_118 = arith.muli %arg0, %mul3A_117 : i32
      %add3A_119 = arith.addi %mul3A_118, %mul3A_116 : i32
      "tpu.region"() ({
        %run_scoped3A = tpu.sem_alloc : memref<!tpu.dma_semaphore, #tpu.memory_space<semaphore_mem>>
        %dma_start3A = arith.constant 0 : i32
        %dma_start3A_120 = tpu.memref_slice %arg8[%add3A_119, %dma_start3A] : memref<20000x128xf32, #tpu.memory_space<hbm>> -> memref<80x128xf32, #tpu.memory_space<hbm>>
        %dma_start3A_121 = arith.constant 0 : i32
        %dma_start3A_122 = tpu.memref_slice %arg8[%add3A_119, %dma_start3A_121] : memref<20000x128xf32, #tpu.memory_space<hbm>> -> memref<80x128xf32, #tpu.memory_space<hbm>>
        tpu.enqueue_dma source(%arg14 : memref<80x128xf32, #tpu.memory_space<vmem>>) target(%dma_start3A_122 : memref<80x128xf32, #tpu.memory_space<hbm>>) target_semaphore(%run_scoped3A : memref<!tpu.dma_semaphore, #tpu.memory_space<semaphore_mem>>)
        %dma_wait3A = arith.constant 0 : i32
        %dma_wait3A_123 = tpu.memref_slice %arg8[%add3A_119, %dma_wait3A] : memref<20000x128xf32, #tpu.memory_space<hbm>> -> memref<80x128xf32, #tpu.memory_space<hbm>>
        %dma_wait3A_124 = arith.constant 0 : i32
        %dma_wait3A_125 = tpu.memref_slice %arg8[%add3A_119, %dma_wait3A_124] : memref<20000x128xf32, #tpu.memory_space<hbm>> -> memref<80x128xf32, #tpu.memory_space<hbm>>
        tpu.wait_dma2 semaphore(%run_scoped3A : memref<!tpu.dma_semaphore, #tpu.memory_space<semaphore_mem>>) src(%arg14 : memref<80x128xf32, #tpu.memory_space<vmem>>) dst(%dma_wait3A_125 : memref<80x128xf32, #tpu.memory_space<hbm>>)
        tpu.yield
      }) : () -> ()
    } else {
    }
    %add3A_108 = arith.constant 112 : i32
    %add3A_109 = arith.addi %arg1, %add3A_108 : i32
    %lt3A_110 = arith.constant 125 : i32
    %lt3A_111 = arith.cmpi slt, %add3A_109, %lt3A_110 : i32
    %convert_element_type3A_112 = arith.extui %lt3A_111 : i1 to i32
    %cond3A_113 = arith.constant 0 : i32
    %cond3A_114 = arith.cmpi ne, %convert_element_type3A_112, %cond3A_113 : i32
    scf.if %cond3A_114 {
      %mul3A_115 = arith.constant 80 : i32
      %mul3A_116 = arith.muli %add3A_109, %mul3A_115 : i32
      "tpu.region"() ({
        %run_scoped3A = tpu.sem_alloc : memref<!tpu.dma_semaphore, #tpu.memory_space<semaphore_mem>>
        %dma_start3A = arith.constant 0 : i32
        %dma_start3A_120 = tpu.memref_slice %arg15[%mul3A_116, %dma_start3A] : memref<10000x128xf32, #tpu.memory_space<vmem_shared>> -> memref<80x128xf32, #tpu.memory_space<vmem_shared>>
        %dma_start3A_121 = arith.constant 0 : i32
        %dma_start3A_122 = tpu.memref_slice %arg15[%mul3A_116, %dma_start3A_121] : memref<10000x128xf32, #tpu.memory_space<vmem_shared>> -> memref<80x128xf32, #tpu.memory_space<vmem_shared>>
        tpu.enqueue_dma source(%dma_start3A_122 : memref<80x128xf32, #tpu.memory_space<vmem_shared>>) target(%arg14 : memref<80x128xf32, #tpu.memory_space<vmem>>) target_semaphore(%run_scoped3A : memref<!tpu.dma_semaphore, #tpu.memory_space<semaphore_mem>>)
        %dma_wait3A = arith.constant 0 : i32
        %dma_wait3A_123 = tpu.memref_slice %arg15[%mul3A_116, %dma_wait3A] : memref<10000x128xf32, #tpu.memory_space<vmem_shared>> -> memref<80x128xf32, #tpu.memory_space<vmem_shared>>
        %dma_wait3A_124 = arith.constant 0 : i32
        %dma_wait3A_125 = tpu.memref_slice %arg15[%mul3A_116, %dma_wait3A_124] : memref<10000x128xf32, #tpu.memory_space<vmem_shared>> -> memref<80x128xf32, #tpu.memory_space<vmem_shared>>
        tpu.wait_dma2 semaphore(%run_scoped3A : memref<!tpu.dma_semaphore, #tpu.memory_space<semaphore_mem>>) src(%dma_wait3A_125 : memref<80x128xf32, #tpu.memory_space<vmem_shared>>) dst(%arg14 : memref<80x128xf32, #tpu.memory_space<vmem>>)
        tpu.yield
      }) : () -> ()
      %mul3A_117 = arith.constant 10000 : i32
      %mul3A_118 = arith.muli %arg0, %mul3A_117 : i32
      %add3A_119 = arith.addi %mul3A_118, %mul3A_116 : i32
      "tpu.region"() ({
        %run_scoped3A = tpu.sem_alloc : memref<!tpu.dma_semaphore, #tpu.memory_space<semaphore_mem>>
        %dma_start3A = arith.constant 0 : i32
        %dma_start3A_120 = tpu.memref_slice %arg8[%add3A_119, %dma_start3A] : memref<20000x128xf32, #tpu.memory_space<hbm>> -> memref<80x128xf32, #tpu.memory_space<hbm>>
        %dma_start3A_121 = arith.constant 0 : i32
        %dma_start3A_122 = tpu.memref_slice %arg8[%add3A_119, %dma_start3A_121] : memref<20000x128xf32, #tpu.memory_space<hbm>> -> memref<80x128xf32, #tpu.memory_space<hbm>>
        tpu.enqueue_dma source(%arg14 : memref<80x128xf32, #tpu.memory_space<vmem>>) target(%dma_start3A_122 : memref<80x128xf32, #tpu.memory_space<hbm>>) target_semaphore(%run_scoped3A : memref<!tpu.dma_semaphore, #tpu.memory_space<semaphore_mem>>)
        %dma_wait3A = arith.constant 0 : i32
        %dma_wait3A_123 = tpu.memref_slice %arg8[%add3A_119, %dma_wait3A] : memref<20000x128xf32, #tpu.memory_space<hbm>> -> memref<80x128xf32, #tpu.memory_space<hbm>>
        %dma_wait3A_124 = arith.constant 0 : i32
        %dma_wait3A_125 = tpu.memref_slice %arg8[%add3A_119, %dma_wait3A_124] : memref<20000x128xf32, #tpu.memory_space<hbm>> -> memref<80x128xf32, #tpu.memory_space<hbm>>
        tpu.wait_dma2 semaphore(%run_scoped3A : memref<!tpu.dma_semaphore, #tpu.memory_space<semaphore_mem>>) src(%arg14 : memref<80x128xf32, #tpu.memory_space<vmem>>) dst(%dma_wait3A_125 : memref<80x128xf32, #tpu.memory_space<hbm>>)
        tpu.yield
      }) : () -> ()
    } else {
    }
    return
  }
}

module attributes {stable_mosaic.version = 14 : i64} {
  func.func @_pre_body(%arg0: i32, %arg1: memref<512x128xf32, #tpu.memory_space<vmem>>, %arg2: memref<128x128xf32, #tpu.memory_space<vmem>>, %arg3: memref<1x128xf32, #tpu.memory_space<vmem>>, %arg4: memref<512x128xf32, #tpu.memory_space<vmem>>, %arg5: memref<512x128xf32, #tpu.memory_space<vmem>>) attributes {dimension_semantics = [#tpu.dimension_semantics<arbitrary>], iteration_bounds = array<i64: 625>, scalar_prefetch = 0 : i64, scratch_operands = 0 : i64, tpu.core_type = #tpu.core_type<tc>, window_params = [{transform_indices = @transform_0, window_bounds = array<i64: 512, 128>}, {pipeline_mode = #tpu.pipeline_mode<synchronous>, transform_indices = @transform_1, window_bounds = array<i64: 128, 128>}, {pipeline_mode = #tpu.pipeline_mode<synchronous>, transform_indices = @transform_2, window_bounds = array<i64: 1, 128>}, {transform_indices = @transform_3, window_bounds = array<i64: 512, 128>}, {transform_indices = @transform_4, window_bounds = array<i64: 512, 128>}]} {
    %get3A = arith.constant 0 : index
    %get3A_0 = arith.constant 0 : index
    %get3A_1 = vector.load %arg1[%get3A, %get3A_0] : memref<512x128xf32, #tpu.memory_space<vmem>>, vector<512x128xf32>
    %get3A_2 = arith.constant 0 : index
    %get3A_3 = arith.constant 0 : index
    %get3A_4 = vector.load %arg2[%get3A_2, %get3A_3] : memref<128x128xf32, #tpu.memory_space<vmem>>, vector<128x128xf32>
    %dot_general3A = arith.constant dense<0.000000e+00> : vector<512x128xf32>
    %dot_general3A_5 = tpu.matmul %get3A_1, %get3A_4, %dot_general3A {dimension_numbers = #tpu.dot_dimension_numbers<[1], [0], [0], [1], [0, 0, 1, 1], [], []>, transpose_lhs_hint = false} : vector<512x128xf32>, vector<128x128xf32>, vector<512x128xf32> -> vector<512x128xf32>
    %get3A_6 = arith.constant 0 : index
    %get3A_7 = arith.constant 0 : index
    %get3A_8 = vector.load %arg3[%get3A_6, %get3A_7] : memref<1x128xf32, #tpu.memory_space<vmem>>, vector<1x128xf32>
    %mul3A = arith.constant 5.000000e-01 : f32
    %mul3A_9 = vector.broadcast %mul3A : f32 to vector<1x128xf32>
    %mul3A_10 = arith.mulf %mul3A_9, %get3A_8 : vector<1x128xf32>
    %add3A = vector.broadcast %mul3A_10 : vector<1x128xf32> to vector<512x128xf32>
    %add3A_11 = arith.addf %dot_general3A_5, %add3A : vector<512x128xf32>
    %swap3A = arith.constant 0 : index
    %swap3A_12 = arith.constant 0 : index
    %swap3A_13 = vector.load %arg4[%swap3A, %swap3A_12] : memref<512x128xf32, #tpu.memory_space<vmem>>, vector<512x128xf32>
    tpu.vector_store %arg4[%swap3A, %swap3A_12], %add3A_11 {strides = array<i32>} : memref<512x128xf32, #tpu.memory_space<vmem>>, vector<512x128xf32>,
    %add3A_14 = vector.broadcast %get3A_8 : vector<1x128xf32> to vector<512x128xf32>
    %add3A_15 = arith.addf %dot_general3A_5, %add3A_14 : vector<512x128xf32>
    %max3A = arith.constant 0.000000e+00 : f32
    %max3A_16 = vector.broadcast %max3A : f32 to vector<512x128xf32>
    %max3A_17 = arith.maximumf %add3A_15, %max3A_16 : vector<512x128xf32>
    %swap3A_18 = arith.constant 0 : index
    %swap3A_19 = arith.constant 0 : index
    %swap3A_20 = vector.load %arg5[%swap3A_18, %swap3A_19] : memref<512x128xf32, #tpu.memory_space<vmem>>, vector<512x128xf32>
    tpu.vector_store %arg5[%swap3A_18, %swap3A_19], %max3A_17 {strides = array<i32>} : memref<512x128xf32, #tpu.memory_space<vmem>>, vector<512x128xf32>,
    return
  }
  func.func @transform_0(%arg0: i32) -> (i32, i32) {
    %c0_i32 = arith.constant 0 : i32
    %c0_i32_0 = arith.constant 0 : i32
    return %arg0, %c0_i32 : i32, i32
  }
  func.func @transform_1(%arg0: i32) -> (i32, i32) {
    %c0_i32 = arith.constant 0 : i32
    %c0_i32_0 = arith.constant 0 : i32
    %c0_i32_1 = arith.constant 0 : i32
    return %c0_i32, %c0_i32_0 : i32, i32
  }
  func.func @transform_2(%arg0: i32) -> (i32, i32) {
    %c0_i32 = arith.constant 0 : i32
    %c0_i32_0 = arith.constant 0 : i32
    %c0_i32_1 = arith.constant 0 : i32
    return %c0_i32, %c0_i32_0 : i32, i32
  }
  func.func @transform_3(%arg0: i32) -> (i32, i32) {
    %c0_i32 = arith.constant 0 : i32
    %c0_i32_0 = arith.constant 0 : i32
    return %arg0, %c0_i32 : i32, i32
  }
  func.func @transform_4(%arg0: i32) -> (i32, i32) {
    %c0_i32 = arith.constant 0 : i32
    %c0_i32_0 = arith.constant 0 : i32
    return %arg0, %c0_i32 : i32, i32
  }
}

module attributes {stable_mosaic.version = 14 : i64} {
  func.func @_pre_body(%arg0: i32, %arg1: memref<400x128xf32, #tpu.memory_space<vmem>>, %arg2: memref<128x128xf32, #tpu.memory_space<vmem>>, %arg3: memref<1x128xf32, #tpu.memory_space<vmem>>, %arg4: memref<400x128xf32, #tpu.memory_space<vmem>>, %arg5: memref<400x128xf32, #tpu.memory_space<vmem>>) attributes {dimension_semantics = [#tpu.dimension_semantics<arbitrary>], iteration_bounds = array<i64: 25>, scalar_prefetch = 0 : i64, scratch_operands = 0 : i64, tpu.core_type = #tpu.core_type<tc>, window_params = [{transform_indices = @transform_0, window_bounds = array<i64: 400, 128>}, {pipeline_mode = #tpu.pipeline_mode<synchronous>, transform_indices = @transform_1, window_bounds = array<i64: 128, 128>}, {pipeline_mode = #tpu.pipeline_mode<synchronous>, transform_indices = @transform_2, window_bounds = array<i64: 1, 128>}, {transform_indices = @transform_3, window_bounds = array<i64: 400, 128>}, {transform_indices = @transform_4, window_bounds = array<i64: 400, 128>}]} {
    %get3A = arith.constant 0 : index
    %get3A_0 = arith.constant 0 : index
    %get3A_1 = vector.load %arg1[%get3A, %get3A_0] : memref<400x128xf32, #tpu.memory_space<vmem>>, vector<400x128xf32>
    %get3A_2 = arith.constant 0 : index
    %get3A_3 = arith.constant 0 : index
    %get3A_4 = vector.load %arg2[%get3A_2, %get3A_3] : memref<128x128xf32, #tpu.memory_space<vmem>>, vector<128x128xf32>
    %dot_general3A = arith.constant dense<0.000000e+00> : vector<400x128xf32>
    %dot_general3A_5 = tpu.matmul %get3A_1, %get3A_4, %dot_general3A {dimension_numbers = #tpu.dot_dimension_numbers<[1], [0], [0], [1], [0, 0, 1, 1], [], []>, transpose_lhs_hint = false} : vector<400x128xf32>, vector<128x128xf32>, vector<400x128xf32> -> vector<400x128xf32>
    %get3A_6 = arith.constant 0 : index
    %get3A_7 = arith.constant 0 : index
    %get3A_8 = vector.load %arg3[%get3A_6, %get3A_7] : memref<1x128xf32, #tpu.memory_space<vmem>>, vector<1x128xf32>
    %mul3A = arith.constant 5.000000e-01 : f32
    %mul3A_9 = vector.broadcast %mul3A : f32 to vector<1x128xf32>
    %mul3A_10 = arith.mulf %mul3A_9, %get3A_8 : vector<1x128xf32>
    %add3A = vector.broadcast %mul3A_10 : vector<1x128xf32> to vector<400x128xf32>
    %add3A_11 = arith.addf %dot_general3A_5, %add3A : vector<400x128xf32>
    %swap3A = arith.constant 0 : index
    %swap3A_12 = arith.constant 0 : index
    %swap3A_13 = vector.load %arg4[%swap3A, %swap3A_12] : memref<400x128xf32, #tpu.memory_space<vmem>>, vector<400x128xf32>
    tpu.vector_store %arg4[%swap3A, %swap3A_12], %add3A_11 {strides = array<i32>} : memref<400x128xf32, #tpu.memory_space<vmem>>, vector<400x128xf32>,
    %add3A_14 = vector.broadcast %get3A_8 : vector<1x128xf32> to vector<400x128xf32>
    %add3A_15 = arith.addf %dot_general3A_5, %add3A_14 : vector<400x128xf32>
    %max3A = arith.constant 0.000000e+00 : f32
    %max3A_16 = vector.broadcast %max3A : f32 to vector<400x128xf32>
    %max3A_17 = arith.maximumf %add3A_15, %max3A_16 : vector<400x128xf32>
    %swap3A_18 = arith.constant 0 : index
    %swap3A_19 = arith.constant 0 : index
    %swap3A_20 = vector.load %arg5[%swap3A_18, %swap3A_19] : memref<400x128xf32, #tpu.memory_space<vmem>>, vector<400x128xf32>
    tpu.vector_store %arg5[%swap3A_18, %swap3A_19], %max3A_17 {strides = array<i32>} : memref<400x128xf32, #tpu.memory_space<vmem>>, vector<400x128xf32>,
    return
  }
  func.func @transform_0(%arg0: i32) -> (i32, i32) {
    %c0_i32 = arith.constant 0 : i32
    %c0_i32_0 = arith.constant 0 : i32
    return %arg0, %c0_i32 : i32, i32
  }
  func.func @transform_1(%arg0: i32) -> (i32, i32) {
    %c0_i32 = arith.constant 0 : i32
    %c0_i32_0 = arith.constant 0 : i32
    %c0_i32_1 = arith.constant 0 : i32
    return %c0_i32, %c0_i32_0 : i32, i32
  }
  func.func @transform_2(%arg0: i32) -> (i32, i32) {
    %c0_i32 = arith.constant 0 : i32
    %c0_i32_0 = arith.constant 0 : i32
    %c0_i32_1 = arith.constant 0 : i32
    return %c0_i32, %c0_i32_0 : i32, i32
  }
  func.func @transform_3(%arg0: i32) -> (i32, i32) {
    %c0_i32 = arith.constant 0 : i32
    %c0_i32_0 = arith.constant 0 : i32
    return %arg0, %c0_i32 : i32, i32
  }
  func.func @transform_4(%arg0: i32) -> (i32, i32) {
    %c0_i32 = arith.constant 0 : i32
    %c0_i32_0 = arith.constant 0 : i32
    return %arg0, %c0_i32 : i32, i32
  }
}

module attributes {stable_mosaic.version = 14 : i64} {
  func.func @_out0_body(%arg0: i32, %arg1: memref<400x128xf32, #tpu.memory_space<vmem>>, %arg2: memref<400x128xf32, #tpu.memory_space<vmem>>, %arg3: memref<400x128xf32, #tpu.memory_space<vmem>>, %arg4: memref<128x128xf32, #tpu.memory_space<vmem>>, %arg5: memref<1x128xf32, #tpu.memory_space<vmem>>, %arg6: memref<1x128xf32, #tpu.memory_space<vmem>>, %arg7: memref<1x128xf32, #tpu.memory_space<vmem>>, %arg8: memref<128x128xf32, #tpu.memory_space<vmem>>, %arg9: memref<1x128xf32, #tpu.memory_space<vmem>>, %arg10: memref<400x128xf32, #tpu.memory_space<vmem>>) attributes {dimension_semantics = [#tpu.dimension_semantics<arbitrary>], iteration_bounds = array<i64: 25>, scalar_prefetch = 0 : i64, scratch_operands = 0 : i64, tpu.core_type = #tpu.core_type<tc>, window_params = [{transform_indices = @transform_0, window_bounds = array<i64: 400, 128>}, {transform_indices = @transform_1, window_bounds = array<i64: 400, 128>}, {transform_indices = @transform_2, window_bounds = array<i64: 400, 128>}, {pipeline_mode = #tpu.pipeline_mode<synchronous>, transform_indices = @transform_3, window_bounds = array<i64: 128, 128>}, {pipeline_mode = #tpu.pipeline_mode<synchronous>, transform_indices = @transform_4, window_bounds = array<i64: 1, 128>}, {pipeline_mode = #tpu.pipeline_mode<synchronous>, transform_indices = @transform_5, window_bounds = array<i64: 1, 128>}, {pipeline_mode = #tpu.pipeline_mode<synchronous>, transform_indices = @transform_6, window_bounds = array<i64: 1, 128>}, {pipeline_mode = #tpu.pipeline_mode<synchronous>, transform_indices = @transform_7, window_bounds = array<i64: 128, 128>}, {pipeline_mode = #tpu.pipeline_mode<synchronous>, transform_indices = @transform_8, window_bounds = array<i64: 1, 128>}, {transform_indices = @transform_9, window_bounds = array<i64: 400, 128>}]} {
    %get3A = arith.constant 0 : index
    %get3A_0 = arith.constant 0 : index
    %get3A_1 = vector.load %arg1[%get3A, %get3A_0] : memref<400x128xf32, #tpu.memory_space<vmem>>, vector<400x128xf32>
    %get3A_2 = arith.constant 0 : index
    %get3A_3 = arith.constant 0 : index
    %get3A_4 = vector.load %arg2[%get3A_2, %get3A_3] : memref<400x128xf32, #tpu.memory_space<vmem>>, vector<400x128xf32>
    %add3A = arith.addf %get3A_1, %get3A_4 : vector<400x128xf32>
    %get3A_5 = arith.constant 0 : index
    %get3A_6 = arith.constant 0 : index
    %get3A_7 = vector.load %arg3[%get3A_5, %get3A_6] : memref<400x128xf32, #tpu.memory_space<vmem>>, vector<400x128xf32>
    %add3A_8 = arith.addf %add3A, %get3A_7 : vector<400x128xf32>
    %get3A_9 = arith.constant 0 : index
    %get3A_10 = arith.constant 0 : index
    %get3A_11 = vector.load %arg4[%get3A_9, %get3A_10] : memref<128x128xf32, #tpu.memory_space<vmem>>, vector<128x128xf32>
    %dot_general3A = arith.constant dense<0.000000e+00> : vector<400x128xf32>
    %dot_general3A_12 = tpu.matmul %add3A_8, %get3A_11, %dot_general3A {dimension_numbers = #tpu.dot_dimension_numbers<[1], [0], [0], [1], [0, 0, 1, 1], [], []>, transpose_lhs_hint = false} : vector<400x128xf32>, vector<128x128xf32>, vector<400x128xf32> -> vector<400x128xf32>
    %get3A_13 = arith.constant 0 : index
    %get3A_14 = arith.constant 0 : index
    %get3A_15 = vector.load %arg5[%get3A_13, %get3A_14] : memref<1x128xf32, #tpu.memory_space<vmem>>, vector<1x128xf32>
    %add3A_16 = vector.broadcast %get3A_15 : vector<1x128xf32> to vector<400x128xf32>
    %add3A_17 = arith.addf %dot_general3A_12, %add3A_16 : vector<400x128xf32>
    %reduce_sum3A = arith.constant dense<0.000000e+00> : vector<400xf32>
    %reduce_sum3A_18 = vector.multi_reduction <add>, %add3A_17, %reduce_sum3A [1] : vector<400x128xf32> to vector<400xf32>
    %broadcast_in_dim3A = vector.shape_cast %reduce_sum3A_18 : vector<400xf32> to vector<400x1xf32>
    %div3A = arith.constant 1.280000e+02 : f32
    %div3A_19 = vector.broadcast %div3A : f32 to vector<400x1xf32>
    %div3A_20 = arith.divf %broadcast_in_dim3A, %div3A_19 : vector<400x1xf32>
    %sub3A = vector.broadcast %div3A_20 : vector<400x1xf32> to vector<400x128xf32>
    %sub3A_21 = arith.subf %add3A_17, %sub3A : vector<400x128xf32>
    %sub3A_22 = vector.broadcast %div3A_20 : vector<400x1xf32> to vector<400x128xf32>
    %sub3A_23 = arith.subf %add3A_17, %sub3A_22 : vector<400x128xf32>
    %mul3A = arith.mulf %sub3A_21, %sub3A_23 : vector<400x128xf32>
    %reduce_sum3A_24 = arith.constant dense<0.000000e+00> : vector<400xf32>
    %reduce_sum3A_25 = vector.multi_reduction <add>, %mul3A, %reduce_sum3A_24 [1] : vector<400x128xf32> to vector<400xf32>
    %broadcast_in_dim3A_26 = vector.shape_cast %reduce_sum3A_25 : vector<400xf32> to vector<400x1xf32>
    %div3A_27 = arith.constant 1.280000e+02 : f32
    %div3A_28 = vector.broadcast %div3A_27 : f32 to vector<400x1xf32>
    %div3A_29 = arith.divf %broadcast_in_dim3A_26, %div3A_28 : vector<400x1xf32>
    %sub3A_30 = vector.broadcast %div3A_20 : vector<400x1xf32> to vector<400x128xf32>
    %sub3A_31 = arith.subf %add3A_17, %sub3A_30 : vector<400x128xf32>
    %add3A_32 = arith.constant 9.99999974E-6 : f32
    %add3A_33 = vector.broadcast %add3A_32 : f32 to vector<400x1xf32>
    %add3A_34 = arith.addf %div3A_29, %add3A_33 : vector<400x1xf32>
    %rsqrt3A = math.rsqrt %add3A_34 : vector<400x1xf32>
    %mul3A_35 = vector.broadcast %rsqrt3A : vector<400x1xf32> to vector<400x128xf32>
    %mul3A_36 = arith.mulf %sub3A_31, %mul3A_35 : vector<400x128xf32>
    %get3A_37 = arith.constant 0 : index
    %get3A_38 = arith.constant 0 : index
    %get3A_39 = vector.load %arg6[%get3A_37, %get3A_38] : memref<1x128xf32, #tpu.memory_space<vmem>>, vector<1x128xf32>
    %mul3A_40 = vector.broadcast %get3A_39 : vector<1x128xf32> to vector<400x128xf32>
    %mul3A_41 = arith.mulf %mul3A_36, %mul3A_40 : vector<400x128xf32>
    %get3A_42 = arith.constant 0 : index
    %get3A_43 = arith.constant 0 : index
    %get3A_44 = vector.load %arg7[%get3A_42, %get3A_43] : memref<1x128xf32, #tpu.memory_space<vmem>>, vector<1x128xf32>
    %add3A_45 = vector.broadcast %get3A_44 : vector<1x128xf32> to vector<400x128xf32>
    %add3A_46 = arith.addf %mul3A_41, %add3A_45 : vector<400x128xf32>
    %max3A = arith.constant 0.000000e+00 : f32
    %max3A_47 = vector.broadcast %max3A : f32 to vector<400x128xf32>
    %max3A_48 = arith.maximumf %add3A_46, %max3A_47 : vector<400x128xf32>
    %get3A_49 = arith.constant 0 : index
    %get3A_50 = arith.constant 0 : index
    %get3A_51 = vector.load %arg8[%get3A_49, %get3A_50] : memref<128x128xf32, #tpu.memory_space<vmem>>, vector<128x128xf32>
    %dot_general3A_52 = arith.constant dense<0.000000e+00> : vector<400x128xf32>
    %dot_general3A_53 = tpu.matmul %max3A_48, %get3A_51, %dot_general3A_52 {dimension_numbers = #tpu.dot_dimension_numbers<[1], [0], [0], [1], [0, 0, 1, 1], [], []>, transpose_lhs_hint = false} : vector<400x128xf32>, vector<128x128xf32>, vector<400x128xf32> -> vector<400x128xf32>
    %get3A_54 = arith.constant 0 : index
    %get3A_55 = arith.constant 0 : index
    %get3A_56 = vector.load %arg9[%get3A_54, %get3A_55] : memref<1x128xf32, #tpu.memory_space<vmem>>, vector<1x128xf32>
    %add3A_57 = vector.broadcast %get3A_56 : vector<1x128xf32> to vector<400x128xf32>
    %add3A_58 = arith.addf %dot_general3A_53, %add3A_57 : vector<400x128xf32>
    %add3A_59 = arith.addf %add3A_58, %get3A_1 : vector<400x128xf32>
    %swap3A = arith.constant 0 : index
    %swap3A_60 = arith.constant 0 : index
    %swap3A_61 = vector.load %arg10[%swap3A, %swap3A_60] : memref<400x128xf32, #tpu.memory_space<vmem>>, vector<400x128xf32>
    tpu.vector_store %arg10[%swap3A, %swap3A_60], %add3A_59 {strides = array<i32>} : memref<400x128xf32, #tpu.memory_space<vmem>>, vector<400x128xf32>,
    return
  }
  func.func @transform_0(%arg0: i32) -> (i32, i32) {
    %c0_i32 = arith.constant 0 : i32
    %c0_i32_0 = arith.constant 0 : i32
    return %arg0, %c0_i32 : i32, i32
  }
  func.func @transform_1(%arg0: i32) -> (i32, i32) {
    %c0_i32 = arith.constant 0 : i32
    %c0_i32_0 = arith.constant 0 : i32
    return %arg0, %c0_i32 : i32, i32
  }
  func.func @transform_2(%arg0: i32) -> (i32, i32) {
    %c0_i32 = arith.constant 0 : i32
    %c0_i32_0 = arith.constant 0 : i32
    return %arg0, %c0_i32 : i32, i32
  }
  func.func @transform_3(%arg0: i32) -> (i32, i32) {
    %c0_i32 = arith.constant 0 : i32
    %c0_i32_0 = arith.constant 0 : i32
    %c0_i32_1 = arith.constant 0 : i32
    return %c0_i32, %c0_i32_0 : i32, i32
  }
  func.func @transform_4(%arg0: i32) -> (i32, i32) {
    %c0_i32 = arith.constant 0 : i32
    %c0_i32_0 = arith.constant 0 : i32
    %c0_i32_1 = arith.constant 0 : i32
    return %c0_i32, %c0_i32_0 : i32, i32
  }
  func.func @transform_5(%arg0: i32) -> (i32, i32) {
    %c0_i32 = arith.constant 0 : i32
    %c0_i32_0 = arith.constant 0 : i32
    %c0_i32_1 = arith.constant 0 : i32
    return %c0_i32, %c0_i32_0 : i32, i32
  }
  func.func @transform_6(%arg0: i32) -> (i32, i32) {
    %c0_i32 = arith.constant 0 : i32
    %c0_i32_0 = arith.constant 0 : i32
    %c0_i32_1 = arith.constant 0 : i32
    return %c0_i32, %c0_i32_0 : i32, i32
  }
  func.func @transform_7(%arg0: i32) -> (i32, i32) {
    %c0_i32 = arith.constant 0 : i32
    %c0_i32_0 = arith.constant 0 : i32
    %c0_i32_1 = arith.constant 0 : i32
    return %c0_i32, %c0_i32_0 : i32, i32
  }
  func.func @transform_8(%arg0: i32) -> (i32, i32) {
    %c0_i32 = arith.constant 0 : i32
    %c0_i32_0 = arith.constant 0 : i32
    %c0_i32_1 = arith.constant 0 : i32
    return %c0_i32, %c0_i32_0 : i32, i32
  }
  func.func @transform_9(%arg0: i32) -> (i32, i32) {
    %c0_i32 = arith.constant 0 : i32
    %c0_i32_0 = arith.constant 0 : i32
    return %arg0, %c0_i32 : i32, i32
  }
}

module attributes {stable_mosaic.version = 14 : i64} {
  func.func @_out1_body(%arg0: i32, %arg1: memref<512x128xf32, #tpu.memory_space<vmem>>, %arg2: memref<512x128xf32, #tpu.memory_space<vmem>>, %arg3: memref<512x128xf32, #tpu.memory_space<vmem>>, %arg4: memref<128x128xf32, #tpu.memory_space<vmem>>, %arg5: memref<1x128xf32, #tpu.memory_space<vmem>>, %arg6: memref<128x128xf32, #tpu.memory_space<vmem>>, %arg7: memref<1x128xf32, #tpu.memory_space<vmem>>, %arg8: memref<1x128xf32, #tpu.memory_space<vmem>>, %arg9: memref<1x128xf32, #tpu.memory_space<vmem>>, %arg10: memref<128x128xf32, #tpu.memory_space<vmem>>, %arg11: memref<1x128xf32, #tpu.memory_space<vmem>>, %arg12: memref<512x128xf32, #tpu.memory_space<vmem>>) attributes {dimension_semantics = [#tpu.dimension_semantics<arbitrary>], iteration_bounds = array<i64: 625>, scalar_prefetch = 0 : i64, scratch_operands = 0 : i64, tpu.core_type = #tpu.core_type<tc>, window_params = [{transform_indices = @transform_0, window_bounds = array<i64: 512, 128>}, {transform_indices = @transform_1, window_bounds = array<i64: 512, 128>}, {transform_indices = @transform_2, window_bounds = array<i64: 512, 128>}, {pipeline_mode = #tpu.pipeline_mode<synchronous>, transform_indices = @transform_3, window_bounds = array<i64: 128, 128>}, {pipeline_mode = #tpu.pipeline_mode<synchronous>, transform_indices = @transform_4, window_bounds = array<i64: 1, 128>}, {pipeline_mode = #tpu.pipeline_mode<synchronous>, transform_indices = @transform_5, window_bounds = array<i64: 128, 128>}, {pipeline_mode = #tpu.pipeline_mode<synchronous>, transform_indices = @transform_6, window_bounds = array<i64: 1, 128>}, {pipeline_mode = #tpu.pipeline_mode<synchronous>, transform_indices = @transform_7, window_bounds = array<i64: 1, 128>}, {pipeline_mode = #tpu.pipeline_mode<synchronous>, transform_indices = @transform_8, window_bounds = array<i64: 1, 128>}, {pipeline_mode = #tpu.pipeline_mode<synchronous>, transform_indices = @transform_9, window_bounds = array<i64: 128, 128>}, {pipeline_mode = #tpu.pipeline_mode<synchronous>, transform_indices = @transform_10, window_bounds = array<i64: 1, 128>}, {transform_indices = @transform_11, window_bounds = array<i64: 512, 128>}]} {
    %get3A = arith.constant 0 : index
    %get3A_0 = arith.constant 0 : index
    %get3A_1 = vector.load %arg1[%get3A, %get3A_0] : memref<512x128xf32, #tpu.memory_space<vmem>>, vector<512x128xf32>
    %get3A_2 = arith.constant 0 : index
    %get3A_3 = arith.constant 0 : index
    %get3A_4 = vector.load %arg2[%get3A_2, %get3A_3] : memref<512x128xf32, #tpu.memory_space<vmem>>, vector<512x128xf32>
    %max3A = arith.constant 0.000000e+00 : f32
    %max3A_5 = vector.broadcast %max3A : f32 to vector<512x128xf32>
    %max3A_6 = arith.maximumf %get3A_4, %max3A_5 : vector<512x128xf32>
    %add3A = arith.addf %get3A_1, %max3A_6 : vector<512x128xf32>
    %get3A_7 = arith.constant 0 : index
    %get3A_8 = arith.constant 0 : index
    %get3A_9 = vector.load %arg3[%get3A_7, %get3A_8] : memref<512x128xf32, #tpu.memory_space<vmem>>, vector<512x128xf32>
    %get3A_10 = arith.constant 0 : index
    %get3A_11 = arith.constant 0 : index
    %get3A_12 = vector.load %arg4[%get3A_10, %get3A_11] : memref<128x128xf32, #tpu.memory_space<vmem>>, vector<128x128xf32>
    %dot_general3A = arith.constant dense<0.000000e+00> : vector<512x128xf32>
    %dot_general3A_13 = tpu.matmul %get3A_9, %get3A_12, %dot_general3A {dimension_numbers = #tpu.dot_dimension_numbers<[1], [0], [0], [1], [0, 0, 1, 1], [], []>, transpose_lhs_hint = false} : vector<512x128xf32>, vector<128x128xf32>, vector<512x128xf32> -> vector<512x128xf32>
    %add3A_14 = arith.addf %add3A, %dot_general3A_13 : vector<512x128xf32>
    %get3A_15 = arith.constant 0 : index
    %get3A_16 = arith.constant 0 : index
    %get3A_17 = vector.load %arg5[%get3A_15, %get3A_16] : memref<1x128xf32, #tpu.memory_space<vmem>>, vector<1x128xf32>
    %add3A_18 = vector.broadcast %get3A_17 : vector<1x128xf32> to vector<512x128xf32>
    %add3A_19 = arith.addf %add3A_14, %add3A_18 : vector<512x128xf32>
    %get3A_20 = arith.constant 0 : index
    %get3A_21 = arith.constant 0 : index
    %get3A_22 = vector.load %arg6[%get3A_20, %get3A_21] : memref<128x128xf32, #tpu.memory_space<vmem>>, vector<128x128xf32>
    %dot_general3A_23 = arith.constant dense<0.000000e+00> : vector<512x128xf32>
    %dot_general3A_24 = tpu.matmul %add3A_19, %get3A_22, %dot_general3A_23 {dimension_numbers = #tpu.dot_dimension_numbers<[1], [0], [0], [1], [0, 0, 1, 1], [], []>, transpose_lhs_hint = false} : vector<512x128xf32>, vector<128x128xf32>, vector<512x128xf32> -> vector<512x128xf32>
    %get3A_25 = arith.constant 0 : index
    %get3A_26 = arith.constant 0 : index
    %get3A_27 = vector.load %arg7[%get3A_25, %get3A_26] : memref<1x128xf32, #tpu.memory_space<vmem>>, vector<1x128xf32>
    %add3A_28 = vector.broadcast %get3A_27 : vector<1x128xf32> to vector<512x128xf32>
    %add3A_29 = arith.addf %dot_general3A_24, %add3A_28 : vector<512x128xf32>
    %reduce_sum3A = arith.constant dense<0.000000e+00> : vector<512xf32>
    %reduce_sum3A_30 = vector.multi_reduction <add>, %add3A_29, %reduce_sum3A [1] : vector<512x128xf32> to vector<512xf32>
    %broadcast_in_dim3A = vector.shape_cast %reduce_sum3A_30 : vector<512xf32> to vector<512x1xf32>
    %div3A = arith.constant 1.280000e+02 : f32
    %div3A_31 = vector.broadcast %div3A : f32 to vector<512x1xf32>
    %div3A_32 = arith.divf %broadcast_in_dim3A, %div3A_31 : vector<512x1xf32>
    %sub3A = vector.broadcast %div3A_32 : vector<512x1xf32> to vector<512x128xf32>
    %sub3A_33 = arith.subf %add3A_29, %sub3A : vector<512x128xf32>
    %sub3A_34 = vector.broadcast %div3A_32 : vector<512x1xf32> to vector<512x128xf32>
    %sub3A_35 = arith.subf %add3A_29, %sub3A_34 : vector<512x128xf32>
    %mul3A = arith.mulf %sub3A_33, %sub3A_35 : vector<512x128xf32>
    %reduce_sum3A_36 = arith.constant dense<0.000000e+00> : vector<512xf32>
    %reduce_sum3A_37 = vector.multi_reduction <add>, %mul3A, %reduce_sum3A_36 [1] : vector<512x128xf32> to vector<512xf32>
    %broadcast_in_dim3A_38 = vector.shape_cast %reduce_sum3A_37 : vector<512xf32> to vector<512x1xf32>
    %div3A_39 = arith.constant 1.280000e+02 : f32
    %div3A_40 = vector.broadcast %div3A_39 : f32 to vector<512x1xf32>
    %div3A_41 = arith.divf %broadcast_in_dim3A_38, %div3A_40 : vector<512x1xf32>
    %sub3A_42 = vector.broadcast %div3A_32 : vector<512x1xf32> to vector<512x128xf32>
    %sub3A_43 = arith.subf %add3A_29, %sub3A_42 : vector<512x128xf32>
    %add3A_44 = arith.constant 9.99999974E-6 : f32
    %add3A_45 = vector.broadcast %add3A_44 : f32 to vector<512x1xf32>
    %add3A_46 = arith.addf %div3A_41, %add3A_45 : vector<512x1xf32>
    %rsqrt3A = math.rsqrt %add3A_46 : vector<512x1xf32>
    %mul3A_47 = vector.broadcast %rsqrt3A : vector<512x1xf32> to vector<512x128xf32>
    %mul3A_48 = arith.mulf %sub3A_43, %mul3A_47 : vector<512x128xf32>
    %get3A_49 = arith.constant 0 : index
    %get3A_50 = arith.constant 0 : index
    %get3A_51 = vector.load %arg8[%get3A_49, %get3A_50] : memref<1x128xf32, #tpu.memory_space<vmem>>, vector<1x128xf32>
    %mul3A_52 = vector.broadcast %get3A_51 : vector<1x128xf32> to vector<512x128xf32>
    %mul3A_53 = arith.mulf %mul3A_48, %mul3A_52 : vector<512x128xf32>
    %get3A_54 = arith.constant 0 : index
    %get3A_55 = arith.constant 0 : index
    %get3A_56 = vector.load %arg9[%get3A_54, %get3A_55] : memref<1x128xf32, #tpu.memory_space<vmem>>, vector<1x128xf32>
    %add3A_57 = vector.broadcast %get3A_56 : vector<1x128xf32> to vector<512x128xf32>
    %add3A_58 = arith.addf %mul3A_53, %add3A_57 : vector<512x128xf32>
    %max3A_59 = arith.constant 0.000000e+00 : f32
    %max3A_60 = vector.broadcast %max3A_59 : f32 to vector<512x128xf32>
    %max3A_61 = arith.maximumf %add3A_58, %max3A_60 : vector<512x128xf32>
    %get3A_62 = arith.constant 0 : index
    %get3A_63 = arith.constant 0 : index
    %get3A_64 = vector.load %arg10[%get3A_62, %get3A_63] : memref<128x128xf32, #tpu.memory_space<vmem>>, vector<128x128xf32>
    %dot_general3A_65 = arith.constant dense<0.000000e+00> : vector<512x128xf32>
    %dot_general3A_66 = tpu.matmul %max3A_61, %get3A_64, %dot_general3A_65 {dimension_numbers = #tpu.dot_dimension_numbers<[1], [0], [0], [1], [0, 0, 1, 1], [], []>, transpose_lhs_hint = false} : vector<512x128xf32>, vector<128x128xf32>, vector<512x128xf32> -> vector<512x128xf32>
    %get3A_67 = arith.constant 0 : index
    %get3A_68 = arith.constant 0 : index
    %get3A_69 = vector.load %arg11[%get3A_67, %get3A_68] : memref<1x128xf32, #tpu.memory_space<vmem>>, vector<1x128xf32>
    %add3A_70 = vector.broadcast %get3A_69 : vector<1x128xf32> to vector<512x128xf32>
    %add3A_71 = arith.addf %dot_general3A_66, %add3A_70 : vector<512x128xf32>
    %add3A_72 = arith.addf %add3A_71, %get3A_1 : vector<512x128xf32>
    %swap3A = arith.constant 0 : index
    %swap3A_73 = arith.constant 0 : index
    %swap3A_74 = vector.load %arg12[%swap3A, %swap3A_73] : memref<512x128xf32, #tpu.memory_space<vmem>>, vector<512x128xf32>
    tpu.vector_store %arg12[%swap3A, %swap3A_73], %add3A_72 {strides = array<i32>} : memref<512x128xf32, #tpu.memory_space<vmem>>, vector<512x128xf32>,
    return
  }
  func.func @transform_0(%arg0: i32) -> (i32, i32) {
    %c0_i32 = arith.constant 0 : i32
    %c0_i32_0 = arith.constant 0 : i32
    return %arg0, %c0_i32 : i32, i32
  }
  func.func @transform_1(%arg0: i32) -> (i32, i32) {
    %c0_i32 = arith.constant 0 : i32
    %c0_i32_0 = arith.constant 0 : i32
    return %arg0, %c0_i32 : i32, i32
  }
  func.func @transform_2(%arg0: i32) -> (i32, i32) {
    %c0_i32 = arith.constant 0 : i32
    %c0_i32_0 = arith.constant 0 : i32
    return %arg0, %c0_i32 : i32, i32
  }
  func.func @transform_3(%arg0: i32) -> (i32, i32) {
    %c0_i32 = arith.constant 0 : i32
    %c0_i32_0 = arith.constant 0 : i32
    %c0_i32_1 = arith.constant 0 : i32
    return %c0_i32, %c0_i32_0 : i32, i32
  }
  func.func @transform_4(%arg0: i32) -> (i32, i32) {
    %c0_i32 = arith.constant 0 : i32
    %c0_i32_0 = arith.constant 0 : i32
    %c0_i32_1 = arith.constant 0 : i32
    return %c0_i32, %c0_i32_0 : i32, i32
  }
  func.func @transform_5(%arg0: i32) -> (i32, i32) {
    %c0_i32 = arith.constant 0 : i32
    %c0_i32_0 = arith.constant 0 : i32
    %c0_i32_1 = arith.constant 0 : i32
    return %c0_i32, %c0_i32_0 : i32, i32
  }
  func.func @transform_6(%arg0: i32) -> (i32, i32) {
    %c0_i32 = arith.constant 0 : i32
    %c0_i32_0 = arith.constant 0 : i32
    %c0_i32_1 = arith.constant 0 : i32
    return %c0_i32, %c0_i32_0 : i32, i32
  }
  func.func @transform_7(%arg0: i32) -> (i32, i32) {
    %c0_i32 = arith.constant 0 : i32
    %c0_i32_0 = arith.constant 0 : i32
    %c0_i32_1 = arith.constant 0 : i32
    return %c0_i32, %c0_i32_0 : i32, i32
  }
  func.func @transform_8(%arg0: i32) -> (i32, i32) {
    %c0_i32 = arith.constant 0 : i32
    %c0_i32_0 = arith.constant 0 : i32
    %c0_i32_1 = arith.constant 0 : i32
    return %c0_i32, %c0_i32_0 : i32, i32
  }
  func.func @transform_9(%arg0: i32) -> (i32, i32) {
    %c0_i32 = arith.constant 0 : i32
    %c0_i32_0 = arith.constant 0 : i32
    %c0_i32_1 = arith.constant 0 : i32
    return %c0_i32, %c0_i32_0 : i32, i32
  }
  func.func @transform_10(%arg0: i32) -> (i32, i32) {
    %c0_i32 = arith.constant 0 : i32
    %c0_i32_0 = arith.constant 0 : i32
    %c0_i32_1 = arith.constant 0 : i32
    return %c0_i32, %c0_i32_0 : i32, i32
  }
  func.func @transform_11(%arg0: i32) -> (i32, i32) {
    %c0_i32 = arith.constant 0 : i32
    %c0_i32_0 = arith.constant 0 : i32
    return %arg0, %c0_i32 : i32, i32
  }
}

</mosaic_0001>

<sc_bundles>
// kernel: kernel.11.cloned.1.call-start
scs
__scs_entry_jumppad:
0x0: {  	(pc) =	sbr.rel $0x88, $3  }
0x1: {  	(tag) =	ssettag $0x0;
	lr =	simm.s32 $0x1  }
0x2: {  	[smem:$0x3F8D] =	sst lr;
	_ =	strace $0xD0000000  }
0x3: {  	_ = 	snop  }
0x4: {  	_ = 	snop  }
0x5: {  	_ = 	snop  }
0x6: {  	_ = 	snop  }
0x7: {  	_ = 	snop  }
__scs_overlays_trampoline_lowered:
0x8: {  	[smem:$0x3F9C] =	sst s0  }
0x9: {  	[smem:$0x3F9D] =	sst s1  }
0xa: {  	[smem:$0x3F9E] =	sst s2  }
0xb: {  	[smem:$0x3F9F] =	sst s3  }
0xc: {  	[smem:$0x3FA0] =	sst s4  }
0xd: {  	[smem:$0x3FA1] =	sst s5  }
0xe: {  	[smem:$0x3FA2] =	sst s6  }
0xf: {  	[smem:$0x3FA3] =	sst s7  }
0x10: {  	[smem:$0x3FA4] =	sst s8  }
0x11: {  	[smem:$0x3FA5] =	sst s9;
	s0 =	simm.s32 @!p0 $0x0  }
0x12: {  	s1 =	sld [smem:$0x3F8B];
	s0 =	simm.s32 @p0 $0x1  }
0x13: {  	[smem:$0x3FA6] =	sst s0;
	s0 =	simm.s32 @!p1 $0x0  }
0x14: {  	s2 =	sld [smem:$0x3F8A];
	s0 =	simm.s32 @p1 $0x1  }
0x15: {  	[smem:$0x3FA7] =	sst s0;
	s0 =	simm.s32 @!p2 $0x0  }
0x16: {  	s3 =	sld [smem:$0x3FDB];
	s0 =	simm.s32 @p2 $0x1  }
0x17: {  	s4 =	simm.s32 $0x1BF5;
	[smem:$0x3FA9] =	sst s0  }
0x18: {  	s0 =	sld [smem:$0x3F8C];
	_ =	swait.ge [sflag:s4], $0x0  }
0x19: {  	s7 =	sld [smem:$0x3F8D]  }
0x1a: {  	s8 =	sadd.s32 $0xFFFFE003, lr  }
0x1b: {  	s9 =	sadd.s32 $0xFFFFFEF7, lr;
	s5 =	simm.s32 $0xFFFFFFFF;
	p2 =	slt.u32 s8, $0xFFFFF086  }
0x1c: {  	p1 =	slt.u32 s9, $0xF7A;
	s5 =	simm.s32 @!p2 $0x0  }
0x1d: {  	s5 =	simm.s32 @p1 $0x1;
	p0 =	seq.s32 s7, s2  }
0x1e: {  	s7 =	smul.u32 @!p0 $0xF7A, s2;
	p2 =	seq.s32 @!p0 s5, $0x0  }
0x1f: {  	s9 =	smul.u32 $0xF7A, s1;
	s8 =	simm.s32 @!p0 $0x1BF5;
	p2 =	por !p2, p0  }
0x20: {  	[sflag:s8] =	ssyncset.s32 @!p0 $0xFFFFF086;
	s6 =	sadd.s32 @!p0 s3, s7;
	s7 =	simm.s32 @!p0 $0x108  }
0x21: {  	s3 =	sadd.s32 s3, s9;
	s6 =	sadd.s32 @!p0 $0x88, s6;
	s7 =	simm.s32 @p2 $0x1082  }
0x22: {  	[simem:s7], [sflag:s8] =	dma.local @!p0 [hbm:s6], $0xF7A  }
0x23: {  	s9 =	sor.u32 $0xD0000000, s2;
	s6 =	simm.s32 $0x108;
	_ =	swait.ge @!p0 [sflag:s8], $0x0  }
0x24: {  	s3 =	sadd.s32 $0x88, s3;
	s6 =	simm.s32 @!p1 $0x1082;
	[sflag:s4] =	ssyncset.s32 $0xFFFFF086  }
0x25: {  	[simem:s6], [sflag:s4] =	dma.local [hbm:s3], $0xF7A  }
0x26: {  	[smem:$0x3F8D] =	sst s1;
	(tag) =	ssettag s2;
	_ =	strace s9  }
0x27: {  	s1 =	sld [smem:$0x3F9D]  }
0x28: {  	s2 =	sld [smem:$0x3F9E]  }
0x29: {  	s4 =	sld [smem:$0x3FA0]  }
0x2a: {  	p0 =	seq.s32 s5, $0x0;
	s5 =	sld [smem:$0x3FA1]  }
0x2b: {  	s6 =	sld [smem:$0x3FA2]  }
0x2c: {  	s7 =	sld [smem:$0x3FA3]  }
0x2d: {  	s3 =	simm.s32 $0x108;
	s8 =	sld [smem:$0x3FA4]  }
0x2e: {  	s3 =	simm.s32 @!p0 $0x1082;
	s9 =	sld [smem:$0x3FA5]  }
0x2f: {  	lr =	sadd.s32 s0, s3;
	s0 =	sld [smem:$0x3F9C]  }
0x30: {  	s3 =	sld [smem:$0x3F9F]  }
0x31: {  	[smem:$0x3FA8] =	sst s10  }
0x32: {  	s10 =	sld [smem:$0x3FA6];
	_ =	sdelay $0x3  }
0x33: {  	p0 =	seq.s32 s10, $0x1;
	s10 =	sld [smem:$0x3FA8];
	_ =	sdelay $0x3  }
0x34: {  	[smem:$0x3FA8] =	sst s10  }
0x35: {  	s10 =	sld [smem:$0x3FA7];
	_ =	sdelay $0x3  }
0x36: {  	p1 =	seq.s32 s10, $0x1;
	s10 =	sld [smem:$0x3FA8];
	_ =	sdelay $0x3  }
0x37: {  	[smem:$0x3FA8] =	sst s10  }
0x38: {  	s10 =	sld [smem:$0x3FA9]  }
0x39: {  	_ = 	snop;
	(pc) =	sbr.ind lr, $3  }
0x3a: {  	_ = 	snop  }
0x3b: {  	_ = 	snop  }
0x3c: {  	p2 =	seq.s32 s10, $0x1;
	s10 =	sld [smem:$0x3FA8]  }
0x3d: {  	_ =	shalt  }
0x3e: {  	_ =	shalt  }
0x3f: {  	_ =	shalt  }
0x40: {  	_ =	shalt  }
0x41: {  	_ =	shalt  }
0x42: {  	_ =	shalt  }
0x43: {  	_ =	shalt  }
0x44: {  	_ =	shalt  }
0x45: {  	_ =	shalt  }
0x46: {  	_ =	shalt  }
0x47: {  	_ =	shalt  }
0x48: {  	_ =	shalt  }
0x49: {  	_ =	shalt  }
0x4a: {  	_ =	shalt  }
0x4b: {  	_ =	shalt  }
0x4c: {  	_ =	shalt  }
0x4d: {  	_ =	shalt  }
0x4e: {  	_ =	shalt  }
0x4f: {  	_ =	shalt  }
0x50: {  	_ =	shalt  }
0x51: {  	_ =	shalt  }
0x52: {  	_ =	shalt  }
0x53: {  	_ =	shalt  }
0x54: {  	_ =	shalt  }
0x55: {  	_ =	shalt  }
0x56: {  	_ =	shalt  }
0x57: {  	_ =	shalt  }
0x58: {  	_ =	shalt  }
0x59: {  	_ =	shalt  }
0x5a: {  	_ =	shalt  }
0x5b: {  	_ =	shalt  }
0x5c: {  	_ =	shalt  }
0x5d: {  	_ =	shalt  }
0x5e: {  	_ =	shalt  }
0x5f: {  	_ =	shalt  }
0x60: {  	_ =	shalt  }
0x61: {  	_ =	shalt  }
0x62: {  	_ =	shalt  }
0x63: {  	_ =	shalt  }
0x64: {  	_ =	shalt  }
0x65: {  	_ =	shalt  }
0x66: {  	_ =	shalt  }
0x67: {  	_ =	shalt  }
0x68: {  	_ =	shalt  }
0x69: {  	_ =	shalt  }
0x6a: {  	_ =	shalt  }
0x6b: {  	_ =	shalt  }
0x6c: {  	_ =	shalt  }
0x6d: {  	_ =	shalt  }
0x6e: {  	_ =	shalt  }
0x6f: {  	_ =	shalt  }
0x70: {  	_ =	shalt  }
0x71: {  	_ =	shalt  }
0x72: {  	_ =	shalt  }
0x73: {  	_ =	shalt  }
0x74: {  	_ =	shalt  }
0x75: {  	_ =	shalt  }
0x76: {  	_ =	shalt  }
0x77: {  	_ =	shalt  }
0x78: {  	_ =	shalt  }
0x79: {  	_ =	shalt  }
0x7a: {  	_ =	shalt  }
0x7b: {  	_ =	shalt  }
0x7c: {  	_ =	shalt  }
0x7d: {  	_ =	shalt  }
0x7e: {  	_ =	shalt  }
0x7f: {  	_ =	shalt  }
0x80: {  	_ =	shalt  }
0x81: {  	_ =	shalt  }
0x82: {  	_ =	shalt  }
0x83: {  	_ =	shalt  }
0x84: {  	_ =	shalt  }
0x85: {  	_ =	shalt  }
0x86: {  	_ =	shalt  }
0x87: {  	_ =	shalt  }
.Lfunc_end0:
.L_simem_size_0:
called_computation.1_lowered:
.L_overlay_start_0:
0x88: {  	s2 =	sld [smem:$0x3FD9]  }
0x89: {  	s3 =	sld [smem:$0x3FFE];
	_ =	sdelay $0x1  }
0x8a: {  	s1 =	srdreg.scid  }
0x8b: {  	s0 =	sand.u32 $0x1, s1  }
0x8c: {  	s15 =	sshll.u32 s0, $0xA;
	s2 =	sadd.s32 s3, s2  }
0x8d: {  	s2 =	sadd.s32 s2, s15  }
0x8e: {  	[smem:$0x3FB4] =	sst s2  }
0x8f: {  	_ = 	snop  }
0x90: {  	s2 =	sld [smem:$0x3FD0];
	_ =	sdelay $0x2  }
0x91: {  	s16 =	simm.s32 $0xB;
	s4 =	simm.s32 $0x10  }
0x92: {  	[smem:s4], [sflag:s16] =	dma.local [hbm:s2], $0x1  }
0x93: {  	_ =	swait.eq [sflag:s16], $0x1  }
0x94: {  	[sflag:s16] =	ssyncset.done $0x0  }
0x95: {  	[sflag:s16] =	ssyncadd.s32 $0xFFFFFFFF  }
0x96: {  	s17 =	sld [smem:$0x11];
	(tm) =	ssettm $0x1  }
0x97: {  	s18 =	sld [smem:$0x3FFB];
	_ =	sdelay $0x3  }
0x98: {  	_ =	strace s18  }
0x99: {  	s2 =	sld [smem:$0x3FFC];
	_ =	sdelay $0x3  }
0x9a: {  	_ =	strace s2  }
0x9b: {  	s2 =	sld [smem:$0x3FFD];
	_ =	sdelay $0x3  }
0x9c: {  	_ =	strace s2  }
0x9d: {  	_ =	strace $0x8FFFFFFF  }
0x9e: {  	s19 =	sld [smem:$0x3FDB];
	_ =	sdelay $0x1  }
0x9f: {  	s20 =	simm.s32 $_scs_section_size  }
0xa0: {  	s5 =	simm.s32 $_size__tile_overlayer_lowered;
	s6 =	simm.s32 $_tile_overlayer_lowered  }
0xa1: {  	s7 =	simm.s32 $0x1BFF;
	s21 =	sshll.u32 s6, $0x1;
	s4 =	sadd.s32 s20, s19  }
0xa2: {  	s22 =	simm.s32 $0x0;
	s5 =	sshll.u32 s5, $0x1;
	s6 =	sadd.s32 s21, s4  }
0xa3: {  	[timem:s22], [sflag:s7] =	dma.local [hbm:s6], s5  }
0xa4: {  	_ =	swait.ge [sflag:s7], s5  }
0xa5: {  	s5 =	ssub.s32 $0x0, s5;
	[sflag:s7] =	ssyncset.done $0x0  }
0xa6: {  	[sflag:s7] =	ssyncadd.s32 s5;
	_ =	sdelay $0x1  }
0xa7: {  	s23 =	simm.s32 $0x1B8B  }
0xa8: {  	_ =	swait.ge [sflag:s23], $0x1  }
0xa9: {  	[sflag:s23] =	ssyncset.done $0x0  }
0xaa: {  	[sflag:s23] =	ssyncadd.s32 $0xFFFFFFFF  }
0xab: {  	s5 =	sld [smem:$0x0]  }
0xac: {  	s6 =	sand.u32 $0xFFFFFFFE, s1  }
0xad: {  	p0 =	sne.s32 s1, s6  }
0xae: {  	s6 =	sshll.u32 @p0 s6, $0xE  }
0xaf: {  	s6 =	sadd.s32 @p0 $0x11B8D, s6;
	s7 =	sshll.u32 @p0 s5, $0x11  }
0xb0: {  	s6 =	sor.u32 @p0 s7, s6  }
0xb1: {  	[sflag:s6] =	ssyncadd.remote.s32 @p0 $0x1;
	_ =	sdelay $0x1  }
0xb2: {  	s6 =	simm.s32 @p0 $0x1B8D  }
0xb3: {  	_ =	swait.eq @p0 [sflag:s6], $0x1  }
0xb4: {  	[sflag:s6] =	ssyncadd.s32 @p0 $0xFFFFFFFF  }
0xb5: {  	s7 =	sshll.u32 @!p0 s1, $0xE  }
0xb6: {  	s7 =	sor.u32 @!p0 $0x4000, s7;
	s6 =	simm.s32 @!p0 $0x1B8D  }
0xb7: {  	s5 =	sshll.u32 @!p0 s5, $0x11;
	s7 =	sadd.s32 @!p0 $0x11B8D, s7;
	_ =	swait.eq @!p0 [sflag:s6], $0x1  }
0xb8: {  	s5 =	sor.u32 @!p0 s5, s7;
	[sflag:s6] =	ssyncadd.s32 @!p0 $0xFFFFFFFF  }
0xb9: {  	s25 =	simm.s32 $0x1B8E;
	s24 =	sld [smem:$0x3FFE];
	[sflag:s5] =	ssyncadd.remote.s32 @!p0 $0x1  }
0xba: {  	s26 =	simm.s32 $execute0_lowered;
	[smem:$0x3FD2] =	sst s25  }
0xbb: {  	s6 =	sshll.u32 s26, $0x1;
	_ =	strace $0x80000049;
	[dreg:$0x1] =	wrdreg $0xFFFFFFFF  }
0xbc: {  	s28 =	simm.s32 $_size_execute0_lowered;
	s4 =	sadd.s32 s4, s6;
	[dreg:$0x0] =	wrdreg $0x0  }
0xbd: {  	s6 =	sshll.u32 s28, $0x1;
	[dreg:$0x2] =	wrdreg s4  }
0xbe: {  	[dreg:$0x3] =	wrdreg s6  }
0xbf: {  	[dreg:$0x4] =	wrdreg $0xC0  }
0xc0: {  	_ =	task [dreg:s22], $0x5FFFF  }
0xc1: {  	[dreg:$0x1] =	wrdreg $0xFFFFFFFF  }
0xc2: {  	[dreg:$0x0] =	wrdreg $0x60  }
0xc3: {  	[dreg:$0x2] =	wrdreg s17  }
0xc4: {  	[dreg:$0x3] =	wrdreg s24  }
0xc5: {  	[dreg:$0x4] =	wrdreg $0x79800  }
0xc6: {  	[dreg:$0x5] =	wrdreg $0xA  }
0xc7: {  	_ =	task.clear_ibuf [dreg:s22], $0x6FFFF;
	_ =	strace $0x90000049  }
0xc8: {  	s29 =	simm.s32 $0xA;
	_ =	strace $0x8000004B  }
0xc9: {  	_ =	swait.ge [sflag:s29], $0x1  }
0xca: {  	[sflag:s29] =	ssyncadd.s32 $0xFFFFFFFF  }
0xcb: {  	_ =	strace $0x9000004B  }
0xcc: {  	_ =	sfence  }
0xcd: {  	s30 =	sld [smem:$0x0];
	_ =	sdelay $0x2  }
0xce: {  	s31 =	sshll.u32 s1, $0xD;
	s1 =	sshrl.u32 s1, $0x2  }
0xcf: {  	s4 =	sand.u32 $0x4000, s31;
	s1 =	sadd.s32 s1, s30  }
0xd0: {  	s0 =	sor.u32 s4, s0;
	s1 =	sshll.u32 s1, $0x11  }
0xd1: {  	s0 =	sor.u32 s1, s0  }
0xd2: {  	s0 =	sadd.s32 $0x8F2B, s0  }
0xd3: {  	[sflag:s0] =	ssyncadd.remote.s32 $0x1  }
0xd4: {  	_ =	sfence.sel $0xFFFF  }
0xd5: {  	[dreg:$0x0] =	wrdreg $0xFFFFFFFF;
	(pc) =	sbr.abs _section_cstart, $3  }
0xd6: {  	[dreg:$0x1] =	wrdreg $0xFFFFFFFF  }
0xd7: {  	_ =	task.clear_ibuf [dreg:s22], $0x2FFFF;
	_ =	strace $0x9FFFFFFF  }
0xd8: {  	(tm) =	ssettm $0x7FFFFFFF  }
0xd9: {  	_ =	shalt  }
tec
execute0_lowered:
.L_overlay_start_1:
0x0: {  	(tag) =	ssettag $0x1  }
0x1: {  	s1 =	rddreg [dreg:$0x0]  }
0x2: {  	s0 =	rddreg [dreg:$0x1];
	s24 =	stileid.u32  }
0x3: {  	s2 =	rddreg [dreg:$0x2];
	s22 =	smul.u32 $0xA000, s24  }
0x4: {  	s3 =	simm.s32 $0x0;
	s11 =	srdreg.scid;
	s28 =	smul.u32 $0x9C40, s24  }
0x5: {  	s30 =	simm.s32 $0x5180;
	s8 =	sor.u32 $0x10, s24;
	s29 =	smul.u32 $0x50, s24  }
0x6: {  	s31 =	simm.s32 $0x1;
	s10 =	sor.u32 $0x20, s24;
	s25 =	smul.u32 $0xA000, s8  }
0x7: {  	[smem:$0x7FF] =	sst s3;
	s14 =	sor.u32 $0x30, s24;
	s12 =	smul.u32 $0xA000, s10  }
0x8: {  	s5 =	sadd.s32 $0xA50C00, s0;
	s18 =	sor.u32 $0x40, s24;
	s16 =	smul.u32 $0xA000, s14  }
0x9: {  	s6 =	sadd.s32 $0xA3D200, s0;
	s20 =	sor.u32 $0x50, s24;
	s19 =	smul.u32 $0xA000, s18  }
0xa: {  	s7 =	sadd.s32 $0xA29800, s0;
	s4 =	sadd.s32 $0x4F9000, s0;
	s21 =	smul.u32 $0xA000, s20  }
0xb: {  	s11 =	sand.u32 $0x1, s11;
	s23 =	sor.u32 $0x60, s24;
	s8 =	smul.u32 $0x50, s8  }
0xc: {  	_ =	strace $0x8000004A;
	[dreg:$0x4] =	wrdreg s4;
	s15 =	smul.u32 $0x50, s10  }
0xd: {  	[dreg:$0x5] =	wrdreg s11;
	s11 =	ssub.s32 $0x2, s11;
	s10 =	smul.u32 $0x50, s18  }
0xe: {  	s13 =	sshrl.u32 s11, $0x1;
	s4 =	sshrl.u32 s22, $0x2;
	s22 =	smul.u32 $0xA000, s23  }
0xf: {  	s9 =	sadd.s32 $0xA64600, s0;
	s23 =	smul.u32 $0x50, s23;
	s26 =	ssub.s32 s11, s13  }
0x10: {  	s11 =	sadd.s32 s4, s2;
	s0 =	sshrl.u32 s25, $0x2;
	[dreg:$0x6] =	wrdreg s8  }
0x11: {  	s12 =	sshrl.u32 s12, $0x2;
	[dreg:$0x7] =	wrdreg s15;
	s17 =	sshrl.u32 s16, $0x2  }
0x12: {  	s25 =	smul.u32 $0x50, s14;
	s8 =	sshrl.u32 s19, $0x2;
	[dreg:$0x9] =	wrdreg s10  }
0x13: {  	s14 =	smul.u32 $0x50, s20;
	s16 =	sshrl.u32 s21, $0x2;
	s4 =	simm.s32 $0x100  }
0x14: {  	s10 =	simm.s32 $0x2980;
	s13 =	sadd.s32 s0, s2;
	s15 =	sadd.s32 s12, s2  }
0x15: {  	s17 =	sadd.s32 s17, s2;
	s19 =	sadd.s32 s8, s2;
	s12 =	sor.u32 $0x70, s24  }
0x16: {  	s18 =	sshrl.u32 s22, $0x2;
	s21 =	sadd.s32 s16, s2;
	[dreg:$0xb] =	wrdreg s23  }
0x17: {  	s26 =	smax.u32 s26, $0x1;
	s8 =	simm.s32 $0x180;
	[dreg:$0x8] =	wrdreg s25  }
0x18: {  	[dreg:$0xa] =	wrdreg s14;
	s20 =	smul.u32 $0xA000, s12;
	s22 =	sadd.s32 s18, s2  }
0x19: {  	p0 =	sgt.u32 s12, $0x7C;
	s0 =	smul.u32 $0x50, s12;
	[dreg:$0xd] =	wrdreg s26  }
0x1a: {  	s26 =	simm.s32 $0x50;
	s14 =	simm.s32 $0x0;
	s25 =	sshrl.u32 s20, $0x2  }
0x1b: {  	[dreg:$0xc] =	wrdreg s0;
	s0 =	simm.s32 $0x80;
	s25 =	sadd.s32 s25, s2  }
.LBB2_1:
0x1c: {  	[dreg:$0xe] =	wrdreg s14;
	s12 =	simm.s32 $0x0  }
.LBB2_2:
0x1d: {  	s14 =	rddreg [dreg:$0x4]  }
0x1e: {  	[tilespmem:s30], [sflag:$0x1] =	stream.linear.gather [hbm4b:s14+s3], $0x2800, $0x38;
	[tilespmem:$0x1B240] =	vst v63  }
0x1f: {  	_ =	swait.ge [sflag:s31], $0x2800  }
0x20: {  	[sflag:s31] =	ssyncset.done $0x0  }
0x21: {  	[sflag:s31] =	ssyncadd.s32 $0xFFFFD800  }
0x22: {  	[spmem:s11] =	stream.linear.scatter [tilespmem:s30], [sflag:$0x1], $0x2800, $0x38;
	[tilespmem:$0x1B240] =	vst v63  }
0x23: {  	_ =	swait.ge [sflag:s31], $0x2800  }
0x24: {  	[sflag:s31] =	ssyncset.done $0x0  }
0x25: {  	[sflag:s31] =	ssyncadd.s32 $0xFFFFD800  }
0x26: {  	[spmem:s13] =	stream.linear.scatter [tilespmem:s30], [sflag:$0x1], $0x2800, $0x38;
	[tilespmem:$0x1B240] =	vst v63  }
0x27: {  	_ =	swait.ge [sflag:s31], $0x2800  }
0x28: {  	[sflag:s31] =	ssyncset.done $0x0  }
0x29: {  	[sflag:s31] =	ssyncadd.s32 $0xFFFFD800  }
0x2a: {  	[spmem:s15] =	stream.linear.scatter [tilespmem:s30], [sflag:$0x1], $0x2800, $0x38;
	[tilespmem:$0x1B240] =	vst v63  }
0x2b: {  	_ =	swait.ge [sflag:s31], $0x2800  }
0x2c: {  	[sflag:s31] =	ssyncset.done $0x0  }
0x2d: {  	[sflag:s31] =	ssyncadd.s32 $0xFFFFD800  }
0x2e: {  	[spmem:s17] =	stream.linear.scatter [tilespmem:s30], [sflag:$0x1], $0x2800, $0x38;
	[tilespmem:$0x1B240] =	vst v63  }
0x2f: {  	_ =	swait.ge [sflag:s31], $0x2800  }
0x30: {  	[sflag:s31] =	ssyncset.done $0x0  }
0x31: {  	[sflag:s31] =	ssyncadd.s32 $0xFFFFD800  }
0x32: {  	[spmem:s19] =	stream.linear.scatter [tilespmem:s30], [sflag:$0x1], $0x2800, $0x38;
	[tilespmem:$0x1B240] =	vst v63  }
0x33: {  	_ =	swait.ge [sflag:s31], $0x2800  }
0x34: {  	[sflag:s31] =	ssyncset.done $0x0  }
0x35: {  	[sflag:s31] =	ssyncadd.s32 $0xFFFFD800  }
0x36: {  	[spmem:s21] =	stream.linear.scatter [tilespmem:s30], [sflag:$0x1], $0x2800, $0x38;
	[tilespmem:$0x1B240] =	vst v63  }
0x37: {  	_ =	swait.ge [sflag:s31], $0x2800  }
0x38: {  	[sflag:s31] =	ssyncset.done $0x0  }
0x39: {  	[sflag:s31] =	ssyncadd.s32 $0xFFFFD800  }
0x3a: {  	[spmem:s22] =	stream.linear.scatter [tilespmem:s30], [sflag:$0x1], $0x2800, $0x38;
	[tilespmem:$0x1B240] =	vst v63  }
0x3b: {  	_ =	swait.ge [sflag:s31], $0x2800  }
0x3c: {  	s24 =	sshll.u32 s12, $0x1;
	s16 =	simm.s32 @!p0 $0x1;
	[sflag:s31] =	ssyncset.done $0x0  }
0x3d: {  	s14 =	simm.s32 @!p0 $0x5180;
	s18 =	rddreg [dreg:$0x5];
	[sflag:s31] =	ssyncadd.s32 $0xFFFFD800  }
0x3e: {  	[spmem:s25] =	stream.linear.scatter @!p0 [tilespmem:s14], [sflag:$0x1], $0x2800, $0x38;
	[tilespmem:$0x1B240] =	vst v63  }
0x3f: {  	s14 =	sor.u32 s18, s24;
	_ =	swait.ge @!p0 [sflag:s16], $0x2800  }
0x40: {  	s14 =	smul.u32 $0x2710, s14;
	[sflag:s16] =	ssyncset.done @!p0 $0x0  }
0x41: {  	[sflag:s16] =	ssyncadd.s32 @!p0 $0xFFFFD800  }
0x42: {  	s18 =	simm.s32 $0x0;
	v0 =	vmov s14;
	s16 =	simm.s32 $0x0;
	[bflag:$0x0] =	sbarrier.arrive $0xFFFF  }
.LBB2_3:
0x43: {  	s20 =	smul.u32 $0x50, s18;
	_ =	sdelay $0x1  }
0x44: {  	s20 =	sadd.s32 s28, s20  }
0x45: {  	s20 =	sshrl.u32 s20, $0x3  }
0x46: {  	s23 =	sadd.s32 s5, s20  }
0x47: {  	[tilespmem:s16], [sflag:$0x1] =	stream.linear.gather [hbm4b:s23+s16], $0x50, $0x38;
	[tilespmem:$0x1B240] =	vst v63  }
0x48: {  	_ =	swait.ge [sflag:s31], $0x50  }
0x49: {  	[sflag:s31] =	ssyncset.done $0x0  }
0x4a: {  	s24 =	sadd.s32 s6, s20;
	[sflag:s31] =	ssyncadd.s32 $0xFFFFFFB0  }
0x4b: {  	[tilespmem:s0], [sflag:$0x1] =	stream.linear.gather [hbm4b:s24+s16], $0x50, $0x38;
	[tilespmem:$0x1B240] =	vst v63  }
0x4c: {  	_ =	swait.ge [sflag:s31], $0x50  }
0x4d: {  	[sflag:s31] =	ssyncset.done $0x0  }
0x4e: {  	s20 =	sadd.s32 s7, s20;
	[sflag:s31] =	ssyncadd.s32 $0xFFFFFFB0  }
0x4f: {  	[tilespmem:s4], [sflag:$0x1] =	stream.linear.gather [hbm4b:s20+s16], $0x50, $0x38;
	[tilespmem:$0x1B240] =	vst v63  }
0x50: {  	_ =	swait.ge [sflag:s31], $0x50  }
0x51: {  	[sflag:s31] =	ssyncset.done $0x0  }
0x52: {  	[sflag:s31] =	ssyncadd.s32 $0xFFFFFFB0  }
0x53: {  	[tilespmem:s8], [sflag:$0x1] =	stream.indirect.gather [hbm4b:s1+s26], $0x80, s0, s26, $0xb8;
	[tilespmem:$0x1B240] =	vst v63  }
0x54: {  	_ =	swait.ge [sflag:s31], $0x2800  }
0x55: {  	[sflag:s31] =	ssyncset.done $0x0  }
0x56: {  	[sflag:s31] =	ssyncadd.s32 $0xFFFFD800  }
0x57: {  	[tilespmem:s10], [sflag:$0x1] =	stream.indirect.gather [hbm4b:s1+s26], $0x80, s4, s26, $0xb8;
	[tilespmem:$0x1B240] =	vst v63  }
0x58: {  	_ =	swait.ge [sflag:s31], $0x2800  }
0x59: {  	[sflag:s31] =	ssyncset.done $0x0  }
0x5a: {  	[sflag:s31] =	ssyncadd.s32 $0xFFFFD800  }
0x5b: {  	v1 =	vld [tilespmem:$0x0]  }
0x5c: {  	v2 =	vld [tilespmem:$0x10]  }
0x5d: {  	v3 =	vld [tilespmem:$0x20]  }
0x5e: {  	v4 =	vld [tilespmem:$0x30]  }
0x5f: {  	v5 =	vld [tilespmem:$0x40]  }
0x60: {  	v1 =	vsub.s32 v1, v0  }
0x61: {  	v2 =	vsub.s32 v2, v0;
	v1 =	vmin.u32 v1, $0x2710  }
0x62: {  	[tilespmem:$0x0] =	vst v1;
	v1 =	vmin.u32 v2, $0x2710;
	v2 =	vsub.s32 v3, v0  }
0x63: {  	[tilespmem:$0x10] =	vst v1;
	v1 =	vmin.u32 v2, $0x2710;
	v2 =	vsub.s32 v4, v0  }
0x64: {  	[tilespmem:$0x20] =	vst v1;
	v1 =	vmin.u32 v2, $0x2710;
	v2 =	vsub.s32 v5, v0  }
0x65: {  	[tilespmem:$0x30] =	vst v1;
	v1 =	vmin.u32 v2, $0x2710  }
0x66: {  	s20 =	simm.s32 $0x0;
	[tilespmem:$0x40] =	vst v1  }
0x67: {  	v7 =	vld [tilespmem:s20+$0x2980]  }
0x68: {  	v12 =	vld [tilespmem:s20+$0x2990]  }
0x69: {  	v6 =	vld [tilespmem:s20+$0x29A0]  }
0x6a: {  	v5 =	vld [tilespmem:s20+$0x29B0]  }
0x6b: {  	v4 =	vld [tilespmem:s20+$0x29C0]  }
0x6c: {  	v3 =	vld [tilespmem:s20+$0x29D0]  }
0x6d: {  	v2 =	vld [tilespmem:s20+$0x29E0]  }
0x6e: {  	v1 =	vld [tilespmem:s20+$0x29F0]  }
0x6f: {  	v13 =	vld [tilespmem:s20+$0x180]  }
0x70: {  	v14 =	vld [tilespmem:s20+$0x190]  }
0x71: {  	v11 =	vld [tilespmem:s20+$0x1A0]  }
0x72: {  	v10 =	vld [tilespmem:s20+$0x1B0]  }
0x73: {  	v9 =	vld [tilespmem:s20+$0x1C0]  }
0x74: {  	v8 =	vld [tilespmem:s20+$0x1D0];
	v13 =	vadd.f32 v7, v13  }
0x75: {  	s23 =	simm.s32 $0x200;
	v12 =	vadd.f32 v12, v14;
	v7 =	vld [tilespmem:s20+$0x1E0]  }
.LBB2_4:
0x76: {  	s24 =	sshra.s32 s23, $0x2;
	p1 =	sne.s32 s23, $0x9E00;
	v13 =	vmax.f32 v13, $0.0e+00;
	v6 =	vadd.f32 v6, v11;
	v11 =	vld [tilespmem:s20+$0x1F0]  }
0x77: {  	v14 =	vld [tilespmem:s24+$0x2980];
	[tilespmem:s20+$0x180] =	vst v13;
	v12 =	vmax.f32 v12, $0.0e+00;
	v5 =	vadd.f32 v5, v10  }
0x78: {  	v15 =	vld [tilespmem:s24+$0x2990];
	[tilespmem:s20+$0x190] =	vst v12;
	v10 =	vmax.f32 v6, $0.0e+00;
	v4 =	vadd.f32 v4, v9  }
0x79: {  	v6 =	vld [tilespmem:s24+$0x29A0];
	[tilespmem:s20+$0x1A0] =	vst v10;
	v9 =	vmax.f32 v5, $0.0e+00;
	v3 =	vadd.f32 v3, v8  }
0x7a: {  	v5 =	vld [tilespmem:s24+$0x29B0];
	[tilespmem:s20+$0x1B0] =	vst v9;
	v8 =	vmax.f32 v4, $0.0e+00;
	v2 =	vadd.f32 v2, v7  }
0x7b: {  	v4 =	vld [tilespmem:s24+$0x29C0];
	[tilespmem:s20+$0x1C0] =	vst v8;
	v7 =	vmax.f32 v3, $0.0e+00;
	v1 =	vadd.f32 v1, v11  }
0x7c: {  	v3 =	vld [tilespmem:s24+$0x29D0];
	[tilespmem:s20+$0x1D0] =	vst v7;
	v7 =	vmax.f32 v2, $0.0e+00  }
0x7d: {  	v2 =	vld [tilespmem:s24+$0x29E0];
	[tilespmem:s20+$0x1E0] =	vst v7;
	v7 =	vmax.f32 v1, $0.0e+00  }
0x7e: {  	v1 =	vld [tilespmem:s24+$0x29F0];
	[tilespmem:s20+$0x1F0] =	vst v7;
	s20 =	smov.u32 s24  }
0x7f: {  	v7 =	vld [tilespmem:s20+$0x180]  }
0x80: {  	v12 =	vld [tilespmem:s20+$0x190]  }
.Ltmp0:
0x81: {  	v11 =	vld [tilespmem:s20+$0x1A0];
	(pc) =	sbr.rel @p1 .LBB2_4-.Ltmp0, $4  }
0x82: {  	v10 =	vld [tilespmem:s20+$0x1B0]  }
0x83: {  	v9 =	vld [tilespmem:s20+$0x1C0]  }
0x84: {  	v13 =	vadd.f32 v14, v7;
	v8 =	vld [tilespmem:s20+$0x1D0]  }
0x85: {  	s23 =	sadd.s32 $0x200, s23;
	v12 =	vadd.f32 v15, v12;
	v7 =	vld [tilespmem:s20+$0x1E0]  }
0x86: {  	v13 =	vmax.f32 v13, $0.0e+00;
	v6 =	vadd.f32 v6, v11;
	v63 =	vld [tilespmem:s20+$0x1F0]  }
0x87: {  	[tilespmem:s20+$0x180] =	vst v13;
	v12 =	vmax.f32 v12, $0.0e+00;
	v5 =	vadd.f32 v5, v10  }
0x88: {  	[tilespmem:s20+$0x190] =	vst v12;
	v6 =	vmax.f32 v6, $0.0e+00;
	v4 =	vadd.f32 v4, v9  }
0x89: {  	[tilespmem:s20+$0x1A0] =	vst v6;
	v5 =	vmax.f32 v5, $0.0e+00;
	v3 =	vadd.f32 v3, v8  }
0x8a: {  	[tilespmem:s20+$0x1B0] =	vst v5;
	v4 =	vmax.f32 v4, $0.0e+00;
	v2 =	vadd.f32 v2, v7  }
0x8b: {  	[tilespmem:s20+$0x1C0] =	vst v4;
	v3 =	vmax.f32 v3, $0.0e+00;
	v1 =	vadd.f32 v1, v63  }
0x8c: {  	s18 =	sadd.s32 $0x1, s18;
	[tilespmem:s20+$0x1D0] =	vst v3;
	v2 =	vmax.f32 v2, $0.0e+00  }
0x8d: {  	p1 =	sne.s32 s18, $0x1F4;
	[tilespmem:s20+$0x1E0] =	vst v2;
	v1 =	vmax.f32 v1, $0.0e+00  }
.Ltmp1:
0x8e: {  	[tilespmem:s20+$0x1F0] =	vst v1;
	(pc) =	sbr.rel @p1 .LBB2_3-.Ltmp1, $4  }
0x8f: {  	[spmem:s2] =	stream.indirect.scatter.add.f32 [tilespmem:s8], [sflag:$0x1], $0x80, s3, s26, $0xb8;
	[tilespmem:$0x1B240] =	vst v63  }
0x90: {  	_ =	swait.ge [sflag:s31], $0x2800  }
0x91: {  	[sflag:s31] =	ssyncset.done $0x0  }
0x92: {  	[sflag:s31] =	ssyncadd.s32 $0xFFFFD800  }
0x93: {  	[bflag:$0x0] =	sbarrier.arrive $0xFFFF  }
0x94: {  	[tilespmem:s30], [sflag:$0x1] =	stream.linear.gather [spmem:s11], $0x2800, $0x38;
	[tilespmem:$0x1B240] =	vst v63  }
0x95: {  	s16 =	sadd.s32 s29, s14;
	_ =	swait.ge [sflag:s31], $0x2800  }
0x96: {  	s16 =	sshll.u32 s16, $0x4;
	[sflag:s31] =	ssyncset.done $0x0  }
0x97: {  	s16 =	sadd.s32 s9, s16;
	[sflag:s31] =	ssyncadd.s32 $0xFFFFD800  }
0x98: {  	[hbm4b:s16+s3] =	stream.linear.scatter [tilespmem:s30], [sflag:$0x1], $0x2800, $0x38;
	[tilespmem:$0x1B240] =	vst v63  }
0x99: {  	_ =	swait.ge [sflag:s31], $0x2800  }
0x9a: {  	[sflag:s31] =	ssyncset.done $0x0  }
0x9b: {  	[sflag:s31] =	ssyncadd.s32 $0xFFFFD800  }
0x9c: {  	[tilespmem:s30], [sflag:$0x1] =	stream.linear.gather [spmem:s13], $0x2800, $0x38;
	[tilespmem:$0x1B240] =	vst v63  }
0x9d: {  	_ =	swait.ge [sflag:s31], $0x2800  }
0x9e: {  	s23 =	rddreg [dreg:$0x6]  }
0x9f: {  	s16 =	sadd.s32 s23, s14  }
0xa0: {  	[sflag:s31] =	ssyncset.done $0x0;
	s16 =	sshll.u32 s16, $0x4  }
0xa1: {  	[sflag:s31] =	ssyncadd.s32 $0xFFFFD800;
	s16 =	sadd.s32 s9, s16  }
0xa2: {  	[hbm4b:s16+s3] =	stream.linear.scatter [tilespmem:s30], [sflag:$0x1], $0x2800, $0x38;
	[tilespmem:$0x1B240] =	vst v63  }
0xa3: {  	_ =	swait.ge [sflag:s31], $0x2800  }
0xa4: {  	[sflag:s31] =	ssyncset.done $0x0  }
0xa5: {  	[sflag:s31] =	ssyncadd.s32 $0xFFFFD800  }
0xa6: {  	[tilespmem:s30], [sflag:$0x1] =	stream.linear.gather [spmem:s15], $0x2800, $0x38;
	[tilespmem:$0x1B240] =	vst v63  }
0xa7: {  	_ =	swait.ge [sflag:s31], $0x2800  }
0xa8: {  	s24 =	rddreg [dreg:$0x7]  }
0xa9: {  	s16 =	sadd.s32 s24, s14  }
0xaa: {  	[sflag:s31] =	ssyncset.done $0x0;
	s16 =	sshll.u32 s16, $0x4  }
0xab: {  	[sflag:s31] =	ssyncadd.s32 $0xFFFFD800;
	s16 =	sadd.s32 s9, s16  }
0xac: {  	[hbm4b:s16+s3] =	stream.linear.scatter [tilespmem:s30], [sflag:$0x1], $0x2800, $0x38;
	[tilespmem:$0x1B240] =	vst v63  }
0xad: {  	_ =	swait.ge [sflag:s31], $0x2800  }
0xae: {  	[sflag:s31] =	ssyncset.done $0x0  }
0xaf: {  	[sflag:s31] =	ssyncadd.s32 $0xFFFFD800  }
0xb0: {  	[tilespmem:s30], [sflag:$0x1] =	stream.linear.gather [spmem:s17], $0x2800, $0x38;
	[tilespmem:$0x1B240] =	vst v63  }
0xb1: {  	_ =	swait.ge [sflag:s31], $0x2800  }
0xb2: {  	s18 =	rddreg [dreg:$0x8]  }
0xb3: {  	s16 =	sadd.s32 s18, s14  }
0xb4: {  	[sflag:s31] =	ssyncset.done $0x0;
	s16 =	sshll.u32 s16, $0x4  }
0xb5: {  	[sflag:s31] =	ssyncadd.s32 $0xFFFFD800;
	s16 =	sadd.s32 s9, s16  }
0xb6: {  	[hbm4b:s16+s3] =	stream.linear.scatter [tilespmem:s30], [sflag:$0x1], $0x2800, $0x38;
	[tilespmem:$0x1B240] =	vst v63  }
0xb7: {  	_ =	swait.ge [sflag:s31], $0x2800  }
0xb8: {  	[sflag:s31] =	ssyncset.done $0x0  }
0xb9: {  	[sflag:s31] =	ssyncadd.s32 $0xFFFFD800  }
0xba: {  	[tilespmem:s30], [sflag:$0x1] =	stream.linear.gather [spmem:s19], $0x2800, $0x38;
	[tilespmem:$0x1B240] =	vst v63  }
0xbb: {  	_ =	swait.ge [sflag:s31], $0x2800  }
0xbc: {  	s20 =	rddreg [dreg:$0x9]  }
0xbd: {  	s16 =	sadd.s32 s20, s14  }
0xbe: {  	[sflag:s31] =	ssyncset.done $0x0;
	s16 =	sshll.u32 s16, $0x4  }
0xbf: {  	[sflag:s31] =	ssyncadd.s32 $0xFFFFD800;
	s16 =	sadd.s32 s9, s16  }
0xc0: {  	[hbm4b:s16+s3] =	stream.linear.scatter [tilespmem:s30], [sflag:$0x1], $0x2800, $0x38;
	[tilespmem:$0x1B240] =	vst v63  }
0xc1: {  	_ =	swait.ge [sflag:s31], $0x2800  }
0xc2: {  	[sflag:s31] =	ssyncset.done $0x0  }
0xc3: {  	[sflag:s31] =	ssyncadd.s32 $0xFFFFD800  }
0xc4: {  	[tilespmem:s30], [sflag:$0x1] =	stream.linear.gather [spmem:s21], $0x2800, $0x38;
	[tilespmem:$0x1B240] =	vst v63  }
0xc5: {  	_ =	swait.ge [sflag:s31], $0x2800  }
0xc6: {  	s23 =	rddreg [dreg:$0xa]  }
0xc7: {  	s16 =	sadd.s32 s23, s14  }
0xc8: {  	[sflag:s31] =	ssyncset.done $0x0;
	s16 =	sshll.u32 s16, $0x4  }
0xc9: {  	[sflag:s31] =	ssyncadd.s32 $0xFFFFD800;
	s16 =	sadd.s32 s9, s16  }
0xca: {  	[hbm4b:s16+s3] =	stream.linear.scatter [tilespmem:s30], [sflag:$0x1], $0x2800, $0x38;
	[tilespmem:$0x1B240] =	vst v63  }
0xcb: {  	_ =	swait.ge [sflag:s31], $0x2800  }
0xcc: {  	[sflag:s31] =	ssyncset.done $0x0  }
0xcd: {  	[sflag:s31] =	ssyncadd.s32 $0xFFFFD800  }
0xce: {  	[tilespmem:s30], [sflag:$0x1] =	stream.linear.gather [spmem:s22], $0x2800, $0x38;
	[tilespmem:$0x1B240] =	vst v63  }
0xcf: {  	_ =	swait.ge [sflag:s31], $0x2800  }
0xd0: {  	s24 =	rddreg [dreg:$0xb]  }
0xd1: {  	s16 =	sadd.s32 s24, s14  }
0xd2: {  	[sflag:s31] =	ssyncset.done $0x0;
	s16 =	sshll.u32 s16, $0x4  }
0xd3: {  	[sflag:s31] =	ssyncadd.s32 $0xFFFFD800;
	s16 =	sadd.s32 s9, s16  }
0xd4: {  	[hbm4b:s16+s3] =	stream.linear.scatter [tilespmem:s30], [sflag:$0x1], $0x2800, $0x38;
	[tilespmem:$0x1B240] =	vst v63  }
0xd5: {  	_ =	swait.ge [sflag:s31], $0x2800  }
0xd6: {  	[sflag:s31] =	ssyncset.done $0x0  }
0xd7: {  	s18 =	simm.s32 @!p0 $0x1;
	s16 =	simm.s32 @!p0 $0x5180;
	[sflag:s31] =	ssyncadd.s32 $0xFFFFD800  }
0xd8: {  	[tilespmem:s16], [sflag:$0x1] =	stream.linear.gather @!p0 [spmem:s25], $0x2800, $0x38;
	[tilespmem:$0x1B240] =	vst v63  }
0xd9: {  	_ =	swait.ge @!p0 [sflag:s18], $0x2800  }
0xda: {  	s20 =	rddreg [dreg:$0xc]  }
0xdb: {  	s12 =	sadd.s32 $0x1, s12;
	s14 =	sadd.s32 @!p0 s20, s14  }
0xdc: {  	p1 =	sne.s32 s12, $0x10;
	[sflag:s18] =	ssyncset.done @!p0 $0x0;
	s14 =	sshll.u32 @!p0 s14, $0x4  }
0xdd: {  	[sflag:s18] =	ssyncadd.s32 @!p0 $0xFFFFD800;
	s20 =	simm.s32 @!p0 $0x0;
	s14 =	sadd.s32 @!p0 s9, s14  }
0xde: {  	[hbm4b:s14+s20] =	stream.linear.scatter @!p0 [tilespmem:s16], [sflag:$0x1], $0x2800, $0x38;
	[tilespmem:$0x1B240] =	vst v63  }
.Ltmp2:
0xdf: {  	_ =	swait.ge @!p0 [sflag:s18], $0x2800;
	(pc) =	sbr.rel @p1 .LBB2_2-.Ltmp2, $3  }
0xe0: {  	[sflag:s18] =	ssyncset.done @!p0 $0x0  }
0xe1: {  	[sflag:s18] =	ssyncadd.s32 @!p0 $0xFFFFD800  }
0xe2: {  	[bflag:$0x0] =	sbarrier.arrive $0xFFFF;
	_ =	sdelay $0x1  }
0xe3: {  	s14 =	rddreg [dreg:$0xe]  }
0xe4: {  	s12 =	rddreg [dreg:$0xd];
	s14 =	sadd.s32 $0x1, s14  }
0xe5: {  	p1 =	sne.s32 s14, s12  }
.Ltmp3:
0xe6: {  	_ = 	snop;
	(pc) =	sbr.rel @p1 .LBB2_1-.Ltmp3, $1  }
0xe7: {  	_ =	sdelay $0x3  }
0xe8: {  	_ =	sfence.sel $0x180000  }
0xe9: {  	[bflag:$0x0] =	sbarrier.arrive $0xFFFF  }
0xea: {  	_ =	strace $0x9000004A  }
0xeb: {  	s0 =	stileid.u32;
	[bflag:$0x2] =	sbarrier.arrive $0xFFFF  }
0xec: {  	p0 =	sne.s32 s0, $0x0;
	s0 =	rddreg [dreg:$0x3]  }
0xed: {  	s0 =	sadd.s32 @!p0 $0x100000, s0  }
0xee: {  	[sflag:s0] =	ssyncadd.tile.s32 @!p0 $0x1;
	_ =	shalt  }
.Lfunc_end2:
_tile_overlayer_lowered:
.L_overlay_start_2:
0xef: {  	(tag) =	ssettag $0x2  }
0xf0: {  	s0 =	rddreg [dreg:$0x0];
	s2 =	stileid.u32  }
0xf1: {  	s1 =	rddreg [dreg:$0x1];
	p0 =	sne.s32 s2, $0x0  }
0xf2: {  	s3 =	rddreg [dreg:$0x2];
	[bflag:$0x3] =	sbarrier.arrive $0xFFFF;
	s2 =	simm.s32 @!p0 $0x1C01  }
0xf3: {  	[timem:s3], [sflag:s2] =	dma.local @!p0 [hbm:s0], s1  }
0xf4: {  	s0 =	simm.s32 @!p0 $0x1  }
0xf5: {  	_ =	swait.ge @!p0 [sflag:s0], s1  }
0xf6: {  	s1 =	ssub.s32 @!p0 $0x0, s1;
	[sflag:s0] =	ssyncset.done @!p0 $0x0  }
0xf7: {  	[sflag:s0] =	ssyncadd.s32 @!p0 s1  }
0xf8: {  	[bflag:$0x3] =	sbarrier.arrive $0xFFFF  }
0xf9: {  	_ =	shalt  }

// kernel: kernel.8.cloned.1.call-start
scs
__scs_entry_jumppad:
0x0: {  	(pc) =	sbr.rel $0x88, $3  }
0x1: {  	(tag) =	ssettag $0x0;
	lr =	simm.s32 $0x1  }
0x2: {  	[smem:$0x3F8D] =	sst lr;
	_ =	strace $0xD0000000  }
0x3: {  	_ = 	snop  }
0x4: {  	_ = 	snop  }
0x5: {  	_ = 	snop  }
0x6: {  	_ = 	snop  }
0x7: {  	_ = 	snop  }
__scs_overlays_trampoline_lowered:
0x8: {  	[smem:$0x3F9C] =	sst s0  }
0x9: {  	[smem:$0x3F9D] =	sst s1  }
0xa: {  	[smem:$0x3F9E] =	sst s2  }
0xb: {  	[smem:$0x3F9F] =	sst s3  }
0xc: {  	[smem:$0x3FA0] =	sst s4  }
0xd: {  	[smem:$0x3FA1] =	sst s5  }
0xe: {  	[smem:$0x3FA2] =	sst s6  }
0xf: {  	[smem:$0x3FA3] =	sst s7  }
0x10: {  	[smem:$0x3FA4] =	sst s8  }
0x11: {  	[smem:$0x3FA5] =	sst s9;
	s0 =	simm.s32 @!p0 $0x0  }
0x12: {  	s1 =	sld [smem:$0x3F8B];
	s0 =	simm.s32 @p0 $0x1  }
0x13: {  	[smem:$0x3FA6] =	sst s0;
	s0 =	simm.s32 @!p1 $0x0  }
0x14: {  	s2 =	sld [smem:$0x3F8A];
	s0 =	simm.s32 @p1 $0x1  }
0x15: {  	[smem:$0x3FA7] =	sst s0;
	s0 =	simm.s32 @!p2 $0x0  }
0x16: {  	s3 =	sld [smem:$0x3FDB];
	s0 =	simm.s32 @p2 $0x1  }
0x17: {  	s4 =	simm.s32 $0x1BF5;
	[smem:$0x3FA9] =	sst s0  }
0x18: {  	s0 =	sld [smem:$0x3F8C];
	_ =	swait.ge [sflag:s4], $0x0  }
0x19: {  	s7 =	sld [smem:$0x3F8D]  }
0x1a: {  	s8 =	sadd.s32 $0xFFFFE003, lr  }
0x1b: {  	s9 =	sadd.s32 $0xFFFFFEF7, lr;
	s5 =	simm.s32 $0xFFFFFFFF;
	p2 =	slt.u32 s8, $0xFFFFF086  }
0x1c: {  	p1 =	slt.u32 s9, $0xF7A;
	s5 =	simm.s32 @!p2 $0x0  }
0x1d: {  	s5 =	simm.s32 @p1 $0x1;
	p0 =	seq.s32 s7, s2  }
0x1e: {  	s7 =	smul.u32 @!p0 $0xF7A, s2;
	p2 =	seq.s32 @!p0 s5, $0x0  }
0x1f: {  	s9 =	smul.u32 $0xF7A, s1;
	s8 =	simm.s32 @!p0 $0x1BF5;
	p2 =	por !p2, p0  }
0x20: {  	[sflag:s8] =	ssyncset.s32 @!p0 $0xFFFFF086;
	s6 =	sadd.s32 @!p0 s3, s7;
	s7 =	simm.s32 @!p0 $0x108  }
0x21: {  	s3 =	sadd.s32 s3, s9;
	s6 =	sadd.s32 @!p0 $0x88, s6;
	s7 =	simm.s32 @p2 $0x1082  }
0x22: {  	[simem:s7], [sflag:s8] =	dma.local @!p0 [hbm:s6], $0xF7A  }
0x23: {  	s9 =	sor.u32 $0xD0000000, s2;
	s6 =	simm.s32 $0x108;
	_ =	swait.ge @!p0 [sflag:s8], $0x0  }
0x24: {  	s3 =	sadd.s32 $0x88, s3;
	s6 =	simm.s32 @!p1 $0x1082;
	[sflag:s4] =	ssyncset.s32 $0xFFFFF086  }
0x25: {  	[simem:s6], [sflag:s4] =	dma.local [hbm:s3], $0xF7A  }
0x26: {  	[smem:$0x3F8D] =	sst s1;
	(tag) =	ssettag s2;
	_ =	strace s9  }
0x27: {  	s1 =	sld [smem:$0x3F9D]  }
0x28: {  	s2 =	sld [smem:$0x3F9E]  }
0x29: {  	s4 =	sld [smem:$0x3FA0]  }
0x2a: {  	p0 =	seq.s32 s5, $0x0;
	s5 =	sld [smem:$0x3FA1]  }
0x2b: {  	s6 =	sld [smem:$0x3FA2]  }
0x2c: {  	s7 =	sld [smem:$0x3FA3]  }
0x2d: {  	s3 =	simm.s32 $0x108;
	s8 =	sld [smem:$0x3FA4]  }
0x2e: {  	s3 =	simm.s32 @!p0 $0x1082;
	s9 =	sld [smem:$0x3FA5]  }
0x2f: {  	lr =	sadd.s32 s0, s3;
	s0 =	sld [smem:$0x3F9C]  }
0x30: {  	s3 =	sld [smem:$0x3F9F]  }
0x31: {  	[smem:$0x3FA8] =	sst s10  }
0x32: {  	s10 =	sld [smem:$0x3FA6];
	_ =	sdelay $0x3  }
0x33: {  	p0 =	seq.s32 s10, $0x1;
	s10 =	sld [smem:$0x3FA8];
	_ =	sdelay $0x3  }
0x34: {  	[smem:$0x3FA8] =	sst s10  }
0x35: {  	s10 =	sld [smem:$0x3FA7];
	_ =	sdelay $0x3  }
0x36: {  	p1 =	seq.s32 s10, $0x1;
	s10 =	sld [smem:$0x3FA8];
	_ =	sdelay $0x3  }
0x37: {  	[smem:$0x3FA8] =	sst s10  }
0x38: {  	s10 =	sld [smem:$0x3FA9]  }
0x39: {  	_ = 	snop;
	(pc) =	sbr.ind lr, $3  }
0x3a: {  	_ = 	snop  }
0x3b: {  	_ = 	snop  }
0x3c: {  	p2 =	seq.s32 s10, $0x1;
	s10 =	sld [smem:$0x3FA8]  }
0x3d: {  	_ =	shalt  }
0x3e: {  	_ =	shalt  }
0x3f: {  	_ =	shalt  }
0x40: {  	_ =	shalt  }
0x41: {  	_ =	shalt  }
0x42: {  	_ =	shalt  }
0x43: {  	_ =	shalt  }
0x44: {  	_ =	shalt  }
0x45: {  	_ =	shalt  }
0x46: {  	_ =	shalt  }
0x47: {  	_ =	shalt  }
0x48: {  	_ =	shalt  }
0x49: {  	_ =	shalt  }
0x4a: {  	_ =	shalt  }
0x4b: {  	_ =	shalt  }
0x4c: {  	_ =	shalt  }
0x4d: {  	_ =	shalt  }
0x4e: {  	_ =	shalt  }
0x4f: {  	_ =	shalt  }
0x50: {  	_ =	shalt  }
0x51: {  	_ =	shalt  }
0x52: {  	_ =	shalt  }
0x53: {  	_ =	shalt  }
0x54: {  	_ =	shalt  }
0x55: {  	_ =	shalt  }
0x56: {  	_ =	shalt  }
0x57: {  	_ =	shalt  }
0x58: {  	_ =	shalt  }
0x59: {  	_ =	shalt  }
0x5a: {  	_ =	shalt  }
0x5b: {  	_ =	shalt  }
0x5c: {  	_ =	shalt  }
0x5d: {  	_ =	shalt  }
0x5e: {  	_ =	shalt  }
0x5f: {  	_ =	shalt  }
0x60: {  	_ =	shalt  }
0x61: {  	_ =	shalt  }
0x62: {  	_ =	shalt  }
0x63: {  	_ =	shalt  }
0x64: {  	_ =	shalt  }
0x65: {  	_ =	shalt  }
0x66: {  	_ =	shalt  }
0x67: {  	_ =	shalt  }
0x68: {  	_ =	shalt  }
0x69: {  	_ =	shalt  }
0x6a: {  	_ =	shalt  }
0x6b: {  	_ =	shalt  }
0x6c: {  	_ =	shalt  }
0x6d: {  	_ =	shalt  }
0x6e: {  	_ =	shalt  }
0x6f: {  	_ =	shalt  }
0x70: {  	_ =	shalt  }
0x71: {  	_ =	shalt  }
0x72: {  	_ =	shalt  }
0x73: {  	_ =	shalt  }
0x74: {  	_ =	shalt  }
0x75: {  	_ =	shalt  }
0x76: {  	_ =	shalt  }
0x77: {  	_ =	shalt  }
0x78: {  	_ =	shalt  }
0x79: {  	_ =	shalt  }
0x7a: {  	_ =	shalt  }
0x7b: {  	_ =	shalt  }
0x7c: {  	_ =	shalt  }
0x7d: {  	_ =	shalt  }
0x7e: {  	_ =	shalt  }
0x7f: {  	_ =	shalt  }
0x80: {  	_ =	shalt  }
0x81: {  	_ =	shalt  }
0x82: {  	_ =	shalt  }
0x83: {  	_ =	shalt  }
0x84: {  	_ =	shalt  }
0x85: {  	_ =	shalt  }
0x86: {  	_ =	shalt  }
0x87: {  	_ =	shalt  }
.Lfunc_end0:
.L_simem_size_0:
called_computation_lowered:
.L_overlay_start_0:
0x88: {  	s2 =	sld [smem:$0x3FD9]  }
0x89: {  	s3 =	sld [smem:$0x3FFE];
	_ =	sdelay $0x1  }
0x8a: {  	s1 =	srdreg.scid  }
0x8b: {  	s0 =	sand.u32 $0x1, s1  }
0x8c: {  	s14 =	sshll.u32 s0, $0xA;
	s2 =	sadd.s32 s3, s2  }
0x8d: {  	s2 =	sadd.s32 s2, s14  }
0x8e: {  	[smem:$0x3FB4] =	sst s2  }
0x8f: {  	_ = 	snop  }
0x90: {  	s2 =	sld [smem:$0x3FD0];
	_ =	sdelay $0x2  }
0x91: {  	s15 =	simm.s32 $0xB;
	s4 =	simm.s32 $0x10  }
0x92: {  	[smem:s4], [sflag:s15] =	dma.local [hbm:s2], $0x1  }
0x93: {  	_ =	swait.eq [sflag:s15], $0x1  }
0x94: {  	[sflag:s15] =	ssyncset.done $0x0  }
0x95: {  	[sflag:s15] =	ssyncadd.s32 $0xFFFFFFFF  }
0x96: {  	s16 =	sld [smem:$0x10];
	(tm) =	ssettm $0x1  }
0x97: {  	s17 =	sld [smem:$0x3FFB];
	_ =	sdelay $0x3  }
0x98: {  	_ =	strace s17  }
0x99: {  	s3 =	sld [smem:$0x3FFC];
	_ =	sdelay $0x3  }
0x9a: {  	_ =	strace s3  }
0x9b: {  	s3 =	sld [smem:$0x3FFD];
	_ =	sdelay $0x3  }
0x9c: {  	_ =	strace s3  }
0x9d: {  	_ =	strace $0x8FFFFFFF  }
0x9e: {  	s18 =	sld [smem:$0x3FDB];
	_ =	sdelay $0x1  }
0x9f: {  	s19 =	simm.s32 $_scs_section_size  }
0xa0: {  	s5 =	simm.s32 $_size__tile_overlayer_lowered;
	s6 =	simm.s32 $_tile_overlayer_lowered  }
0xa1: {  	s22 =	simm.s32 $0x1BFF;
	s21 =	sshll.u32 s6, $0x1;
	s3 =	sadd.s32 s19, s18  }
0xa2: {  	s7 =	simm.s32 $0x0;
	s20 =	sshll.u32 s5, $0x1;
	s5 =	sadd.s32 s21, s3  }
0xa3: {  	[timem:s7], [sflag:s22] =	dma.local [hbm:s5], s20  }
0xa4: {  	_ =	swait.ge [sflag:s22], s20  }
0xa5: {  	s4 =	ssub.s32 $0x0, s20;
	[sflag:s22] =	ssyncset.done $0x0  }
0xa6: {  	[sflag:s22] =	ssyncadd.s32 s4;
	_ =	sdelay $0x1  }
0xa7: {  	s23 =	simm.s32 $0x1B8B  }
0xa8: {  	_ =	swait.ge [sflag:s23], $0x1  }
0xa9: {  	[sflag:s23] =	ssyncset.done $0x0  }
0xaa: {  	s25 =	simm.s32 $0x1B8E;
	s24 =	sld [smem:$0x3FFE];
	[sflag:s23] =	ssyncadd.s32 $0xFFFFFFFF  }
0xab: {  	s26 =	simm.s32 $execute0_lowered;
	[smem:$0x3FD2] =	sst s25  }
0xac: {  	s5 =	sshll.u32 s26, $0x1;
	_ =	strace $0x80000046;
	[dreg:$0x1] =	wrdreg $0xFFFFFFFF  }
0xad: {  	s28 =	simm.s32 $_size_execute0_lowered;
	s3 =	sadd.s32 s3, s5;
	[dreg:$0x0] =	wrdreg $0x0  }
0xae: {  	s5 =	sshll.u32 s28, $0x1;
	[dreg:$0x2] =	wrdreg s3  }
0xaf: {  	[dreg:$0x3] =	wrdreg s5  }
0xb0: {  	[dreg:$0x4] =	wrdreg $0xC0  }
0xb1: {  	_ =	task [dreg:s7], $0x5FFFF  }
0xb2: {  	[dreg:$0x1] =	wrdreg $0xFFFFFFFF  }
0xb3: {  	[dreg:$0x0] =	wrdreg $0x60  }
0xb4: {  	[dreg:$0x2] =	wrdreg s16  }
0xb5: {  	[dreg:$0x3] =	wrdreg s24  }
0xb6: {  	[dreg:$0x4] =	wrdreg $0xA1000  }
0xb7: {  	[dreg:$0x5] =	wrdreg $0x9  }
0xb8: {  	_ =	task.clear_ibuf [dreg:s7], $0x6FFFF;
	_ =	strace $0x90000046  }
0xb9: {  	s29 =	simm.s32 $0x9;
	_ =	strace $0x80000048  }
0xba: {  	_ =	swait.ge [sflag:s29], $0x1  }
0xbb: {  	[sflag:s29] =	ssyncadd.s32 $0xFFFFFFFF  }
0xbc: {  	_ =	strace $0x90000048  }
0xbd: {  	_ =	sfence  }
0xbe: {  	s30 =	sld [smem:$0x0];
	_ =	sdelay $0x2  }
0xbf: {  	s31 =	sshll.u32 s1, $0xD;
	s1 =	sshrl.u32 s1, $0x2  }
0xc0: {  	s3 =	sand.u32 $0x4000, s31;
	s1 =	sadd.s32 s1, s30  }
0xc1: {  	s0 =	sor.u32 s3, s0;
	s1 =	sshll.u32 s1, $0x11  }
0xc2: {  	s0 =	sor.u32 s1, s0  }
0xc3: {  	s0 =	sadd.s32 $0x8F2B, s0  }
0xc4: {  	[sflag:s0] =	ssyncadd.remote.s32 $0x1  }
0xc5: {  	_ =	sfence.sel $0xFFFF  }
0xc6: {  	[dreg:$0x0] =	wrdreg $0xFFFFFFFF;
	(pc) =	sbr.abs _section_cstart, $3  }
0xc7: {  	[dreg:$0x1] =	wrdreg $0xFFFFFFFF  }
0xc8: {  	_ =	task.clear_ibuf [dreg:s7], $0x2FFFF;
	_ =	strace $0x9FFFFFFF  }
0xc9: {  	(tm) =	ssettm $0x7FFFFFFF  }
tec
execute0_lowered:
.L_overlay_start_1:
0x0: {  	(tag) =	ssettag $0x1  }
0x1: {  	s1 =	rddreg [dreg:$0x0]  }
0x2: {  	s0 =	rddreg [dreg:$0x1]  }
0x3: {  	s3 =	srdreg.scid;
	s29 =	stileid.u32  }
0x4: {  	s2 =	rddreg [dreg:$0x2];
	s3 =	sand.u32 $0x1, s3;
	s9 =	smul.u32 $0x50, s29  }
0x5: {  	s4 =	simm.s32 $0x0;
	s8 =	sor.u32 $0x10, s29;
	s7 =	smul.u32 $0x2710, s3  }
0x6: {  	s30 =	simm.s32 $0x1;
	s10 =	sor.u32 $0x20, s29;
	s11 =	smul.u32 $0x50, s8  }
0x7: {  	s31 =	simm.s32 $0x80;
	s12 =	sor.u32 $0x30, s29;
	s13 =	smul.u32 $0x50, s10  }
0x8: {  	[smem:$0x7FF] =	sst s4;
	s19 =	sor.u32 $0x40, s29;
	s14 =	smul.u32 $0x50, s12  }
0x9: {  	s5 =	sadd.s32 $0x17000, s0;
	s20 =	sor.u32 $0x50, s29;
	s16 =	smul.u32 $0x50, s19  }
0xa: {  	s6 =	sadd.s32 $0xD200, s0;
	s21 =	sor.u32 $0x60, s29;
	s18 =	smul.u32 $0x50, s20  }
0xb: {  	s22 =	sor.u32 $0x70, s29;
	s15 =	ssub.s32 $0x2, s3;
	s25 =	smul.u32 $0x50, s21  }
0xc: {  	p0 =	sgt.u32 s29, $0xC;
	s26 =	smul.u32 $0x50, s22;
	s17 =	sshrl.u32 s15, $0x1  }
0xd: {  	_ =	strace $0x80000047;
	s8 =	smul.u32 $0xA000, s8;
	s28 =	ssub.s32 s15, s17  }
0xe: {  	s9 =	sadd.s32 s9, s7;
	s11 =	sadd.s32 s7, s11;
	s13 =	sadd.s32 s7, s13  }
0xf: {  	s14 =	sadd.s32 s7, s14;
	s16 =	sadd.s32 s7, s16;
	s18 =	sadd.s32 s7, s18  }
0x10: {  	s15 =	sadd.s32 s7, s25;
	s7 =	sadd.s32 s7, s26;
	s17 =	sadd.s32 $0x4F9600, s0  }
0x11: {  	s9 =	sshll.u32 s9, $0x4;
	s11 =	sshll.u32 s11, $0x4;
	s13 =	sshll.u32 s13, $0x4  }
0x12: {  	s14 =	sshll.u32 s14, $0x4;
	s16 =	sshll.u32 s16, $0x4;
	s25 =	sshll.u32 s18, $0x4  }
0x13: {  	s26 =	sshll.u32 s15, $0x4;
	s7 =	sshll.u32 s7, $0x4;
	s15 =	sadd.s32 $0x3400, s0  }
0x14: {  	s18 =	sshll.u32 s3, $0x4;
	s28 =	smax.u32 s28, $0x1;
	s9 =	sadd.s32 s17, s9  }
0x15: {  	s11 =	sadd.s32 s17, s11;
	s23 =	sadd.s32 s17, s14;
	[dreg:$0x4] =	wrdreg s9  }
0x16: {  	s24 =	sadd.s32 s17, s16;
	s14 =	smul.u32 $0xA000, s29;
	[dreg:$0x5] =	wrdreg s11  }
0x17: {  	s7 =	sadd.s32 s17, s7;
	[dreg:$0x7] =	wrdreg s23;
	s23 =	smul.u32 $0xA000, s10  }
0x18: {  	s9 =	sadd.s32 s17, s13;
	[dreg:$0x8] =	wrdreg s24;
	s24 =	smul.u32 $0xA000, s12  }
0x19: {  	s13 =	sadd.s32 s17, s26;
	[dreg:$0xb] =	wrdreg s7;
	s26 =	smul.u32 $0xA000, s19  }
0x1a: {  	s16 =	sadd.s32 $0x4F9000, s0;
	s10 =	smul.u32 $0xA000, s20;
	[dreg:$0x6] =	wrdreg s9  }
0x1b: {  	s12 =	smul.u32 $0xA000, s21;
	s9 =	sadd.s32 s17, s25;
	[dreg:$0xa] =	wrdreg s13  }
0x1c: {  	s17 =	sadd.s32 $0x547800, s0;
	s0 =	sor.u32 s29, s18;
	s7 =	sshrl.u32 s14, $0x2  }
0x1d: {  	s25 =	sshrl.u32 s8, $0x2;
	s14 =	smul.u32 $0xA000, s22;
	s29 =	simm.s32 $0x7900  }
0x1e: {  	s8 =	simm.s32 $0x5100;
	[dreg:$0x9] =	wrdreg s9;
	s18 =	sadd.s32 s7, s2  }
0x1f: {  	s19 =	sadd.s32 s25, s2;
	s3 =	sshrl.u32 s23, $0x2;
	s11 =	sshrl.u32 s24, $0x2  }
0x20: {  	s13 =	sshrl.u32 s26, $0x2;
	s24 =	sshrl.u32 s10, $0x2;
	s25 =	sshrl.u32 s12, $0x2  }
0x21: {  	s7 =	simm.s32 $0x2900;
	s9 =	simm.s32 $0x0;
	s20 =	sadd.s32 s3, s2  }
0x22: {  	s21 =	sadd.s32 s11, s2;
	s22 =	sadd.s32 s13, s2;
	s23 =	sadd.s32 s24, s2  }
0x23: {  	s24 =	sadd.s32 s25, s2;
	s26 =	sshrl.u32 s14, $0x2;
	s3 =	simm.s32 $0x100  }
0x24: {  	s25 =	sadd.s32 s26, s2;
	s26 =	smul.u32 $0x2710, s0;
	s0 =	simm.s32 $0x50  }
.LBB2_1:
0x25: {  	[tilespmem:s29], [sflag:$0x1] =	stream.linear.gather [hbm4b:s16+s4], $0x2800, $0x38;
	[tilespmem:$0x1D980] =	vst v63  }
0x26: {  	_ =	swait.ge [sflag:s30], $0x2800  }
0x27: {  	[sflag:s30] =	ssyncset.done $0x0  }
0x28: {  	[sflag:s30] =	ssyncadd.s32 $0xFFFFD800  }
0x29: {  	[spmem:s18] =	stream.linear.scatter [tilespmem:s29], [sflag:$0x1], $0x2800, $0x38;
	[tilespmem:$0x1D980] =	vst v63  }
0x2a: {  	_ =	swait.ge [sflag:s30], $0x2800  }
0x2b: {  	[sflag:s30] =	ssyncset.done $0x0  }
0x2c: {  	[sflag:s30] =	ssyncadd.s32 $0xFFFFD800  }
0x2d: {  	[spmem:s19] =	stream.linear.scatter [tilespmem:s29], [sflag:$0x1], $0x2800, $0x38;
	[tilespmem:$0x1D980] =	vst v63  }
0x2e: {  	_ =	swait.ge [sflag:s30], $0x2800  }
0x2f: {  	[sflag:s30] =	ssyncset.done $0x0  }
0x30: {  	[sflag:s30] =	ssyncadd.s32 $0xFFFFD800  }
0x31: {  	[spmem:s20] =	stream.linear.scatter [tilespmem:s29], [sflag:$0x1], $0x2800, $0x38;
	[tilespmem:$0x1D980] =	vst v63  }
0x32: {  	_ =	swait.ge [sflag:s30], $0x2800  }
0x33: {  	[sflag:s30] =	ssyncset.done $0x0  }
0x34: {  	[sflag:s30] =	ssyncadd.s32 $0xFFFFD800  }
0x35: {  	[spmem:s21] =	stream.linear.scatter [tilespmem:s29], [sflag:$0x1], $0x2800, $0x38;
	[tilespmem:$0x1D980] =	vst v63  }
0x36: {  	_ =	swait.ge [sflag:s30], $0x2800  }
0x37: {  	[sflag:s30] =	ssyncset.done $0x0  }
0x38: {  	[sflag:s30] =	ssyncadd.s32 $0xFFFFD800  }
0x39: {  	[spmem:s22] =	stream.linear.scatter [tilespmem:s29], [sflag:$0x1], $0x2800, $0x38;
	[tilespmem:$0x1D980] =	vst v63  }
0x3a: {  	_ =	swait.ge [sflag:s30], $0x2800  }
0x3b: {  	[sflag:s30] =	ssyncset.done $0x0  }
0x3c: {  	[sflag:s30] =	ssyncadd.s32 $0xFFFFD800  }
0x3d: {  	[spmem:s23] =	stream.linear.scatter [tilespmem:s29], [sflag:$0x1], $0x2800, $0x38;
	[tilespmem:$0x1D980] =	vst v63  }
0x3e: {  	_ =	swait.ge [sflag:s30], $0x2800  }
0x3f: {  	[sflag:s30] =	ssyncset.done $0x0  }
0x40: {  	[sflag:s30] =	ssyncadd.s32 $0xFFFFD800  }
0x41: {  	[spmem:s24] =	stream.linear.scatter [tilespmem:s29], [sflag:$0x1], $0x2800, $0x38;
	[tilespmem:$0x1D980] =	vst v63  }
0x42: {  	_ =	swait.ge [sflag:s30], $0x2800  }
0x43: {  	[sflag:s30] =	ssyncset.done $0x0  }
0x44: {  	s10 =	simm.s32 @!p0 $0x7900;
	[sflag:s30] =	ssyncadd.s32 $0xFFFFD800  }
0x45: {  	[spmem:s25] =	stream.linear.scatter @!p0 [tilespmem:s10], [sflag:$0x1], $0x2800, $0x38;
	[tilespmem:$0x1D980] =	vst v63  }
0x46: {  	s10 =	simm.s32 @!p0 $0x1  }
0x47: {  	_ =	swait.ge @!p0 [sflag:s10], $0x2800  }
0x48: {  	[sflag:s10] =	ssyncset.done @!p0 $0x0  }
0x49: {  	[sflag:s10] =	ssyncadd.s32 @!p0 $0xFFFFD800  }
0x4a: {  	s10 =	simm.s32 $0x0;
	[bflag:$0x0] =	sbarrier.arrive $0xFFFF  }
.LBB2_2:
0x4b: {  	s11 =	smul.u32 $0x50, s10;
	_ =	sdelay $0x1  }
0x4c: {  	s11 =	sadd.s32 s26, s11  }
0x4d: {  	s12 =	sshrl.u32 s11, $0x3  }
0x4e: {  	s14 =	simm.s32 $0x0;
	s13 =	sadd.s32 s6, s12  }
0x4f: {  	[tilespmem:s14], [sflag:$0x1] =	stream.linear.gather [hbm4b:s13+s14], $0x50, $0x38;
	[tilespmem:$0x1D980] =	vst v63  }
0x50: {  	_ =	swait.ge [sflag:s30], $0x50  }
0x51: {  	[sflag:s30] =	ssyncset.done $0x0  }
0x52: {  	s12 =	sadd.s32 s15, s12;
	[sflag:s30] =	ssyncadd.s32 $0xFFFFFFB0  }
0x53: {  	[tilespmem:s31], [sflag:$0x1] =	stream.linear.gather [hbm4b:s12+s14], $0x50, $0x38;
	[tilespmem:$0x1D980] =	vst v63  }
0x54: {  	_ =	swait.ge [sflag:s30], $0x50  }
0x55: {  	[sflag:s30] =	ssyncset.done $0x0  }
0x56: {  	[sflag:s30] =	ssyncadd.s32 $0xFFFFFFB0  }
0x57: {  	[tilespmem:s3], [sflag:$0x1] =	stream.indirect.gather [hbm4b:s1+s0], $0x80, s14, s0, $0xb8;
	[tilespmem:$0x1D980] =	vst v63  }
0x58: {  	_ =	swait.ge [sflag:s30], $0x2800  }
0x59: {  	[sflag:s30] =	ssyncset.done $0x0  }
0x5a: {  	[sflag:s30] =	ssyncadd.s32 $0xFFFFD800  }
0x5b: {  	[tilespmem:s7], [sflag:$0x1] =	stream.indirect.gather [hbm4b:s1+s0], $0x80, s31, s0, $0xb8;
	[tilespmem:$0x1D980] =	vst v63  }
0x5c: {  	_ =	swait.ge [sflag:s30], $0x2800  }
0x5d: {  	[sflag:s30] =	ssyncset.done $0x0  }
0x5e: {  	s12 =	simm.s32 $0x0;
	[sflag:s30] =	ssyncadd.s32 $0xFFFFD800  }
0x5f: {  	v7 =	vld [tilespmem:s12+$0x2900]  }
0x60: {  	v11 =	vld [tilespmem:s12+$0x2910]  }
0x61: {  	v5 =	vld [tilespmem:s12+$0x2920]  }
0x62: {  	v4 =	vld [tilespmem:s12+$0x2930]  }
0x63: {  	v3 =	vld [tilespmem:s12+$0x2940]  }
0x64: {  	v2 =	vld [tilespmem:s12+$0x2950]  }
0x65: {  	v1 =	vld [tilespmem:s12+$0x2960]  }
0x66: {  	v0 =	vld [tilespmem:s12+$0x2970]  }
0x67: {  	v12 =	vld [tilespmem:s12+$0x100]  }
0x68: {  	v13 =	vld [tilespmem:s12+$0x110]  }
0x69: {  	v10 =	vld [tilespmem:s12+$0x120]  }
0x6a: {  	v9 =	vld [tilespmem:s12+$0x130]  }
0x6b: {  	v8 =	vld [tilespmem:s12+$0x140]  }
0x6c: {  	v6 =	vld [tilespmem:s12+$0x150];
	v12 =	vadd.f32 v7, v12  }
0x6d: {  	s13 =	simm.s32 $0x200;
	v11 =	vadd.f32 v11, v13;
	v7 =	vld [tilespmem:s12+$0x160]  }
.LBB2_3:
0x6e: {  	s14 =	sshra.s32 s13, $0x2;
	p1 =	sne.s32 s13, $0x9E00;
	[tilespmem:s12+$0x100] =	vst v12;
	v5 =	vadd.f32 v5, v10;
	v10 =	vld [tilespmem:s12+$0x170]  }
0x6f: {  	v12 =	vld [tilespmem:s14+$0x2900];
	[tilespmem:s12+$0x110] =	vst v11;
	v4 =	vadd.f32 v4, v9  }
0x70: {  	v11 =	vld [tilespmem:s14+$0x2910];
	[tilespmem:s12+$0x120] =	vst v5;
	v3 =	vadd.f32 v3, v8  }
0x71: {  	v5 =	vld [tilespmem:s14+$0x2920];
	[tilespmem:s12+$0x130] =	vst v4;
	v2 =	vadd.f32 v2, v6  }
0x72: {  	v4 =	vld [tilespmem:s14+$0x2930];
	[tilespmem:s12+$0x140] =	vst v3;
	v1 =	vadd.f32 v1, v7  }
0x73: {  	v3 =	vld [tilespmem:s14+$0x2940];
	[tilespmem:s12+$0x150] =	vst v2;
	v0 =	vadd.f32 v0, v10  }
0x74: {  	v2 =	vld [tilespmem:s14+$0x2950];
	[tilespmem:s12+$0x160] =	vst v1  }
0x75: {  	v1 =	vld [tilespmem:s14+$0x2960];
	[tilespmem:s12+$0x170] =	vst v0;
	s12 =	smov.u32 s14  }
0x76: {  	v0 =	vld [tilespmem:s12+$0x2970]  }
0x77: {  	v6 =	vld [tilespmem:s12+$0x100]  }
0x78: {  	v7 =	vld [tilespmem:s12+$0x110]  }
.Ltmp0:
0x79: {  	v10 =	vld [tilespmem:s12+$0x120];
	(pc) =	sbr.rel @p1 .LBB2_3-.Ltmp0, $4  }
0x7a: {  	v9 =	vld [tilespmem:s12+$0x130]  }
0x7b: {  	v8 =	vld [tilespmem:s12+$0x140]  }
0x7c: {  	v12 =	vadd.f32 v12, v6;
	v6 =	vld [tilespmem:s12+$0x150]  }
0x7d: {  	s13 =	sadd.s32 $0x200, s13;
	v11 =	vadd.f32 v11, v7;
	v7 =	vld [tilespmem:s12+$0x160]  }
0x7e: {  	[tilespmem:s12+$0x100] =	vst v12;
	v5 =	vadd.f32 v5, v10;
	v63 =	vld [tilespmem:s12+$0x170]  }
0x7f: {  	[tilespmem:s12+$0x110] =	vst v11;
	v4 =	vadd.f32 v4, v9  }
0x80: {  	[tilespmem:s12+$0x120] =	vst v5;
	v3 =	vadd.f32 v3, v8  }
0x81: {  	[tilespmem:s12+$0x130] =	vst v4;
	v2 =	vadd.f32 v2, v6  }
0x82: {  	[tilespmem:s12+$0x140] =	vst v3;
	v1 =	vadd.f32 v1, v7  }
0x83: {  	[tilespmem:s12+$0x150] =	vst v2;
	v0 =	vadd.f32 v0, v63  }
0x84: {  	s11 =	sshll.u32 s11, $0x4;
	[tilespmem:s12+$0x160] =	vst v1  }
0x85: {  	s14 =	sadd.s32 s17, s11;
	[tilespmem:s12+$0x170] =	vst v0  }
0x86: {  	[hbm4b:s14+s4] =	stream.linear.scatter [tilespmem:s3], [sflag:$0x1], $0x2800, $0x38;
	[tilespmem:$0x1D980] =	vst v63  }
0x87: {  	_ =	swait.ge [sflag:s30], $0x2800  }
0x88: {  	[sflag:s30] =	ssyncset.done $0x0  }
0x89: {  	s11 =	sadd.s32 s5, s11;
	[sflag:s30] =	ssyncadd.s32 $0xFFFFD800  }
0x8a: {  	[tilespmem:s8], [sflag:$0x1] =	stream.linear.gather [hbm4b:s11+s4], $0x2800, $0x38;
	[tilespmem:$0x1D980] =	vst v63  }
0x8b: {  	s10 =	sadd.s32 $0x1, s10;
	_ =	swait.ge [sflag:s30], $0x2800  }
0x8c: {  	p1 =	sne.s32 s10, $0x7D;
	[sflag:s30] =	ssyncset.done $0x0  }
.Ltmp1:
0x8d: {  	[sflag:s30] =	ssyncadd.s32 $0xFFFFD800;
	(pc) =	sbr.rel @p1 .LBB2_2-.Ltmp1, $4  }
0x8e: {  	[spmem:s2] =	stream.indirect.scatter.add.f32 [tilespmem:s8], [sflag:$0x1], $0x80, s4, s0, $0xb8;
	[tilespmem:$0x1D980] =	vst v63  }
0x8f: {  	_ =	swait.ge [sflag:s30], $0x2800  }
0x90: {  	[sflag:s30] =	ssyncset.done $0x0  }
0x91: {  	[sflag:s30] =	ssyncadd.s32 $0xFFFFD800  }
0x92: {  	[bflag:$0x0] =	sbarrier.arrive $0xFFFF  }
0x93: {  	[tilespmem:s29], [sflag:$0x1] =	stream.linear.gather [spmem:s18], $0x2800, $0x38;
	[tilespmem:$0x1D980] =	vst v63  }
0x94: {  	_ =	swait.ge [sflag:s30], $0x2800  }
0x95: {  	[sflag:s30] =	ssyncset.done $0x0  }
0x96: {  	s10 =	rddreg [dreg:$0x4];
	[sflag:s30] =	ssyncadd.s32 $0xFFFFD800  }
0x97: {  	[hbm4b:s10+s4] =	stream.linear.scatter [tilespmem:s29], [sflag:$0x1], $0x2800, $0x38;
	[tilespmem:$0x1D980] =	vst v63  }
0x98: {  	_ =	swait.ge [sflag:s30], $0x2800  }
0x99: {  	[sflag:s30] =	ssyncset.done $0x0  }
0x9a: {  	[sflag:s30] =	ssyncadd.s32 $0xFFFFD800  }
0x9b: {  	[tilespmem:s29], [sflag:$0x1] =	stream.linear.gather [spmem:s19], $0x2800, $0x38;
	[tilespmem:$0x1D980] =	vst v63  }
0x9c: {  	_ =	swait.ge [sflag:s30], $0x2800  }
0x9d: {  	[sflag:s30] =	ssyncset.done $0x0  }
0x9e: {  	s13 =	rddreg [dreg:$0x5];
	[sflag:s30] =	ssyncadd.s32 $0xFFFFD800  }
0x9f: {  	[hbm4b:s13+s4] =	stream.linear.scatter [tilespmem:s29], [sflag:$0x1], $0x2800, $0x38;
	[tilespmem:$0x1D980] =	vst v63  }
0xa0: {  	_ =	swait.ge [sflag:s30], $0x2800  }
0xa1: {  	[sflag:s30] =	ssyncset.done $0x0  }
0xa2: {  	[sflag:s30] =	ssyncadd.s32 $0xFFFFD800  }
0xa3: {  	[tilespmem:s29], [sflag:$0x1] =	stream.linear.gather [spmem:s20], $0x2800, $0x38;
	[tilespmem:$0x1D980] =	vst v63  }
0xa4: {  	_ =	swait.ge [sflag:s30], $0x2800  }
0xa5: {  	[sflag:s30] =	ssyncset.done $0x0  }
0xa6: {  	s14 =	rddreg [dreg:$0x6];
	[sflag:s30] =	ssyncadd.s32 $0xFFFFD800  }
0xa7: {  	[hbm4b:s14+s4] =	stream.linear.scatter [tilespmem:s29], [sflag:$0x1], $0x2800, $0x38;
	[tilespmem:$0x1D980] =	vst v63  }
0xa8: {  	_ =	swait.ge [sflag:s30], $0x2800  }
0xa9: {  	[sflag:s30] =	ssyncset.done $0x0  }
0xaa: {  	[sflag:s30] =	ssyncadd.s32 $0xFFFFD800  }
0xab: {  	[tilespmem:s29], [sflag:$0x1] =	stream.linear.gather [spmem:s21], $0x2800, $0x38;
	[tilespmem:$0x1D980] =	vst v63  }
0xac: {  	_ =	swait.ge [sflag:s30], $0x2800  }
0xad: {  	[sflag:s30] =	ssyncset.done $0x0  }
0xae: {  	s11 =	rddreg [dreg:$0x7];
	[sflag:s30] =	ssyncadd.s32 $0xFFFFD800  }
0xaf: {  	[hbm4b:s11+s4] =	stream.linear.scatter [tilespmem:s29], [sflag:$0x1], $0x2800, $0x38;
	[tilespmem:$0x1D980] =	vst v63  }
0xb0: {  	_ =	swait.ge [sflag:s30], $0x2800  }
0xb1: {  	[sflag:s30] =	ssyncset.done $0x0  }
0xb2: {  	[sflag:s30] =	ssyncadd.s32 $0xFFFFD800  }
0xb3: {  	[tilespmem:s29], [sflag:$0x1] =	stream.linear.gather [spmem:s22], $0x2800, $0x38;
	[tilespmem:$0x1D980] =	vst v63  }
0xb4: {  	_ =	swait.ge [sflag:s30], $0x2800  }
0xb5: {  	[sflag:s30] =	ssyncset.done $0x0  }
0xb6: {  	s12 =	rddreg [dreg:$0x8];
	[sflag:s30] =	ssyncadd.s32 $0xFFFFD800  }
0xb7: {  	[hbm4b:s12+s4] =	stream.linear.scatter [tilespmem:s29], [sflag:$0x1], $0x2800, $0x38;
	[tilespmem:$0x1D980] =	vst v63  }
0xb8: {  	_ =	swait.ge [sflag:s30], $0x2800  }
0xb9: {  	[sflag:s30] =	ssyncset.done $0x0  }
0xba: {  	[sflag:s30] =	ssyncadd.s32 $0xFFFFD800  }
0xbb: {  	[tilespmem:s29], [sflag:$0x1] =	stream.linear.gather [spmem:s23], $0x2800, $0x38;
	[tilespmem:$0x1D980] =	vst v63  }
0xbc: {  	_ =	swait.ge [sflag:s30], $0x2800  }
0xbd: {  	[sflag:s30] =	ssyncset.done $0x0  }
0xbe: {  	s13 =	rddreg [dreg:$0x9];
	[sflag:s30] =	ssyncadd.s32 $0xFFFFD800  }
0xbf: {  	[hbm4b:s13+s4] =	stream.linear.scatter [tilespmem:s29], [sflag:$0x1], $0x2800, $0x38;
	[tilespmem:$0x1D980] =	vst v63  }
0xc0: {  	_ =	swait.ge [sflag:s30], $0x2800  }
0xc1: {  	[sflag:s30] =	ssyncset.done $0x0  }
0xc2: {  	[sflag:s30] =	ssyncadd.s32 $0xFFFFD800  }
0xc3: {  	[tilespmem:s29], [sflag:$0x1] =	stream.linear.gather [spmem:s24], $0x2800, $0x38;
	[tilespmem:$0x1D980] =	vst v63  }
0xc4: {  	_ =	swait.ge [sflag:s30], $0x2800  }
0xc5: {  	[sflag:s30] =	ssyncset.done $0x0  }
0xc6: {  	s14 =	rddreg [dreg:$0xa];
	[sflag:s30] =	ssyncadd.s32 $0xFFFFD800  }
0xc7: {  	[hbm4b:s14+s4] =	stream.linear.scatter [tilespmem:s29], [sflag:$0x1], $0x2800, $0x38;
	[tilespmem:$0x1D980] =	vst v63  }
0xc8: {  	_ =	swait.ge [sflag:s30], $0x2800  }
0xc9: {  	[sflag:s30] =	ssyncset.done $0x0  }
0xca: {  	s10 =	simm.s32 @!p0 $0x7900;
	s11 =	simm.s32 @!p0 $0x1;
	[sflag:s30] =	ssyncadd.s32 $0xFFFFD800  }
0xcb: {  	[tilespmem:s10], [sflag:$0x1] =	stream.linear.gather @!p0 [spmem:s25], $0x2800, $0x38;
	[tilespmem:$0x1D980] =	vst v63  }
0xcc: {  	s9 =	sadd.s32 $0x1, s9;
	_ =	swait.ge @!p0 [sflag:s11], $0x2800  }
0xcd: {  	p1 =	sne.s32 s9, s28;
	s12 =	simm.s32 @!p0 $0x0;
	[sflag:s11] =	ssyncset.done @!p0 $0x0  }
.Ltmp2:
0xce: {  	s13 =	rddreg [dreg:$0xb];
	[sflag:s11] =	ssyncadd.s32 @!p0 $0xFFFFD800;
	(pc) =	sbr.rel @p1 .LBB2_1-.Ltmp2, $4  }
0xcf: {  	[hbm4b:s13+s12] =	stream.linear.scatter @!p0 [tilespmem:s10], [sflag:$0x1], $0x2800, $0x38;
	[tilespmem:$0x1D980] =	vst v63  }
0xd0: {  	_ =	swait.ge @!p0 [sflag:s11], $0x2800  }
0xd1: {  	[sflag:s11] =	ssyncset.done @!p0 $0x0  }
0xd2: {  	[sflag:s11] =	ssyncadd.s32 @!p0 $0xFFFFD800  }
0xd3: {  	_ =	sfence.sel $0x180000  }
0xd4: {  	[bflag:$0x0] =	sbarrier.arrive $0xFFFF  }
0xd5: {  	_ =	strace $0x90000047  }
0xd6: {  	s0 =	stileid.u32;
	[bflag:$0x2] =	sbarrier.arrive $0xFFFF  }
0xd7: {  	p0 =	sne.s32 s0, $0x0;
	s0 =	rddreg [dreg:$0x3]  }
0xd8: {  	s0 =	sadd.s32 @!p0 $0x100000, s0  }
0xd9: {  	[sflag:s0] =	ssyncadd.tile.s32 @!p0 $0x1;
	_ =	shalt  }
.Lfunc_end2:
_tile_overlayer_lowered:
.L_overlay_start_2:
0xda: {  	(tag) =	ssettag $0x2  }
0xdb: {  	s0 =	rddreg [dreg:$0x0];
	s2 =	stileid.u32  }
0xdc: {  	s1 =	rddreg [dreg:$0x1];
	p0 =	sne.s32 s2, $0x0  }
0xdd: {  	s3 =	rddreg [dreg:$0x2];
	[bflag:$0x3] =	sbarrier.arrive $0xFFFF;
	s2 =	simm.s32 @!p0 $0x1C01  }
0xde: {  	[timem:s3], [sflag:s2] =	dma.local @!p0 [hbm:s0], s1  }
0xdf: {  	s0 =	simm.s32 @!p0 $0x1  }
0xe0: {  	_ =	swait.ge @!p0 [sflag:s0], s1  }
0xe1: {  	s1 =	ssub.s32 @!p0 $0x0, s1;
	[sflag:s0] =	ssyncset.done @!p0 $0x0  }
0xe2: {  	[sflag:s0] =	ssyncadd.s32 @!p0 s1  }
0xe3: {  	[bflag:$0x3] =	sbarrier.arrive $0xFFFF  }
0xe4: {  	_ =	shalt  }

</sc_bundles>
